<compile_context>
chip_gen: v7x
topology: tpu7x:2x2x1
jax: 0.10.2.dev20260603
libtpu: 0.0.44.dev20260713+nightly
codegen_flags: <defaults>
</compile_context>

<pallas_src>
import functools

import jax
import jax.numpy as jnp
from jax import lax
from jax.experimental import pallas as pl
from jax.experimental.pallas import tpu as pltpu
from jax.experimental.pallas import tpu_sc as plsc

B, S, C, D = 1024, 200, 16, 16
V = 1000
NP = S * C
N = NP * B

_info = plsc.get_sparse_core_info()
NC, NS, L = _info.num_cores, _info.num_subcores, _info.num_lanes
NW = NC * NS
PPW = NP // NW
NB = 2
NGRP = B // L

_mesh = plsc.VectorSubcoreMesh(core_axis_name="c", subcore_axis_name="s")


@functools.partial(
    pl.kernel,
    mesh=_mesh,
    out_type=jax.ShapeDtypeStruct((S, C, D, B), jnp.float32),
    scratch_types=(
        [pltpu.VMEM((V * (D + 1),), jnp.float32)]
        + [pltpu.VMEM((B,), jnp.int32) for _ in range(NB)]
        + [pltpu.VMEM((D, B), jnp.float32) for _ in range(NB)]
        + [pltpu.SemaphoreType.DMA] * (2 * NB)
    ),
    compiler_params=pltpu.CompilerParams(
        needs_layout_passes=False, disable_bounds_checks=True
    ),
)
def _emb_lookup(idx_hbm, tab_hbm, out_hbm, tab_v, idx_v0, idx_v1, out_v0,
                out_v1, sem_i0, sem_i1, sem_o0, sem_o1):
    idx_v = (idx_v0, idx_v1)
    out_v = (out_v0, out_v1)
    sem_i = (sem_i0, sem_i1)
    sem_o = (sem_o0, sem_o1)
    wid = lax.axis_index("s") * NC + lax.axis_index("c")
    pbase = wid * PPW

    pltpu.sync_copy(tab_hbm, tab_v)

    def idx_copy(p, b):
        return pltpu.make_async_copy(
            idx_hbm.at[pl.ds(p * B, B)], idx_v[b], sem_i[b]
        )

    def out_copy(p, b):
        s = p // C
        c = p - s * C
        return pltpu.make_async_copy(out_v[b], out_hbm.at[s, c], sem_o[b])

    def compute(b):
        @plsc.parallel_loop(0, NGRP, unroll=4)
        def grp(g):
            v = idx_v[b][pl.ds(g * L, L)] * (D + 1)
            for d in range(D):
                out_v[b][d, pl.ds(g * L, L)] = plsc.load_gather(tab_v, [v + d])

    for b in range(NB):
        idx_copy(pbase + b, b).start()
    for b in range(NB):
        idx_copy(pbase + b, b).wait()
        compute(b)
        out_copy(pbase + b, b).start()
        idx_copy(pbase + NB + b, b).start()

    def body(k, carry):
        for b in range(NB):
            p = pbase + (k + 1) * NB + b
            idx_copy(p, b).wait()
            out_copy(p - NB, b).wait()
            compute(b)
            out_copy(p, b).start()
            pnext = jnp.minimum(p + NB, pbase + PPW - 1)
            idx_copy(pnext, b).start()
        return carry

    lax.fori_loop(0, PPW // NB - 1, body, 0)

    for b in range(NB):
        idx_copy(pbase + PPW - 1, b).wait()
        out_copy(pbase + PPW - NB + b, b).wait()


def kernel(inputs, table):
    idx_t = jnp.transpose(inputs, (1, 2, 0)).reshape(N)
    tab_flat = jnp.pad(table, ((0, 0), (0, 1))).reshape(V * (D + 1))
    out = _emb_lookup(idx_t, tab_flat)
    return jnp.transpose(out, (3, 0, 1, 2))

# --- scband reference (transcript-rebuilt; emitter-appended) ---
"""Pipeline reference for scband-char-embedding-76922864271814 (READ-ONLY COPY).

The authoritative reference and input builder live on the scoring server;
editing this copy changes nothing except your own understanding.
"""

import jax, jax.numpy as jnp
import numpy as np

INPUT_DIM = 1000
OUTPUT_DIM = 16
BATCH = 1024
SEQ = 200
CHAR_LEN = 16


def setup_inputs(seed: int = 0) -> dict:
    key = jax.random.key(seed)
    k1, k2 = jax.random.split(key)
    inputs = jax.random.randint(k1, (BATCH, SEQ, CHAR_LEN), 0, INPUT_DIM, dtype=jnp.int64 if jax.config.jax_enable_x64 else jnp.int32)
    table = jax.random.normal(k2, (INPUT_DIM, OUTPUT_DIM), dtype=jnp.float32) * 0.05
    return {"inputs": inputs, "table": table}


def reference(inputs, table):
    # TimeDistributed(Embedding) over [B, S, C] is just a plain embedding lookup
    # broadcast over leading dims: output [B, S, C, D]
    return jnp.take(table, inputs, axis=0)

if __name__ == "__main__":
    import jax
    _d = setup_inputs()
    print(jax.jit(kernel)(*tuple(_d.values())))

</pallas_src>

<mosaic_0001>
#map = affine_map<(d0, d1) -> (0)>
#map1 = affine_map<(d0, d1) -> (0, 0, 0, 0)>
module attributes {stable_mosaic.version = 14 : i64} {
  func.func @_emb_lookup(%arg0: i32, %arg1: i32, %arg2: memref<3276800xi32, #tpu.memory_space<hbm>>, %arg3: memref<17000xf32, #tpu.memory_space<hbm>>, %arg4: memref<200x16x16x1024xf32, #tpu.memory_space<hbm>>, %arg5: memref<17000xf32, #tpu.memory_space<vmem>>, %arg6: memref<1024xi32, #tpu.memory_space<vmem>>, %arg7: memref<1024xi32, #tpu.memory_space<vmem>>, %arg8: memref<16x1024xf32, #tpu.memory_space<vmem>>, %arg9: memref<16x1024xf32, #tpu.memory_space<vmem>>, %arg10: memref<!tpu.dma_semaphore, #tpu.memory_space<semaphore_mem>>, %arg11: memref<!tpu.dma_semaphore, #tpu.memory_space<semaphore_mem>>, %arg12: memref<!tpu.dma_semaphore, #tpu.memory_space<semaphore_mem>>, %arg13: memref<!tpu.dma_semaphore, #tpu.memory_space<semaphore_mem>>) attributes {dimension_semantics = [#tpu.dimension_semantics<core_parallel>, #tpu.dimension_semantics<subcore_parallel>], iteration_bounds = array<i64: 2, 16>, scalar_prefetch = 0 : i64, scratch_operands = 9 : i64, tpu.core_type = #tpu.core_type<sc_vector_subcore>, window_params = [{transform_indices = #map}, {transform_indices = #map}, {transform_indices = #map1}]} {
    %mul3A = arith.constant 2 : i32
    %mul3A_0 = arith.muli %arg1, %mul3A : i32
    %add3A = arith.addi %mul3A_0, %arg0 : i32
    %mul3A_1 = arith.constant 100 : i32
    %mul3A_2 = arith.muli %add3A, %mul3A_1 : i32
    "tpu.region"() ({
      %run_scoped3A = tpu.sem_alloc : memref<!tpu.dma_semaphore, #tpu.memory_space<semaphore_mem>>
      tpu.enqueue_dma source(%arg3 : memref<17000xf32, #tpu.memory_space<hbm>>) target(%arg5 : memref<17000xf32, #tpu.memory_space<vmem>>) target_semaphore(%run_scoped3A : memref<!tpu.dma_semaphore, #tpu.memory_space<semaphore_mem>>)
      tpu.wait_dma2 semaphore(%run_scoped3A : memref<!tpu.dma_semaphore, #tpu.memory_space<semaphore_mem>>) src(%arg3 : memref<17000xf32, #tpu.memory_space<hbm>>) dst(%arg5 : memref<17000xf32, #tpu.memory_space<vmem>>)
      tpu.yield
    }) : () -> ()
    %add3A_3 = arith.constant 0 : i32
    %add3A_4 = arith.addi %mul3A_2, %add3A_3 : i32
    %mul3A_5 = arith.constant 1024 : i32
    %mul3A_6 = arith.muli %add3A_4, %mul3A_5 : i32
    %dma_start3A = tpu.memref_slice %arg2[%mul3A_6] : memref<3276800xi32, #tpu.memory_space<hbm>> -> memref<1024xi32, #tpu.memory_space<hbm>>
    %dma_start3A_7 = tpu.memref_slice %arg2[%mul3A_6] : memref<3276800xi32, #tpu.memory_space<hbm>> -> memref<1024xi32, #tpu.memory_space<hbm>>
    tpu.enqueue_dma source(%dma_start3A_7 : memref<1024xi32, #tpu.memory_space<hbm>>) target(%arg6 : memref<1024xi32, #tpu.memory_space<vmem>>) target_semaphore(%arg10 : memref<!tpu.dma_semaphore, #tpu.memory_space<semaphore_mem>>)
    %add3A_8 = arith.constant 1 : i32
    %add3A_9 = arith.addi %mul3A_2, %add3A_8 : i32
    %mul3A_10 = arith.constant 1024 : i32
    %mul3A_11 = arith.muli %add3A_9, %mul3A_10 : i32
    %dma_start3A_12 = tpu.memref_slice %arg2[%mul3A_11] : memref<3276800xi32, #tpu.memory_space<hbm>> -> memref<1024xi32, #tpu.memory_space<hbm>>
    %dma_start3A_13 = tpu.memref_slice %arg2[%mul3A_11] : memref<3276800xi32, #tpu.memory_space<hbm>> -> memref<1024xi32, #tpu.memory_space<hbm>>
    tpu.enqueue_dma source(%dma_start3A_13 : memref<1024xi32, #tpu.memory_space<hbm>>) target(%arg7 : memref<1024xi32, #tpu.memory_space<vmem>>) target_semaphore(%arg11 : memref<!tpu.dma_semaphore, #tpu.memory_space<semaphore_mem>>)
    %add3A_14 = arith.constant 0 : i32
    %add3A_15 = arith.addi %mul3A_2, %add3A_14 : i32
    %mul3A_16 = arith.constant 1024 : i32
    %mul3A_17 = arith.muli %add3A_15, %mul3A_16 : i32
    %dma_wait3A = tpu.memref_slice %arg2[%mul3A_17] : memref<3276800xi32, #tpu.memory_space<hbm>> -> memref<1024xi32, #tpu.memory_space<hbm>>
    %dma_wait3A_18 = tpu.memref_slice %arg2[%mul3A_17] : memref<3276800xi32, #tpu.memory_space<hbm>> -> memref<1024xi32, #tpu.memory_space<hbm>>
    tpu.wait_dma2 semaphore(%arg10 : memref<!tpu.dma_semaphore, #tpu.memory_space<semaphore_mem>>) src(%dma_wait3A_18 : memref<1024xi32, #tpu.memory_space<hbm>>) dst(%arg6 : memref<1024xi32, #tpu.memory_space<vmem>>)
    %parallel_loop3A = arith.constant 0 : i32
    %parallel_loop3A_19 = arith.constant 64 : i32
    %parallel_loop3A_20 = arith.constant 1 : i32
    scf.for %parallel_loop3A_215 = %parallel_loop3A to %parallel_loop3A_19 step %parallel_loop3A_20  : i32 {
      %parallel_loop3A_216 = arith.constant 16 : i32
      %parallel_loop3A_217 = arith.muli %parallel_loop3A_215, %parallel_loop3A_216 : i32
      %parallel_loop3A_218 = arith.index_cast %parallel_loop3A_217 : i32 to index
      %parallel_loop3A_219 = tpu.vector_load %arg6[%parallel_loop3A_218] {strides = array<i32>} : memref<1024xi32, #tpu.memory_space<vmem>>, vector<16xi32>,
      %parallel_loop3A_220 = arith.constant 17 : i32
      %parallel_loop3A_221 = vector.broadcast %parallel_loop3A_220 : i32 to vector<16xi32>
      %parallel_loop3A_222 = arith.muli %parallel_loop3A_219, %parallel_loop3A_221 : vector<16xi32>
      %parallel_loop3A_223 = arith.constant 0 : i32
      %parallel_loop3A_224 = vector.broadcast %parallel_loop3A_223 : i32 to vector<16xi32>
      %parallel_loop3A_225 = arith.addi %parallel_loop3A_222, %parallel_loop3A_224 : vector<16xi32>
      %parallel_loop3A_226 = tpu.vector_load_idx %arg5[%parallel_loop3A_225] : memref<17000xf32, #tpu.memory_space<vmem>>[vector<16xi32>], vector<16xf32>,
      %parallel_loop3A_227 = arith.constant 16 : i32
      %parallel_loop3A_228 = arith.muli %parallel_loop3A_215, %parallel_loop3A_227 : i32
      %parallel_loop3A_229 = arith.constant 0 : i32
      %parallel_loop3A_230 = arith.index_cast %parallel_loop3A_229 : i32 to index
      %parallel_loop3A_231 = arith.index_cast %parallel_loop3A_228 : i32 to index
      %parallel_loop3A_232 = tpu.vector_load %arg8[%parallel_loop3A_230, %parallel_loop3A_231] {strides = array<i32>} : memref<16x1024xf32, #tpu.memory_space<vmem>>, vector<16xf32>,
      tpu.vector_store %arg8[%parallel_loop3A_230, %parallel_loop3A_231], %parallel_loop3A_226 {strides = array<i32>} : memref<16x1024xf32, #tpu.memory_space<vmem>>, vector<16xf32>,
      %parallel_loop3A_233 = arith.constant 1 : i32
      %parallel_loop3A_234 = vector.broadcast %parallel_loop3A_233 : i32 to vector<16xi32>
      %parallel_loop3A_235 = arith.addi %parallel_loop3A_222, %parallel_loop3A_234 : vector<16xi32>
      %parallel_loop3A_236 = tpu.vector_load_idx %arg5[%parallel_loop3A_235] : memref<17000xf32, #tpu.memory_space<vmem>>[vector<16xi32>], vector<16xf32>,
      %parallel_loop3A_237 = arith.constant 16 : i32
      %parallel_loop3A_238 = arith.muli %parallel_loop3A_215, %parallel_loop3A_237 : i32
      %parallel_loop3A_239 = arith.constant 1 : i32
      %parallel_loop3A_240 = arith.index_cast %parallel_loop3A_239 : i32 to index
      %parallel_loop3A_241 = arith.index_cast %parallel_loop3A_238 : i32 to index
      %parallel_loop3A_242 = tpu.vector_load %arg8[%parallel_loop3A_240, %parallel_loop3A_241] {strides = array<i32>} : memref<16x1024xf32, #tpu.memory_space<vmem>>, vector<16xf32>,
      tpu.vector_store %arg8[%parallel_loop3A_240, %parallel_loop3A_241], %parallel_loop3A_236 {strides = array<i32>} : memref<16x1024xf32, #tpu.memory_space<vmem>>, vector<16xf32>,
      %parallel_loop3A_243 = arith.constant 2 : i32
      %parallel_loop3A_244 = vector.broadcast %parallel_loop3A_243 : i32 to vector<16xi32>
      %parallel_loop3A_245 = arith.addi %parallel_loop3A_222, %parallel_loop3A_244 : vector<16xi32>
      %parallel_loop3A_246 = tpu.vector_load_idx %arg5[%parallel_loop3A_245] : memref<17000xf32, #tpu.memory_space<vmem>>[vector<16xi32>], vector<16xf32>,
      %parallel_loop3A_247 = arith.constant 16 : i32
      %parallel_loop3A_248 = arith.muli %parallel_loop3A_215, %parallel_loop3A_247 : i32
      %parallel_loop3A_249 = arith.constant 2 : i32
      %parallel_loop3A_250 = arith.index_cast %parallel_loop3A_249 : i32 to index
      %parallel_loop3A_251 = arith.index_cast %parallel_loop3A_248 : i32 to index
      %parallel_loop3A_252 = tpu.vector_load %arg8[%parallel_loop3A_250, %parallel_loop3A_251] {strides = array<i32>} : memref<16x1024xf32, #tpu.memory_space<vmem>>, vector<16xf32>,
      tpu.vector_store %arg8[%parallel_loop3A_250, %parallel_loop3A_251], %parallel_loop3A_246 {strides = array<i32>} : memref<16x1024xf32, #tpu.memory_space<vmem>>, vector<16xf32>,
      %parallel_loop3A_253 = arith.constant 3 : i32
      %parallel_loop3A_254 = vector.broadcast %parallel_loop3A_253 : i32 to vector<16xi32>
      %parallel_loop3A_255 = arith.addi %parallel_loop3A_222, %parallel_loop3A_254 : vector<16xi32>
      %parallel_loop3A_256 = tpu.vector_load_idx %arg5[%parallel_loop3A_255] : memref<17000xf32, #tpu.memory_space<vmem>>[vector<16xi32>], vector<16xf32>,
      %parallel_loop3A_257 = arith.constant 16 : i32
      %parallel_loop3A_258 = arith.muli %parallel_loop3A_215, %parallel_loop3A_257 : i32
      %parallel_loop3A_259 = arith.constant 3 : i32
      %parallel_loop3A_260 = arith.index_cast %parallel_loop3A_259 : i32 to index
      %parallel_loop3A_261 = arith.index_cast %parallel_loop3A_258 : i32 to index
      %parallel_loop3A_262 = tpu.vector_load %arg8[%parallel_loop3A_260, %parallel_loop3A_261] {strides = array<i32>} : memref<16x1024xf32, #tpu.memory_space<vmem>>, vector<16xf32>,
      tpu.vector_store %arg8[%parallel_loop3A_260, %parallel_loop3A_261], %parallel_loop3A_256 {strides = array<i32>} : memref<16x1024xf32, #tpu.memory_space<vmem>>, vector<16xf32>,
      %parallel_loop3A_263 = arith.constant 4 : i32
      %parallel_loop3A_264 = vector.broadcast %parallel_loop3A_263 : i32 to vector<16xi32>
      %parallel_loop3A_265 = arith.addi %parallel_loop3A_222, %parallel_loop3A_264 : vector<16xi32>
      %parallel_loop3A_266 = tpu.vector_load_idx %arg5[%parallel_loop3A_265] : memref<17000xf32, #tpu.memory_space<vmem>>[vector<16xi32>], vector<16xf32>,
      %parallel_loop3A_267 = arith.constant 16 : i32
      %parallel_loop3A_268 = arith.muli %parallel_loop3A_215, %parallel_loop3A_267 : i32
      %parallel_loop3A_269 = arith.constant 4 : i32
      %parallel_loop3A_270 = arith.index_cast %parallel_loop3A_269 : i32 to index
      %parallel_loop3A_271 = arith.index_cast %parallel_loop3A_268 : i32 to index
      %parallel_loop3A_272 = tpu.vector_load %arg8[%parallel_loop3A_270, %parallel_loop3A_271] {strides = array<i32>} : memref<16x1024xf32, #tpu.memory_space<vmem>>, vector<16xf32>,
      tpu.vector_store %arg8[%parallel_loop3A_270, %parallel_loop3A_271], %parallel_loop3A_266 {strides = array<i32>} : memref<16x1024xf32, #tpu.memory_space<vmem>>, vector<16xf32>,
      %parallel_loop3A_273 = arith.constant 5 : i32
      %parallel_loop3A_274 = vector.broadcast %parallel_loop3A_273 : i32 to vector<16xi32>
      %parallel_loop3A_275 = arith.addi %parallel_loop3A_222, %parallel_loop3A_274 : vector<16xi32>
      %parallel_loop3A_276 = tpu.vector_load_idx %arg5[%parallel_loop3A_275] : memref<17000xf32, #tpu.memory_space<vmem>>[vector<16xi32>], vector<16xf32>,
      %parallel_loop3A_277 = arith.constant 16 : i32
      %parallel_loop3A_278 = arith.muli %parallel_loop3A_215, %parallel_loop3A_277 : i32
      %parallel_loop3A_279 = arith.constant 5 : i32
      %parallel_loop3A_280 = arith.index_cast %parallel_loop3A_279 : i32 to index
      %parallel_loop3A_281 = arith.index_cast %parallel_loop3A_278 : i32 to index
      %parallel_loop3A_282 = tpu.vector_load %arg8[%parallel_loop3A_280, %parallel_loop3A_281] {strides = array<i32>} : memref<16x1024xf32, #tpu.memory_space<vmem>>, vector<16xf32>,
      tpu.vector_store %arg8[%parallel_loop3A_280, %parallel_loop3A_281], %parallel_loop3A_276 {strides = array<i32>} : memref<16x1024xf32, #tpu.memory_space<vmem>>, vector<16xf32>,
      %parallel_loop3A_283 = arith.constant 6 : i32
      %parallel_loop3A_284 = vector.broadcast %parallel_loop3A_283 : i32 to vector<16xi32>
      %parallel_loop3A_285 = arith.addi %parallel_loop3A_222, %parallel_loop3A_284 : vector<16xi32>
      %parallel_loop3A_286 = tpu.vector_load_idx %arg5[%parallel_loop3A_285] : memref<17000xf32, #tpu.memory_space<vmem>>[vector<16xi32>], vector<16xf32>,
      %parallel_loop3A_287 = arith.constant 16 : i32
      %parallel_loop3A_288 = arith.muli %parallel_loop3A_215, %parallel_loop3A_287 : i32
      %parallel_loop3A_289 = arith.constant 6 : i32
      %parallel_loop3A_290 = arith.index_cast %parallel_loop3A_289 : i32 to index
      %parallel_loop3A_291 = arith.index_cast %parallel_loop3A_288 : i32 to index
      %parallel_loop3A_292 = tpu.vector_load %arg8[%parallel_loop3A_290, %parallel_loop3A_291] {strides = array<i32>} : memref<16x1024xf32, #tpu.memory_space<vmem>>, vector<16xf32>,
      tpu.vector_store %arg8[%parallel_loop3A_290, %parallel_loop3A_291], %parallel_loop3A_286 {strides = array<i32>} : memref<16x1024xf32, #tpu.memory_space<vmem>>, vector<16xf32>,
      %parallel_loop3A_293 = arith.constant 7 : i32
      %parallel_loop3A_294 = vector.broadcast %parallel_loop3A_293 : i32 to vector<16xi32>
      %parallel_loop3A_295 = arith.addi %parallel_loop3A_222, %parallel_loop3A_294 : vector<16xi32>
      %parallel_loop3A_296 = tpu.vector_load_idx %arg5[%parallel_loop3A_295] : memref<17000xf32, #tpu.memory_space<vmem>>[vector<16xi32>], vector<16xf32>,
      %parallel_loop3A_297 = arith.constant 16 : i32
      %parallel_loop3A_298 = arith.muli %parallel_loop3A_215, %parallel_loop3A_297 : i32
      %parallel_loop3A_299 = arith.constant 7 : i32
      %parallel_loop3A_300 = arith.index_cast %parallel_loop3A_299 : i32 to index
      %parallel_loop3A_301 = arith.index_cast %parallel_loop3A_298 : i32 to index
      %parallel_loop3A_302 = tpu.vector_load %arg8[%parallel_loop3A_300, %parallel_loop3A_301] {strides = array<i32>} : memref<16x1024xf32, #tpu.memory_space<vmem>>, vector<16xf32>,
      tpu.vector_store %arg8[%parallel_loop3A_300, %parallel_loop3A_301], %parallel_loop3A_296 {strides = array<i32>} : memref<16x1024xf32, #tpu.memory_space<vmem>>, vector<16xf32>,
      %parallel_loop3A_303 = arith.constant 8 : i32
      %parallel_loop3A_304 = vector.broadcast %parallel_loop3A_303 : i32 to vector<16xi32>
      %parallel_loop3A_305 = arith.addi %parallel_loop3A_222, %parallel_loop3A_304 : vector<16xi32>
      %parallel_loop3A_306 = tpu.vector_load_idx %arg5[%parallel_loop3A_305] : memref<17000xf32, #tpu.memory_space<vmem>>[vector<16xi32>], vector<16xf32>,
      %parallel_loop3A_307 = arith.constant 16 : i32
      %parallel_loop3A_308 = arith.muli %parallel_loop3A_215, %parallel_loop3A_307 : i32
      %parallel_loop3A_309 = arith.constant 8 : i32
      %parallel_loop3A_310 = arith.index_cast %parallel_loop3A_309 : i32 to index
      %parallel_loop3A_311 = arith.index_cast %parallel_loop3A_308 : i32 to index
      %parallel_loop3A_312 = tpu.vector_load %arg8[%parallel_loop3A_310, %parallel_loop3A_311] {strides = array<i32>} : memref<16x1024xf32, #tpu.memory_space<vmem>>, vector<16xf32>,
      tpu.vector_store %arg8[%parallel_loop3A_310, %parallel_loop3A_311], %parallel_loop3A_306 {strides = array<i32>} : memref<16x1024xf32, #tpu.memory_space<vmem>>, vector<16xf32>,
      %parallel_loop3A_313 = arith.constant 9 : i32
      %parallel_loop3A_314 = vector.broadcast %parallel_loop3A_313 : i32 to vector<16xi32>
      %parallel_loop3A_315 = arith.addi %parallel_loop3A_222, %parallel_loop3A_314 : vector<16xi32>
      %parallel_loop3A_316 = tpu.vector_load_idx %arg5[%parallel_loop3A_315] : memref<17000xf32, #tpu.memory_space<vmem>>[vector<16xi32>], vector<16xf32>,
      %parallel_loop3A_317 = arith.constant 16 : i32
      %parallel_loop3A_318 = arith.muli %parallel_loop3A_215, %parallel_loop3A_317 : i32
      %parallel_loop3A_319 = arith.constant 9 : i32
      %parallel_loop3A_320 = arith.index_cast %parallel_loop3A_319 : i32 to index
      %parallel_loop3A_321 = arith.index_cast %parallel_loop3A_318 : i32 to index
      %parallel_loop3A_322 = tpu.vector_load %arg8[%parallel_loop3A_320, %parallel_loop3A_321] {strides = array<i32>} : memref<16x1024xf32, #tpu.memory_space<vmem>>, vector<16xf32>,
      tpu.vector_store %arg8[%parallel_loop3A_320, %parallel_loop3A_321], %parallel_loop3A_316 {strides = array<i32>} : memref<16x1024xf32, #tpu.memory_space<vmem>>, vector<16xf32>,
      %parallel_loop3A_323 = arith.constant 10 : i32
      %parallel_loop3A_324 = vector.broadcast %parallel_loop3A_323 : i32 to vector<16xi32>
      %parallel_loop3A_325 = arith.addi %parallel_loop3A_222, %parallel_loop3A_324 : vector<16xi32>
      %parallel_loop3A_326 = tpu.vector_load_idx %arg5[%parallel_loop3A_325] : memref<17000xf32, #tpu.memory_space<vmem>>[vector<16xi32>], vector<16xf32>,
      %parallel_loop3A_327 = arith.constant 16 : i32
      %parallel_loop3A_328 = arith.muli %parallel_loop3A_215, %parallel_loop3A_327 : i32
      %parallel_loop3A_329 = arith.constant 10 : i32
      %parallel_loop3A_330 = arith.index_cast %parallel_loop3A_329 : i32 to index
      %parallel_loop3A_331 = arith.index_cast %parallel_loop3A_328 : i32 to index
      %parallel_loop3A_332 = tpu.vector_load %arg8[%parallel_loop3A_330, %parallel_loop3A_331] {strides = array<i32>} : memref<16x1024xf32, #tpu.memory_space<vmem>>, vector<16xf32>,
      tpu.vector_store %arg8[%parallel_loop3A_330, %parallel_loop3A_331], %parallel_loop3A_326 {strides = array<i32>} : memref<16x1024xf32, #tpu.memory_space<vmem>>, vector<16xf32>,
      %parallel_loop3A_333 = arith.constant 11 : i32
      %parallel_loop3A_334 = vector.broadcast %parallel_loop3A_333 : i32 to vector<16xi32>
      %parallel_loop3A_335 = arith.addi %parallel_loop3A_222, %parallel_loop3A_334 : vector<16xi32>
      %parallel_loop3A_336 = tpu.vector_load_idx %arg5[%parallel_loop3A_335] : memref<17000xf32, #tpu.memory_space<vmem>>[vector<16xi32>], vector<16xf32>,
      %parallel_loop3A_337 = arith.constant 16 : i32
      %parallel_loop3A_338 = arith.muli %parallel_loop3A_215, %parallel_loop3A_337 : i32
      %parallel_loop3A_339 = arith.constant 11 : i32
      %parallel_loop3A_340 = arith.index_cast %parallel_loop3A_339 : i32 to index
      %parallel_loop3A_341 = arith.index_cast %parallel_loop3A_338 : i32 to index
      %parallel_loop3A_342 = tpu.vector_load %arg8[%parallel_loop3A_340, %parallel_loop3A_341] {strides = array<i32>} : memref<16x1024xf32, #tpu.memory_space<vmem>>, vector<16xf32>,
      tpu.vector_store %arg8[%parallel_loop3A_340, %parallel_loop3A_341], %parallel_loop3A_336 {strides = array<i32>} : memref<16x1024xf32, #tpu.memory_space<vmem>>, vector<16xf32>,
      %parallel_loop3A_343 = arith.constant 12 : i32
      %parallel_loop3A_344 = vector.broadcast %parallel_loop3A_343 : i32 to vector<16xi32>
      %parallel_loop3A_345 = arith.addi %parallel_loop3A_222, %parallel_loop3A_344 : vector<16xi32>
      %parallel_loop3A_346 = tpu.vector_load_idx %arg5[%parallel_loop3A_345] : memref<17000xf32, #tpu.memory_space<vmem>>[vector<16xi32>], vector<16xf32>,
      %parallel_loop3A_347 = arith.constant 16 : i32
      %parallel_loop3A_348 = arith.muli %parallel_loop3A_215, %parallel_loop3A_347 : i32
      %parallel_loop3A_349 = arith.constant 12 : i32
      %parallel_loop3A_350 = arith.index_cast %parallel_loop3A_349 : i32 to index
      %parallel_loop3A_351 = arith.index_cast %parallel_loop3A_348 : i32 to index
      %parallel_loop3A_352 = tpu.vector_load %arg8[%parallel_loop3A_350, %parallel_loop3A_351] {strides = array<i32>} : memref<16x1024xf32, #tpu.memory_space<vmem>>, vector<16xf32>,
      tpu.vector_store %arg8[%parallel_loop3A_350, %parallel_loop3A_351], %parallel_loop3A_346 {strides = array<i32>} : memref<16x1024xf32, #tpu.memory_space<vmem>>, vector<16xf32>,
      %parallel_loop3A_353 = arith.constant 13 : i32
      %parallel_loop3A_354 = vector.broadcast %parallel_loop3A_353 : i32 to vector<16xi32>
      %parallel_loop3A_355 = arith.addi %parallel_loop3A_222, %parallel_loop3A_354 : vector<16xi32>
      %parallel_loop3A_356 = tpu.vector_load_idx %arg5[%parallel_loop3A_355] : memref<17000xf32, #tpu.memory_space<vmem>>[vector<16xi32>], vector<16xf32>,
      %parallel_loop3A_357 = arith.constant 16 : i32
      %parallel_loop3A_358 = arith.muli %parallel_loop3A_215, %parallel_loop3A_357 : i32
      %parallel_loop3A_359 = arith.constant 13 : i32
      %parallel_loop3A_360 = arith.index_cast %parallel_loop3A_359 : i32 to index
      %parallel_loop3A_361 = arith.index_cast %parallel_loop3A_358 : i32 to index
      %parallel_loop3A_362 = tpu.vector_load %arg8[%parallel_loop3A_360, %parallel_loop3A_361] {strides = array<i32>} : memref<16x1024xf32, #tpu.memory_space<vmem>>, vector<16xf32>,
      tpu.vector_store %arg8[%parallel_loop3A_360, %parallel_loop3A_361], %parallel_loop3A_356 {strides = array<i32>} : memref<16x1024xf32, #tpu.memory_space<vmem>>, vector<16xf32>,
      %parallel_loop3A_363 = arith.constant 14 : i32
      %parallel_loop3A_364 = vector.broadcast %parallel_loop3A_363 : i32 to vector<16xi32>
      %parallel_loop3A_365 = arith.addi %parallel_loop3A_222, %parallel_loop3A_364 : vector<16xi32>
      %parallel_loop3A_366 = tpu.vector_load_idx %arg5[%parallel_loop3A_365] : memref<17000xf32, #tpu.memory_space<vmem>>[vector<16xi32>], vector<16xf32>,
      %parallel_loop3A_367 = arith.constant 16 : i32
      %parallel_loop3A_368 = arith.muli %parallel_loop3A_215, %parallel_loop3A_367 : i32
      %parallel_loop3A_369 = arith.constant 14 : i32
      %parallel_loop3A_370 = arith.index_cast %parallel_loop3A_369 : i32 to index
      %parallel_loop3A_371 = arith.index_cast %parallel_loop3A_368 : i32 to index
      %parallel_loop3A_372 = tpu.vector_load %arg8[%parallel_loop3A_370, %parallel_loop3A_371] {strides = array<i32>} : memref<16x1024xf32, #tpu.memory_space<vmem>>, vector<16xf32>,
      tpu.vector_store %arg8[%parallel_loop3A_370, %parallel_loop3A_371], %parallel_loop3A_366 {strides = array<i32>} : memref<16x1024xf32, #tpu.memory_space<vmem>>, vector<16xf32>,
      %parallel_loop3A_373 = arith.constant 15 : i32
      %parallel_loop3A_374 = vector.broadcast %parallel_loop3A_373 : i32 to vector<16xi32>
      %parallel_loop3A_375 = arith.addi %parallel_loop3A_222, %parallel_loop3A_374 : vector<16xi32>
      %parallel_loop3A_376 = tpu.vector_load_idx %arg5[%parallel_loop3A_375] : memref<17000xf32, #tpu.memory_space<vmem>>[vector<16xi32>], vector<16xf32>,
      %parallel_loop3A_377 = arith.constant 16 : i32
      %parallel_loop3A_378 = arith.muli %parallel_loop3A_215, %parallel_loop3A_377 : i32
      %parallel_loop3A_379 = arith.constant 15 : i32
      %parallel_loop3A_380 = arith.index_cast %parallel_loop3A_379 : i32 to index
      %parallel_loop3A_381 = arith.index_cast %parallel_loop3A_378 : i32 to index
      %parallel_loop3A_382 = tpu.vector_load %arg8[%parallel_loop3A_380, %parallel_loop3A_381] {strides = array<i32>} : memref<16x1024xf32, #tpu.memory_space<vmem>>, vector<16xf32>,
      tpu.vector_store %arg8[%parallel_loop3A_380, %parallel_loop3A_381], %parallel_loop3A_376 {strides = array<i32>} : memref<16x1024xf32, #tpu.memory_space<vmem>>, vector<16xf32>,
    } {sc.loop_unroll_factor = 4 : i64, sc.parallel_access}
    %add3A_21 = arith.constant 0 : i32
    %add3A_22 = arith.addi %mul3A_2, %add3A_21 : i32
    %jit3A = arith.constant 16 : i32
    %div3A = arith.divsi %add3A_22, %jit3A : i32
    %sign3A = arith.constant 0 : i32
    %sign3A_23 = arith.cmpi sgt, %add3A_22, %sign3A : i32
    %sign3A_24 = arith.extui %sign3A_23 : i1 to i32
    %sign3A_25 = arith.constant 0 : i32
    %sign3A_26 = arith.cmpi slt, %add3A_22, %sign3A_25 : i32
    %sign3A_27 = arith.extui %sign3A_26 : i1 to i32
    %sign3A_28 = arith.subi %sign3A_24, %sign3A_27 : i32
    %sign3A_29 = arith.constant 0 : i32
    %sign3A_30 = arith.cmpi sgt, %jit3A, %sign3A_29 : i32
    %sign3A_31 = arith.extui %sign3A_30 : i1 to i32
    %sign3A_32 = arith.constant 0 : i32
    %sign3A_33 = arith.cmpi slt, %jit3A, %sign3A_32 : i32
    %sign3A_34 = arith.extui %sign3A_33 : i1 to i32
    %sign3A_35 = arith.subi %sign3A_31, %sign3A_34 : i32
    %ne3A = arith.cmpi ne, %sign3A_28, %sign3A_35 : i32
    %rem3A = arith.remsi %add3A_22, %jit3A : i32
    %ne3A_36 = arith.constant 0 : i32
    %ne3A_37 = arith.cmpi ne, %rem3A, %ne3A_36 : i32
    %and3A = arith.andi %ne3A, %ne3A_37 : i1
    %sub3A = arith.constant 1 : i32
    %sub3A_38 = arith.subi %div3A, %sub3A : i32
    %select_n3A = arith.select %and3A, %sub3A_38, %div3A : i32
    %mul3A_39 = arith.constant 16 : i32
    %mul3A_40 = arith.muli %select_n3A, %mul3A_39 : i32
    %sub3A_41 = arith.subi %add3A_22, %mul3A_40 : i32
    %dma_start3A_42 = arith.constant 0 : i32
    %dma_start3A_43 = arith.constant 0 : i32
    %dma_start3A_44 = tpu.memref_slice %arg4[%select_n3A, %sub3A_41, %dma_start3A_42, %dma_start3A_43] : memref<200x16x16x1024xf32, #tpu.memory_space<hbm>> -> memref<1x1x16x1024xf32, #tpu.memory_space<hbm>>
    %dma_start3A_45 = tpu.memref_squeeze %dma_start3A_44 : memref<1x1x16x1024xf32, #tpu.memory_space<hbm>> -> memref<16x1024xf32, #tpu.memory_space<hbm>>
    %dma_start3A_46 = arith.constant 0 : i32
    %dma_start3A_47 = arith.constant 0 : i32
    %dma_start3A_48 = tpu.memref_slice %arg4[%select_n3A, %sub3A_41, %dma_start3A_46, %dma_start3A_47] : memref<200x16x16x1024xf32, #tpu.memory_space<hbm>> -> memref<1x1x16x1024xf32, #tpu.memory_space<hbm>>
    %dma_start3A_49 = tpu.memref_squeeze %dma_start3A_48 : memref<1x1x16x1024xf32, #tpu.memory_space<hbm>> -> memref<16x1024xf32, #tpu.memory_space<hbm>>
    tpu.enqueue_dma source(%arg8 : memref<16x1024xf32, #tpu.memory_space<vmem>>) target(%dma_start3A_49 : memref<16x1024xf32, #tpu.memory_space<hbm>>) target_semaphore(%arg12 : memref<!tpu.dma_semaphore, #tpu.memory_space<semaphore_mem>>)
    %add3A_50 = arith.constant 2 : i32
    %add3A_51 = arith.addi %mul3A_2, %add3A_50 : i32
    %add3A_52 = arith.constant 0 : i32
    %add3A_53 = arith.addi %add3A_51, %add3A_52 : i32
    %mul3A_54 = arith.constant 1024 : i32
    %mul3A_55 = arith.muli %add3A_53, %mul3A_54 : i32
    %dma_start3A_56 = tpu.memref_slice %arg2[%mul3A_55] : memref<3276800xi32, #tpu.memory_space<hbm>> -> memref<1024xi32, #tpu.memory_space<hbm>>
    %dma_start3A_57 = tpu.memref_slice %arg2[%mul3A_55] : memref<3276800xi32, #tpu.memory_space<hbm>> -> memref<1024xi32, #tpu.memory_space<hbm>>
    tpu.enqueue_dma source(%dma_start3A_57 : memref<1024xi32, #tpu.memory_space<hbm>>) target(%arg6 : memref<1024xi32, #tpu.memory_space<vmem>>) target_semaphore(%arg10 : memref<!tpu.dma_semaphore, #tpu.memory_space<semaphore_mem>>)
    %add3A_58 = arith.constant 1 : i32
    %add3A_59 = arith.addi %mul3A_2, %add3A_58 : i32
    %mul3A_60 = arith.constant 1024 : i32
    %mul3A_61 = arith.muli %add3A_59, %mul3A_60 : i32
    %dma_wait3A_62 = tpu.memref_slice %arg2[%mul3A_61] : memref<3276800xi32, #tpu.memory_space<hbm>> -> memref<1024xi32, #tpu.memory_space<hbm>>
    %dma_wait3A_63 = tpu.memref_slice %arg2[%mul3A_61] : memref<3276800xi32, #tpu.memory_space<hbm>> -> memref<1024xi32, #tpu.memory_space<hbm>>
    tpu.wait_dma2 semaphore(%arg11 : memref<!tpu.dma_semaphore, #tpu.memory_space<semaphore_mem>>) src(%dma_wait3A_63 : memref<1024xi32, #tpu.memory_space<hbm>>) dst(%arg7 : memref<1024xi32, #tpu.memory_space<vmem>>)
    %parallel_loop3A_64 = arith.constant 0 : i32
    %parallel_loop3A_65 = arith.constant 64 : i32
    %parallel_loop3A_66 = arith.constant 1 : i32
    scf.for %parallel_loop3A_215 = %parallel_loop3A_64 to %parallel_loop3A_65 step %parallel_loop3A_66  : i32 {
      %parallel_loop3A_216 = arith.constant 16 : i32
      %parallel_loop3A_217 = arith.muli %parallel_loop3A_215, %parallel_loop3A_216 : i32
      %parallel_loop3A_218 = arith.index_cast %parallel_loop3A_217 : i32 to index
      %parallel_loop3A_219 = tpu.vector_load %arg7[%parallel_loop3A_218] {strides = array<i32>} : memref<1024xi32, #tpu.memory_space<vmem>>, vector<16xi32>,
      %parallel_loop3A_220 = arith.constant 17 : i32
      %parallel_loop3A_221 = vector.broadcast %parallel_loop3A_220 : i32 to vector<16xi32>
      %parallel_loop3A_222 = arith.muli %parallel_loop3A_219, %parallel_loop3A_221 : vector<16xi32>
      %parallel_loop3A_223 = arith.constant 0 : i32
      %parallel_loop3A_224 = vector.broadcast %parallel_loop3A_223 : i32 to vector<16xi32>
      %parallel_loop3A_225 = arith.addi %parallel_loop3A_222, %parallel_loop3A_224 : vector<16xi32>
      %parallel_loop3A_226 = tpu.vector_load_idx %arg5[%parallel_loop3A_225] : memref<17000xf32, #tpu.memory_space<vmem>>[vector<16xi32>], vector<16xf32>,
      %parallel_loop3A_227 = arith.constant 16 : i32
      %parallel_loop3A_228 = arith.muli %parallel_loop3A_215, %parallel_loop3A_227 : i32
      %parallel_loop3A_229 = arith.constant 0 : i32
      %parallel_loop3A_230 = arith.index_cast %parallel_loop3A_229 : i32 to index
      %parallel_loop3A_231 = arith.index_cast %parallel_loop3A_228 : i32 to index
      %parallel_loop3A_232 = tpu.vector_load %arg9[%parallel_loop3A_230, %parallel_loop3A_231] {strides = array<i32>} : memref<16x1024xf32, #tpu.memory_space<vmem>>, vector<16xf32>,
      tpu.vector_store %arg9[%parallel_loop3A_230, %parallel_loop3A_231], %parallel_loop3A_226 {strides = array<i32>} : memref<16x1024xf32, #tpu.memory_space<vmem>>, vector<16xf32>,
      %parallel_loop3A_233 = arith.constant 1 : i32
      %parallel_loop3A_234 = vector.broadcast %parallel_loop3A_233 : i32 to vector<16xi32>
      %parallel_loop3A_235 = arith.addi %parallel_loop3A_222, %parallel_loop3A_234 : vector<16xi32>
      %parallel_loop3A_236 = tpu.vector_load_idx %arg5[%parallel_loop3A_235] : memref<17000xf32, #tpu.memory_space<vmem>>[vector<16xi32>], vector<16xf32>,
      %parallel_loop3A_237 = arith.constant 16 : i32
      %parallel_loop3A_238 = arith.muli %parallel_loop3A_215, %parallel_loop3A_237 : i32
      %parallel_loop3A_239 = arith.constant 1 : i32
      %parallel_loop3A_240 = arith.index_cast %parallel_loop3A_239 : i32 to index
      %parallel_loop3A_241 = arith.index_cast %parallel_loop3A_238 : i32 to index
      %parallel_loop3A_242 = tpu.vector_load %arg9[%parallel_loop3A_240, %parallel_loop3A_241] {strides = array<i32>} : memref<16x1024xf32, #tpu.memory_space<vmem>>, vector<16xf32>,
      tpu.vector_store %arg9[%parallel_loop3A_240, %parallel_loop3A_241], %parallel_loop3A_236 {strides = array<i32>} : memref<16x1024xf32, #tpu.memory_space<vmem>>, vector<16xf32>,
      %parallel_loop3A_243 = arith.constant 2 : i32
      %parallel_loop3A_244 = vector.broadcast %parallel_loop3A_243 : i32 to vector<16xi32>
      %parallel_loop3A_245 = arith.addi %parallel_loop3A_222, %parallel_loop3A_244 : vector<16xi32>
      %parallel_loop3A_246 = tpu.vector_load_idx %arg5[%parallel_loop3A_245] : memref<17000xf32, #tpu.memory_space<vmem>>[vector<16xi32>], vector<16xf32>,
      %parallel_loop3A_247 = arith.constant 16 : i32
      %parallel_loop3A_248 = arith.muli %parallel_loop3A_215, %parallel_loop3A_247 : i32
      %parallel_loop3A_249 = arith.constant 2 : i32
      %parallel_loop3A_250 = arith.index_cast %parallel_loop3A_249 : i32 to index
      %parallel_loop3A_251 = arith.index_cast %parallel_loop3A_248 : i32 to index
      %parallel_loop3A_252 = tpu.vector_load %arg9[%parallel_loop3A_250, %parallel_loop3A_251] {strides = array<i32>} : memref<16x1024xf32, #tpu.memory_space<vmem>>, vector<16xf32>,
      tpu.vector_store %arg9[%parallel_loop3A_250, %parallel_loop3A_251], %parallel_loop3A_246 {strides = array<i32>} : memref<16x1024xf32, #tpu.memory_space<vmem>>, vector<16xf32>,
      %parallel_loop3A_253 = arith.constant 3 : i32
      %parallel_loop3A_254 = vector.broadcast %parallel_loop3A_253 : i32 to vector<16xi32>
      %parallel_loop3A_255 = arith.addi %parallel_loop3A_222, %parallel_loop3A_254 : vector<16xi32>
      %parallel_loop3A_256 = tpu.vector_load_idx %arg5[%parallel_loop3A_255] : memref<17000xf32, #tpu.memory_space<vmem>>[vector<16xi32>], vector<16xf32>,
      %parallel_loop3A_257 = arith.constant 16 : i32
      %parallel_loop3A_258 = arith.muli %parallel_loop3A_215, %parallel_loop3A_257 : i32
      %parallel_loop3A_259 = arith.constant 3 : i32
      %parallel_loop3A_260 = arith.index_cast %parallel_loop3A_259 : i32 to index
      %parallel_loop3A_261 = arith.index_cast %parallel_loop3A_258 : i32 to index
      %parallel_loop3A_262 = tpu.vector_load %arg9[%parallel_loop3A_260, %parallel_loop3A_261] {strides = array<i32>} : memref<16x1024xf32, #tpu.memory_space<vmem>>, vector<16xf32>,
      tpu.vector_store %arg9[%parallel_loop3A_260, %parallel_loop3A_261], %parallel_loop3A_256 {strides = array<i32>} : memref<16x1024xf32, #tpu.memory_space<vmem>>, vector<16xf32>,
      %parallel_loop3A_263 = arith.constant 4 : i32
      %parallel_loop3A_264 = vector.broadcast %parallel_loop3A_263 : i32 to vector<16xi32>
      %parallel_loop3A_265 = arith.addi %parallel_loop3A_222, %parallel_loop3A_264 : vector<16xi32>
      %parallel_loop3A_266 = tpu.vector_load_idx %arg5[%parallel_loop3A_265] : memref<17000xf32, #tpu.memory_space<vmem>>[vector<16xi32>], vector<16xf32>,
      %parallel_loop3A_267 = arith.constant 16 : i32
      %parallel_loop3A_268 = arith.muli %parallel_loop3A_215, %parallel_loop3A_267 : i32
      %parallel_loop3A_269 = arith.constant 4 : i32
      %parallel_loop3A_270 = arith.index_cast %parallel_loop3A_269 : i32 to index
      %parallel_loop3A_271 = arith.index_cast %parallel_loop3A_268 : i32 to index
      %parallel_loop3A_272 = tpu.vector_load %arg9[%parallel_loop3A_270, %parallel_loop3A_271] {strides = array<i32>} : memref<16x1024xf32, #tpu.memory_space<vmem>>, vector<16xf32>,
      tpu.vector_store %arg9[%parallel_loop3A_270, %parallel_loop3A_271], %parallel_loop3A_266 {strides = array<i32>} : memref<16x1024xf32, #tpu.memory_space<vmem>>, vector<16xf32>,
      %parallel_loop3A_273 = arith.constant 5 : i32
      %parallel_loop3A_274 = vector.broadcast %parallel_loop3A_273 : i32 to vector<16xi32>
      %parallel_loop3A_275 = arith.addi %parallel_loop3A_222, %parallel_loop3A_274 : vector<16xi32>
      %parallel_loop3A_276 = tpu.vector_load_idx %arg5[%parallel_loop3A_275] : memref<17000xf32, #tpu.memory_space<vmem>>[vector<16xi32>], vector<16xf32>,
      %parallel_loop3A_277 = arith.constant 16 : i32
      %parallel_loop3A_278 = arith.muli %parallel_loop3A_215, %parallel_loop3A_277 : i32
      %parallel_loop3A_279 = arith.constant 5 : i32
      %parallel_loop3A_280 = arith.index_cast %parallel_loop3A_279 : i32 to index
      %parallel_loop3A_281 = arith.index_cast %parallel_loop3A_278 : i32 to index
      %parallel_loop3A_282 = tpu.vector_load %arg9[%parallel_loop3A_280, %parallel_loop3A_281] {strides = array<i32>} : memref<16x1024xf32, #tpu.memory_space<vmem>>, vector<16xf32>,
      tpu.vector_store %arg9[%parallel_loop3A_280, %parallel_loop3A_281], %parallel_loop3A_276 {strides = array<i32>} : memref<16x1024xf32, #tpu.memory_space<vmem>>, vector<16xf32>,
      %parallel_loop3A_283 = arith.constant 6 : i32
      %parallel_loop3A_284 = vector.broadcast %parallel_loop3A_283 : i32 to vector<16xi32>
      %parallel_loop3A_285 = arith.addi %parallel_loop3A_222, %parallel_loop3A_284 : vector<16xi32>
      %parallel_loop3A_286 = tpu.vector_load_idx %arg5[%parallel_loop3A_285] : memref<17000xf32, #tpu.memory_space<vmem>>[vector<16xi32>], vector<16xf32>,
      %parallel_loop3A_287 = arith.constant 16 : i32
      %parallel_loop3A_288 = arith.muli %parallel_loop3A_215, %parallel_loop3A_287 : i32
      %parallel_loop3A_289 = arith.constant 6 : i32
      %parallel_loop3A_290 = arith.index_cast %parallel_loop3A_289 : i32 to index
      %parallel_loop3A_291 = arith.index_cast %parallel_loop3A_288 : i32 to index
      %parallel_loop3A_292 = tpu.vector_load %arg9[%parallel_loop3A_290, %parallel_loop3A_291] {strides = array<i32>} : memref<16x1024xf32, #tpu.memory_space<vmem>>, vector<16xf32>,
      tpu.vector_store %arg9[%parallel_loop3A_290, %parallel_loop3A_291], %parallel_loop3A_286 {strides = array<i32>} : memref<16x1024xf32, #tpu.memory_space<vmem>>, vector<16xf32>,
      %parallel_loop3A_293 = arith.constant 7 : i32
      %parallel_loop3A_294 = vector.broadcast %parallel_loop3A_293 : i32 to vector<16xi32>
      %parallel_loop3A_295 = arith.addi %parallel_loop3A_222, %parallel_loop3A_294 : vector<16xi32>
      %parallel_loop3A_296 = tpu.vector_load_idx %arg5[%parallel_loop3A_295] : memref<17000xf32, #tpu.memory_space<vmem>>[vector<16xi32>], vector<16xf32>,
      %parallel_loop3A_297 = arith.constant 16 : i32
      %parallel_loop3A_298 = arith.muli %parallel_loop3A_215, %parallel_loop3A_297 : i32
      %parallel_loop3A_299 = arith.constant 7 : i32
      %parallel_loop3A_300 = arith.index_cast %parallel_loop3A_299 : i32 to index
      %parallel_loop3A_301 = arith.index_cast %parallel_loop3A_298 : i32 to index
      %parallel_loop3A_302 = tpu.vector_load %arg9[%parallel_loop3A_300, %parallel_loop3A_301] {strides = array<i32>} : memref<16x1024xf32, #tpu.memory_space<vmem>>, vector<16xf32>,
      tpu.vector_store %arg9[%parallel_loop3A_300, %parallel_loop3A_301], %parallel_loop3A_296 {strides = array<i32>} : memref<16x1024xf32, #tpu.memory_space<vmem>>, vector<16xf32>,
      %parallel_loop3A_303 = arith.constant 8 : i32
      %parallel_loop3A_304 = vector.broadcast %parallel_loop3A_303 : i32 to vector<16xi32>
      %parallel_loop3A_305 = arith.addi %parallel_loop3A_222, %parallel_loop3A_304 : vector<16xi32>
      %parallel_loop3A_306 = tpu.vector_load_idx %arg5[%parallel_loop3A_305] : memref<17000xf32, #tpu.memory_space<vmem>>[vector<16xi32>], vector<16xf32>,
      %parallel_loop3A_307 = arith.constant 16 : i32
      %parallel_loop3A_308 = arith.muli %parallel_loop3A_215, %parallel_loop3A_307 : i32
      %parallel_loop3A_309 = arith.constant 8 : i32
      %parallel_loop3A_310 = arith.index_cast %parallel_loop3A_309 : i32 to index
      %parallel_loop3A_311 = arith.index_cast %parallel_loop3A_308 : i32 to index
      %parallel_loop3A_312 = tpu.vector_load %arg9[%parallel_loop3A_310, %parallel_loop3A_311] {strides = array<i32>} : memref<16x1024xf32, #tpu.memory_space<vmem>>, vector<16xf32>,
      tpu.vector_store %arg9[%parallel_loop3A_310, %parallel_loop3A_311], %parallel_loop3A_306 {strides = array<i32>} : memref<16x1024xf32, #tpu.memory_space<vmem>>, vector<16xf32>,
      %parallel_loop3A_313 = arith.constant 9 : i32
      %parallel_loop3A_314 = vector.broadcast %parallel_loop3A_313 : i32 to vector<16xi32>
      %parallel_loop3A_315 = arith.addi %parallel_loop3A_222, %parallel_loop3A_314 : vector<16xi32>
      %parallel_loop3A_316 = tpu.vector_load_idx %arg5[%parallel_loop3A_315] : memref<17000xf32, #tpu.memory_space<vmem>>[vector<16xi32>], vector<16xf32>,
      %parallel_loop3A_317 = arith.constant 16 : i32
      %parallel_loop3A_318 = arith.muli %parallel_loop3A_215, %parallel_loop3A_317 : i32
      %parallel_loop3A_319 = arith.constant 9 : i32
      %parallel_loop3A_320 = arith.index_cast %parallel_loop3A_319 : i32 to index
      %parallel_loop3A_321 = arith.index_cast %parallel_loop3A_318 : i32 to index
      %parallel_loop3A_322 = tpu.vector_load %arg9[%parallel_loop3A_320, %parallel_loop3A_321] {strides = array<i32>} : memref<16x1024xf32, #tpu.memory_space<vmem>>, vector<16xf32>,
      tpu.vector_store %arg9[%parallel_loop3A_320, %parallel_loop3A_321], %parallel_loop3A_316 {strides = array<i32>} : memref<16x1024xf32, #tpu.memory_space<vmem>>, vector<16xf32>,
      %parallel_loop3A_323 = arith.constant 10 : i32
      %parallel_loop3A_324 = vector.broadcast %parallel_loop3A_323 : i32 to vector<16xi32>
      %parallel_loop3A_325 = arith.addi %parallel_loop3A_222, %parallel_loop3A_324 : vector<16xi32>
      %parallel_loop3A_326 = tpu.vector_load_idx %arg5[%parallel_loop3A_325] : memref<17000xf32, #tpu.memory_space<vmem>>[vector<16xi32>], vector<16xf32>,
      %parallel_loop3A_327 = arith.constant 16 : i32
      %parallel_loop3A_328 = arith.muli %parallel_loop3A_215, %parallel_loop3A_327 : i32
      %parallel_loop3A_329 = arith.constant 10 : i32
      %parallel_loop3A_330 = arith.index_cast %parallel_loop3A_329 : i32 to index
      %parallel_loop3A_331 = arith.index_cast %parallel_loop3A_328 : i32 to index
      %parallel_loop3A_332 = tpu.vector_load %arg9[%parallel_loop3A_330, %parallel_loop3A_331] {strides = array<i32>} : memref<16x1024xf32, #tpu.memory_space<vmem>>, vector<16xf32>,
      tpu.vector_store %arg9[%parallel_loop3A_330, %parallel_loop3A_331], %parallel_loop3A_326 {strides = array<i32>} : memref<16x1024xf32, #tpu.memory_space<vmem>>, vector<16xf32>,
      %parallel_loop3A_333 = arith.constant 11 : i32
      %parallel_loop3A_334 = vector.broadcast %parallel_loop3A_333 : i32 to vector<16xi32>
      %parallel_loop3A_335 = arith.addi %parallel_loop3A_222, %parallel_loop3A_334 : vector<16xi32>
      %parallel_loop3A_336 = tpu.vector_load_idx %arg5[%parallel_loop3A_335] : memref<17000xf32, #tpu.memory_space<vmem>>[vector<16xi32>], vector<16xf32>,
      %parallel_loop3A_337 = arith.constant 16 : i32
      %parallel_loop3A_338 = arith.muli %parallel_loop3A_215, %parallel_loop3A_337 : i32
      %parallel_loop3A_339 = arith.constant 11 : i32
      %parallel_loop3A_340 = arith.index_cast %parallel_loop3A_339 : i32 to index
      %parallel_loop3A_341 = arith.index_cast %parallel_loop3A_338 : i32 to index
      %parallel_loop3A_342 = tpu.vector_load %arg9[%parallel_loop3A_340, %parallel_loop3A_341] {strides = array<i32>} : memref<16x1024xf32, #tpu.memory_space<vmem>>, vector<16xf32>,
      tpu.vector_store %arg9[%parallel_loop3A_340, %parallel_loop3A_341], %parallel_loop3A_336 {strides = array<i32>} : memref<16x1024xf32, #tpu.memory_space<vmem>>, vector<16xf32>,
      %parallel_loop3A_343 = arith.constant 12 : i32
      %parallel_loop3A_344 = vector.broadcast %parallel_loop3A_343 : i32 to vector<16xi32>
      %parallel_loop3A_345 = arith.addi %parallel_loop3A_222, %parallel_loop3A_344 : vector<16xi32>
      %parallel_loop3A_346 = tpu.vector_load_idx %arg5[%parallel_loop3A_345] : memref<17000xf32, #tpu.memory_space<vmem>>[vector<16xi32>], vector<16xf32>,
      %parallel_loop3A_347 = arith.constant 16 : i32
      %parallel_loop3A_348 = arith.muli %parallel_loop3A_215, %parallel_loop3A_347 : i32
      %parallel_loop3A_349 = arith.constant 12 : i32
      %parallel_loop3A_350 = arith.index_cast %parallel_loop3A_349 : i32 to index
      %parallel_loop3A_351 = arith.index_cast %parallel_loop3A_348 : i32 to index
      %parallel_loop3A_352 = tpu.vector_load %arg9[%parallel_loop3A_350, %parallel_loop3A_351] {strides = array<i32>} : memref<16x1024xf32, #tpu.memory_space<vmem>>, vector<16xf32>,
      tpu.vector_store %arg9[%parallel_loop3A_350, %parallel_loop3A_351], %parallel_loop3A_346 {strides = array<i32>} : memref<16x1024xf32, #tpu.memory_space<vmem>>, vector<16xf32>,
      %parallel_loop3A_353 = arith.constant 13 : i32
      %parallel_loop3A_354 = vector.broadcast %parallel_loop3A_353 : i32 to vector<16xi32>
      %parallel_loop3A_355 = arith.addi %parallel_loop3A_222, %parallel_loop3A_354 : vector<16xi32>
      %parallel_loop3A_356 = tpu.vector_load_idx %arg5[%parallel_loop3A_355] : memref<17000xf32, #tpu.memory_space<vmem>>[vector<16xi32>], vector<16xf32>,
      %parallel_loop3A_357 = arith.constant 16 : i32
      %parallel_loop3A_358 = arith.muli %parallel_loop3A_215, %parallel_loop3A_357 : i32
      %parallel_loop3A_359 = arith.constant 13 : i32
      %parallel_loop3A_360 = arith.index_cast %parallel_loop3A_359 : i32 to index
      %parallel_loop3A_361 = arith.index_cast %parallel_loop3A_358 : i32 to index
      %parallel_loop3A_362 = tpu.vector_load %arg9[%parallel_loop3A_360, %parallel_loop3A_361] {strides = array<i32>} : memref<16x1024xf32, #tpu.memory_space<vmem>>, vector<16xf32>,
      tpu.vector_store %arg9[%parallel_loop3A_360, %parallel_loop3A_361], %parallel_loop3A_356 {strides = array<i32>} : memref<16x1024xf32, #tpu.memory_space<vmem>>, vector<16xf32>,
      %parallel_loop3A_363 = arith.constant 14 : i32
      %parallel_loop3A_364 = vector.broadcast %parallel_loop3A_363 : i32 to vector<16xi32>
      %parallel_loop3A_365 = arith.addi %parallel_loop3A_222, %parallel_loop3A_364 : vector<16xi32>
      %parallel_loop3A_366 = tpu.vector_load_idx %arg5[%parallel_loop3A_365] : memref<17000xf32, #tpu.memory_space<vmem>>[vector<16xi32>], vector<16xf32>,
      %parallel_loop3A_367 = arith.constant 16 : i32
      %parallel_loop3A_368 = arith.muli %parallel_loop3A_215, %parallel_loop3A_367 : i32
      %parallel_loop3A_369 = arith.constant 14 : i32
      %parallel_loop3A_370 = arith.index_cast %parallel_loop3A_369 : i32 to index
      %parallel_loop3A_371 = arith.index_cast %parallel_loop3A_368 : i32 to index
      %parallel_loop3A_372 = tpu.vector_load %arg9[%parallel_loop3A_370, %parallel_loop3A_371] {strides = array<i32>} : memref<16x1024xf32, #tpu.memory_space<vmem>>, vector<16xf32>,
      tpu.vector_store %arg9[%parallel_loop3A_370, %parallel_loop3A_371], %parallel_loop3A_366 {strides = array<i32>} : memref<16x1024xf32, #tpu.memory_space<vmem>>, vector<16xf32>,
      %parallel_loop3A_373 = arith.constant 15 : i32
      %parallel_loop3A_374 = vector.broadcast %parallel_loop3A_373 : i32 to vector<16xi32>
      %parallel_loop3A_375 = arith.addi %parallel_loop3A_222, %parallel_loop3A_374 : vector<16xi32>
      %parallel_loop3A_376 = tpu.vector_load_idx %arg5[%parallel_loop3A_375] : memref<17000xf32, #tpu.memory_space<vmem>>[vector<16xi32>], vector<16xf32>,
      %parallel_loop3A_377 = arith.constant 16 : i32
      %parallel_loop3A_378 = arith.muli %parallel_loop3A_215, %parallel_loop3A_377 : i32
      %parallel_loop3A_379 = arith.constant 15 : i32
      %parallel_loop3A_380 = arith.index_cast %parallel_loop3A_379 : i32 to index
      %parallel_loop3A_381 = arith.index_cast %parallel_loop3A_378 : i32 to index
      %parallel_loop3A_382 = tpu.vector_load %arg9[%parallel_loop3A_380, %parallel_loop3A_381] {strides = array<i32>} : memref<16x1024xf32, #tpu.memory_space<vmem>>, vector<16xf32>,
      tpu.vector_store %arg9[%parallel_loop3A_380, %parallel_loop3A_381], %parallel_loop3A_376 {strides = array<i32>} : memref<16x1024xf32, #tpu.memory_space<vmem>>, vector<16xf32>,
    } {sc.loop_unroll_factor = 4 : i64, sc.parallel_access}
    %add3A_67 = arith.constant 1 : i32
    %add3A_68 = arith.addi %mul3A_2, %add3A_67 : i32
    %jit3A_69 = arith.constant 16 : i32
    %div3A_70 = arith.divsi %add3A_68, %jit3A_69 : i32
    %sign3A_71 = arith.constant 0 : i32
    %sign3A_72 = arith.cmpi sgt, %add3A_68, %sign3A_71 : i32
    %sign3A_73 = arith.extui %sign3A_72 : i1 to i32
    %sign3A_74 = arith.constant 0 : i32
    %sign3A_75 = arith.cmpi slt, %add3A_68, %sign3A_74 : i32
    %sign3A_76 = arith.extui %sign3A_75 : i1 to i32
    %sign3A_77 = arith.subi %sign3A_73, %sign3A_76 : i32
    %sign3A_78 = arith.constant 0 : i32
    %sign3A_79 = arith.cmpi sgt, %jit3A_69, %sign3A_78 : i32
    %sign3A_80 = arith.extui %sign3A_79 : i1 to i32
    %sign3A_81 = arith.constant 0 : i32
    %sign3A_82 = arith.cmpi slt, %jit3A_69, %sign3A_81 : i32
    %sign3A_83 = arith.extui %sign3A_82 : i1 to i32
    %sign3A_84 = arith.subi %sign3A_80, %sign3A_83 : i32
    %ne3A_85 = arith.cmpi ne, %sign3A_77, %sign3A_84 : i32
    %rem3A_86 = arith.remsi %add3A_68, %jit3A_69 : i32
    %ne3A_87 = arith.constant 0 : i32
    %ne3A_88 = arith.cmpi ne, %rem3A_86, %ne3A_87 : i32
    %and3A_89 = arith.andi %ne3A_85, %ne3A_88 : i1
    %sub3A_90 = arith.constant 1 : i32
    %sub3A_91 = arith.subi %div3A_70, %sub3A_90 : i32
    %select_n3A_92 = arith.select %and3A_89, %sub3A_91, %div3A_70 : i32
    %mul3A_93 = arith.constant 16 : i32
    %mul3A_94 = arith.muli %select_n3A_92, %mul3A_93 : i32
    %sub3A_95 = arith.subi %add3A_68, %mul3A_94 : i32
    %dma_start3A_96 = arith.constant 0 : i32
    %dma_start3A_97 = arith.constant 0 : i32
    %dma_start3A_98 = tpu.memref_slice %arg4[%select_n3A_92, %sub3A_95, %dma_start3A_96, %dma_start3A_97] : memref<200x16x16x1024xf32, #tpu.memory_space<hbm>> -> memref<1x1x16x1024xf32, #tpu.memory_space<hbm>>
    %dma_start3A_99 = tpu.memref_squeeze %dma_start3A_98 : memref<1x1x16x1024xf32, #tpu.memory_space<hbm>> -> memref<16x1024xf32, #tpu.memory_space<hbm>>
    %dma_start3A_100 = arith.constant 0 : i32
    %dma_start3A_101 = arith.constant 0 : i32
    %dma_start3A_102 = tpu.memref_slice %arg4[%select_n3A_92, %sub3A_95, %dma_start3A_100, %dma_start3A_101] : memref<200x16x16x1024xf32, #tpu.memory_space<hbm>> -> memref<1x1x16x1024xf32, #tpu.memory_space<hbm>>
    %dma_start3A_103 = tpu.memref_squeeze %dma_start3A_102 : memref<1x1x16x1024xf32, #tpu.memory_space<hbm>> -> memref<16x1024xf32, #tpu.memory_space<hbm>>
    tpu.enqueue_dma source(%arg9 : memref<16x1024xf32, #tpu.memory_space<vmem>>) target(%dma_start3A_103 : memref<16x1024xf32, #tpu.memory_space<hbm>>) target_semaphore(%arg13 : memref<!tpu.dma_semaphore, #tpu.memory_space<semaphore_mem>>)
    %add3A_104 = arith.constant 2 : i32
    %add3A_105 = arith.addi %mul3A_2, %add3A_104 : i32
    %add3A_106 = arith.constant 1 : i32
    %add3A_107 = arith.addi %add3A_105, %add3A_106 : i32
    %mul3A_108 = arith.constant 1024 : i32
    %mul3A_109 = arith.muli %add3A_107, %mul3A_108 : i32
    %dma_start3A_110 = tpu.memref_slice %arg2[%mul3A_109] : memref<3276800xi32, #tpu.memory_space<hbm>> -> memref<1024xi32, #tpu.memory_space<hbm>>
    %dma_start3A_111 = tpu.memref_slice %arg2[%mul3A_109] : memref<3276800xi32, #tpu.memory_space<hbm>> -> memref<1024xi32, #tpu.memory_space<hbm>>
    tpu.enqueue_dma source(%dma_start3A_111 : memref<1024xi32, #tpu.memory_space<hbm>>) target(%arg7 : memref<1024xi32, #tpu.memory_space<vmem>>) target_semaphore(%arg11 : memref<!tpu.dma_semaphore, #tpu.memory_space<semaphore_mem>>)
    %scan3A = arith.constant 0 : i32
    %scan3A_112 = arith.constant 0 : i32
    %scan3A_113 = arith.constant 49 : i32
    %scan3A_114 = arith.addi %scan3A_112, %scan3A_113 : i32
    %scan3A_115 = arith.constant 1 : i32
    scf.for %scan3A_215 = %scan3A_112 to %scan3A_114 step %scan3A_115  : i32 {
      %add3A_216 = arith.constant 1 : i32
      %add3A_217 = arith.addi %scan3A_215, %add3A_216 : i32
      %mul3A_218 = arith.constant 2 : i32
      %mul3A_219 = arith.muli %add3A_217, %mul3A_218 : i32
      %add3A_220 = arith.addi %mul3A_2, %mul3A_219 : i32
      %add3A_221 = arith.constant 0 : i32
      %add3A_222 = arith.addi %add3A_220, %add3A_221 : i32
      %mul3A_223 = arith.constant 1024 : i32
      %mul3A_224 = arith.muli %add3A_222, %mul3A_223 : i32
      %dma_wait3A_225 = tpu.memref_slice %arg2[%mul3A_224] : memref<3276800xi32, #tpu.memory_space<hbm>> -> memref<1024xi32, #tpu.memory_space<hbm>>
      %dma_wait3A_226 = tpu.memref_slice %arg2[%mul3A_224] : memref<3276800xi32, #tpu.memory_space<hbm>> -> memref<1024xi32, #tpu.memory_space<hbm>>
      tpu.wait_dma2 semaphore(%arg10 : memref<!tpu.dma_semaphore, #tpu.memory_space<semaphore_mem>>) src(%dma_wait3A_226 : memref<1024xi32, #tpu.memory_space<hbm>>) dst(%arg6 : memref<1024xi32, #tpu.memory_space<vmem>>)
      %sub3A_227 = arith.constant 2 : i32
      %sub3A_228 = arith.subi %add3A_222, %sub3A_227 : i32
      %jit3A_229 = arith.constant 16 : i32
      %div3A_230 = arith.divsi %sub3A_228, %jit3A_229 : i32
      %sign3A_231 = arith.constant 0 : i32
      %sign3A_232 = arith.cmpi sgt, %sub3A_228, %sign3A_231 : i32
      %sign3A_233 = arith.extui %sign3A_232 : i1 to i32
      %sign3A_234 = arith.constant 0 : i32
      %sign3A_235 = arith.cmpi slt, %sub3A_228, %sign3A_234 : i32
      %sign3A_236 = arith.extui %sign3A_235 : i1 to i32
      %sign3A_237 = arith.subi %sign3A_233, %sign3A_236 : i32
      %sign3A_238 = arith.constant 0 : i32
      %sign3A_239 = arith.cmpi sgt, %jit3A_229, %sign3A_238 : i32
      %sign3A_240 = arith.extui %sign3A_239 : i1 to i32
      %sign3A_241 = arith.constant 0 : i32
      %sign3A_242 = arith.cmpi slt, %jit3A_229, %sign3A_241 : i32
      %sign3A_243 = arith.extui %sign3A_242 : i1 to i32
      %sign3A_244 = arith.subi %sign3A_240, %sign3A_243 : i32
      %ne3A_245 = arith.cmpi ne, %sign3A_237, %sign3A_244 : i32
      %rem3A_246 = arith.remsi %sub3A_228, %jit3A_229 : i32
      %ne3A_247 = arith.constant 0 : i32
      %ne3A_248 = arith.cmpi ne, %rem3A_246, %ne3A_247 : i32
      %and3A_249 = arith.andi %ne3A_245, %ne3A_248 : i1
      %sub3A_250 = arith.constant 1 : i32
      %sub3A_251 = arith.subi %div3A_230, %sub3A_250 : i32
      %select_n3A_252 = arith.select %and3A_249, %sub3A_251, %div3A_230 : i32
      %mul3A_253 = arith.constant 16 : i32
      %mul3A_254 = arith.muli %select_n3A_252, %mul3A_253 : i32
      %sub3A_255 = arith.subi %sub3A_228, %mul3A_254 : i32
      %dma_wait3A_256 = arith.constant 0 : i32
      %dma_wait3A_257 = arith.constant 0 : i32
      %dma_wait3A_258 = tpu.memref_slice %arg4[%select_n3A_252, %sub3A_255, %dma_wait3A_256, %dma_wait3A_257] : memref<200x16x16x1024xf32, #tpu.memory_space<hbm>> -> memref<1x1x16x1024xf32, #tpu.memory_space<hbm>>
      %dma_wait3A_259 = tpu.memref_squeeze %dma_wait3A_258 : memref<1x1x16x1024xf32, #tpu.memory_space<hbm>> -> memref<16x1024xf32, #tpu.memory_space<hbm>>
      %dma_wait3A_260 = arith.constant 0 : i32
      %dma_wait3A_261 = arith.constant 0 : i32
      %dma_wait3A_262 = tpu.memref_slice %arg4[%select_n3A_252, %sub3A_255, %dma_wait3A_260, %dma_wait3A_261] : memref<200x16x16x1024xf32, #tpu.memory_space<hbm>> -> memref<1x1x16x1024xf32, #tpu.memory_space<hbm>>
      %dma_wait3A_263 = tpu.memref_squeeze %dma_wait3A_262 : memref<1x1x16x1024xf32, #tpu.memory_space<hbm>> -> memref<16x1024xf32, #tpu.memory_space<hbm>>
      tpu.wait_dma2 semaphore(%arg12 : memref<!tpu.dma_semaphore, #tpu.memory_space<semaphore_mem>>) src(%arg8 : memref<16x1024xf32, #tpu.memory_space<vmem>>) dst(%dma_wait3A_263 : memref<16x1024xf32, #tpu.memory_space<hbm>>)
      %parallel_loop3A_264 = arith.constant 0 : i32
      %parallel_loop3A_265 = arith.constant 64 : i32
      %parallel_loop3A_266 = arith.constant 1 : i32
      scf.for %parallel_loop3A_409 = %parallel_loop3A_264 to %parallel_loop3A_265 step %parallel_loop3A_266  : i32 {
        %parallel_loop3A_410 = arith.constant 16 : i32
        %parallel_loop3A_411 = arith.muli %parallel_loop3A_409, %parallel_loop3A_410 : i32
        %parallel_loop3A_412 = arith.index_cast %parallel_loop3A_411 : i32 to index
        %parallel_loop3A_413 = tpu.vector_load %arg6[%parallel_loop3A_412] {strides = array<i32>} : memref<1024xi32, #tpu.memory_space<vmem>>, vector<16xi32>,
        %parallel_loop3A_414 = arith.constant 17 : i32
        %parallel_loop3A_415 = vector.broadcast %parallel_loop3A_414 : i32 to vector<16xi32>
        %parallel_loop3A_416 = arith.muli %parallel_loop3A_413, %parallel_loop3A_415 : vector<16xi32>
        %parallel_loop3A_417 = arith.constant 0 : i32
        %parallel_loop3A_418 = vector.broadcast %parallel_loop3A_417 : i32 to vector<16xi32>
        %parallel_loop3A_419 = arith.addi %parallel_loop3A_416, %parallel_loop3A_418 : vector<16xi32>
        %parallel_loop3A_420 = tpu.vector_load_idx %arg5[%parallel_loop3A_419] : memref<17000xf32, #tpu.memory_space<vmem>>[vector<16xi32>], vector<16xf32>,
        %parallel_loop3A_421 = arith.constant 16 : i32
        %parallel_loop3A_422 = arith.muli %parallel_loop3A_409, %parallel_loop3A_421 : i32
        %parallel_loop3A_423 = arith.constant 0 : i32
        %parallel_loop3A_424 = arith.index_cast %parallel_loop3A_423 : i32 to index
        %parallel_loop3A_425 = arith.index_cast %parallel_loop3A_422 : i32 to index
        %parallel_loop3A_426 = tpu.vector_load %arg8[%parallel_loop3A_424, %parallel_loop3A_425] {strides = array<i32>} : memref<16x1024xf32, #tpu.memory_space<vmem>>, vector<16xf32>,
        tpu.vector_store %arg8[%parallel_loop3A_424, %parallel_loop3A_425], %parallel_loop3A_420 {strides = array<i32>} : memref<16x1024xf32, #tpu.memory_space<vmem>>, vector<16xf32>,
        %parallel_loop3A_427 = arith.constant 1 : i32
        %parallel_loop3A_428 = vector.broadcast %parallel_loop3A_427 : i32 to vector<16xi32>
        %parallel_loop3A_429 = arith.addi %parallel_loop3A_416, %parallel_loop3A_428 : vector<16xi32>
        %parallel_loop3A_430 = tpu.vector_load_idx %arg5[%parallel_loop3A_429] : memref<17000xf32, #tpu.memory_space<vmem>>[vector<16xi32>], vector<16xf32>,
        %parallel_loop3A_431 = arith.constant 16 : i32
        %parallel_loop3A_432 = arith.muli %parallel_loop3A_409, %parallel_loop3A_431 : i32
        %parallel_loop3A_433 = arith.constant 1 : i32
        %parallel_loop3A_434 = arith.index_cast %parallel_loop3A_433 : i32 to index
        %parallel_loop3A_435 = arith.index_cast %parallel_loop3A_432 : i32 to index
        %parallel_loop3A_436 = tpu.vector_load %arg8[%parallel_loop3A_434, %parallel_loop3A_435] {strides = array<i32>} : memref<16x1024xf32, #tpu.memory_space<vmem>>, vector<16xf32>,
        tpu.vector_store %arg8[%parallel_loop3A_434, %parallel_loop3A_435], %parallel_loop3A_430 {strides = array<i32>} : memref<16x1024xf32, #tpu.memory_space<vmem>>, vector<16xf32>,
        %parallel_loop3A_437 = arith.constant 2 : i32
        %parallel_loop3A_438 = vector.broadcast %parallel_loop3A_437 : i32 to vector<16xi32>
        %parallel_loop3A_439 = arith.addi %parallel_loop3A_416, %parallel_loop3A_438 : vector<16xi32>
        %parallel_loop3A_440 = tpu.vector_load_idx %arg5[%parallel_loop3A_439] : memref<17000xf32, #tpu.memory_space<vmem>>[vector<16xi32>], vector<16xf32>,
        %parallel_loop3A_441 = arith.constant 16 : i32
        %parallel_loop3A_442 = arith.muli %parallel_loop3A_409, %parallel_loop3A_441 : i32
        %parallel_loop3A_443 = arith.constant 2 : i32
        %parallel_loop3A_444 = arith.index_cast %parallel_loop3A_443 : i32 to index
        %parallel_loop3A_445 = arith.index_cast %parallel_loop3A_442 : i32 to index
        %parallel_loop3A_446 = tpu.vector_load %arg8[%parallel_loop3A_444, %parallel_loop3A_445] {strides = array<i32>} : memref<16x1024xf32, #tpu.memory_space<vmem>>, vector<16xf32>,
        tpu.vector_store %arg8[%parallel_loop3A_444, %parallel_loop3A_445], %parallel_loop3A_440 {strides = array<i32>} : memref<16x1024xf32, #tpu.memory_space<vmem>>, vector<16xf32>,
        %parallel_loop3A_447 = arith.constant 3 : i32
        %parallel_loop3A_448 = vector.broadcast %parallel_loop3A_447 : i32 to vector<16xi32>
        %parallel_loop3A_449 = arith.addi %parallel_loop3A_416, %parallel_loop3A_448 : vector<16xi32>
        %parallel_loop3A_450 = tpu.vector_load_idx %arg5[%parallel_loop3A_449] : memref<17000xf32, #tpu.memory_space<vmem>>[vector<16xi32>], vector<16xf32>,
        %parallel_loop3A_451 = arith.constant 16 : i32
        %parallel_loop3A_452 = arith.muli %parallel_loop3A_409, %parallel_loop3A_451 : i32
        %parallel_loop3A_453 = arith.constant 3 : i32
        %parallel_loop3A_454 = arith.index_cast %parallel_loop3A_453 : i32 to index
        %parallel_loop3A_455 = arith.index_cast %parallel_loop3A_452 : i32 to index
        %parallel_loop3A_456 = tpu.vector_load %arg8[%parallel_loop3A_454, %parallel_loop3A_455] {strides = array<i32>} : memref<16x1024xf32, #tpu.memory_space<vmem>>, vector<16xf32>,
        tpu.vector_store %arg8[%parallel_loop3A_454, %parallel_loop3A_455], %parallel_loop3A_450 {strides = array<i32>} : memref<16x1024xf32, #tpu.memory_space<vmem>>, vector<16xf32>,
        %parallel_loop3A_457 = arith.constant 4 : i32
        %parallel_loop3A_458 = vector.broadcast %parallel_loop3A_457 : i32 to vector<16xi32>
        %parallel_loop3A_459 = arith.addi %parallel_loop3A_416, %parallel_loop3A_458 : vector<16xi32>
        %parallel_loop3A_460 = tpu.vector_load_idx %arg5[%parallel_loop3A_459] : memref<17000xf32, #tpu.memory_space<vmem>>[vector<16xi32>], vector<16xf32>,
        %parallel_loop3A_461 = arith.constant 16 : i32
        %parallel_loop3A_462 = arith.muli %parallel_loop3A_409, %parallel_loop3A_461 : i32
        %parallel_loop3A_463 = arith.constant 4 : i32
        %parallel_loop3A_464 = arith.index_cast %parallel_loop3A_463 : i32 to index
        %parallel_loop3A_465 = arith.index_cast %parallel_loop3A_462 : i32 to index
        %parallel_loop3A_466 = tpu.vector_load %arg8[%parallel_loop3A_464, %parallel_loop3A_465] {strides = array<i32>} : memref<16x1024xf32, #tpu.memory_space<vmem>>, vector<16xf32>,
        tpu.vector_store %arg8[%parallel_loop3A_464, %parallel_loop3A_465], %parallel_loop3A_460 {strides = array<i32>} : memref<16x1024xf32, #tpu.memory_space<vmem>>, vector<16xf32>,
        %parallel_loop3A_467 = arith.constant 5 : i32
        %parallel_loop3A_468 = vector.broadcast %parallel_loop3A_467 : i32 to vector<16xi32>
        %parallel_loop3A_469 = arith.addi %parallel_loop3A_416, %parallel_loop3A_468 : vector<16xi32>
        %parallel_loop3A_470 = tpu.vector_load_idx %arg5[%parallel_loop3A_469] : memref<17000xf32, #tpu.memory_space<vmem>>[vector<16xi32>], vector<16xf32>,
        %parallel_loop3A_471 = arith.constant 16 : i32
        %parallel_loop3A_472 = arith.muli %parallel_loop3A_409, %parallel_loop3A_471 : i32
        %parallel_loop3A_473 = arith.constant 5 : i32
        %parallel_loop3A_474 = arith.index_cast %parallel_loop3A_473 : i32 to index
        %parallel_loop3A_475 = arith.index_cast %parallel_loop3A_472 : i32 to index
        %parallel_loop3A_476 = tpu.vector_load %arg8[%parallel_loop3A_474, %parallel_loop3A_475] {strides = array<i32>} : memref<16x1024xf32, #tpu.memory_space<vmem>>, vector<16xf32>,
        tpu.vector_store %arg8[%parallel_loop3A_474, %parallel_loop3A_475], %parallel_loop3A_470 {strides = array<i32>} : memref<16x1024xf32, #tpu.memory_space<vmem>>, vector<16xf32>,
        %parallel_loop3A_477 = arith.constant 6 : i32
        %parallel_loop3A_478 = vector.broadcast %parallel_loop3A_477 : i32 to vector<16xi32>
        %parallel_loop3A_479 = arith.addi %parallel_loop3A_416, %parallel_loop3A_478 : vector<16xi32>
        %parallel_loop3A_480 = tpu.vector_load_idx %arg5[%parallel_loop3A_479] : memref<17000xf32, #tpu.memory_space<vmem>>[vector<16xi32>], vector<16xf32>,
        %parallel_loop3A_481 = arith.constant 16 : i32
        %parallel_loop3A_482 = arith.muli %parallel_loop3A_409, %parallel_loop3A_481 : i32
        %parallel_loop3A_483 = arith.constant 6 : i32
        %parallel_loop3A_484 = arith.index_cast %parallel_loop3A_483 : i32 to index
        %parallel_loop3A_485 = arith.index_cast %parallel_loop3A_482 : i32 to index
        %parallel_loop3A_486 = tpu.vector_load %arg8[%parallel_loop3A_484, %parallel_loop3A_485] {strides = array<i32>} : memref<16x1024xf32, #tpu.memory_space<vmem>>, vector<16xf32>,
        tpu.vector_store %arg8[%parallel_loop3A_484, %parallel_loop3A_485], %parallel_loop3A_480 {strides = array<i32>} : memref<16x1024xf32, #tpu.memory_space<vmem>>, vector<16xf32>,
        %parallel_loop3A_487 = arith.constant 7 : i32
        %parallel_loop3A_488 = vector.broadcast %parallel_loop3A_487 : i32 to vector<16xi32>
        %parallel_loop3A_489 = arith.addi %parallel_loop3A_416, %parallel_loop3A_488 : vector<16xi32>
        %parallel_loop3A_490 = tpu.vector_load_idx %arg5[%parallel_loop3A_489] : memref<17000xf32, #tpu.memory_space<vmem>>[vector<16xi32>], vector<16xf32>,
        %parallel_loop3A_491 = arith.constant 16 : i32
        %parallel_loop3A_492 = arith.muli %parallel_loop3A_409, %parallel_loop3A_491 : i32
        %parallel_loop3A_493 = arith.constant 7 : i32
        %parallel_loop3A_494 = arith.index_cast %parallel_loop3A_493 : i32 to index
        %parallel_loop3A_495 = arith.index_cast %parallel_loop3A_492 : i32 to index
        %parallel_loop3A_496 = tpu.vector_load %arg8[%parallel_loop3A_494, %parallel_loop3A_495] {strides = array<i32>} : memref<16x1024xf32, #tpu.memory_space<vmem>>, vector<16xf32>,
        tpu.vector_store %arg8[%parallel_loop3A_494, %parallel_loop3A_495], %parallel_loop3A_490 {strides = array<i32>} : memref<16x1024xf32, #tpu.memory_space<vmem>>, vector<16xf32>,
        %parallel_loop3A_497 = arith.constant 8 : i32
        %parallel_loop3A_498 = vector.broadcast %parallel_loop3A_497 : i32 to vector<16xi32>
        %parallel_loop3A_499 = arith.addi %parallel_loop3A_416, %parallel_loop3A_498 : vector<16xi32>
        %parallel_loop3A_500 = tpu.vector_load_idx %arg5[%parallel_loop3A_499] : memref<17000xf32, #tpu.memory_space<vmem>>[vector<16xi32>], vector<16xf32>,
        %parallel_loop3A_501 = arith.constant 16 : i32
        %parallel_loop3A_502 = arith.muli %parallel_loop3A_409, %parallel_loop3A_501 : i32
        %parallel_loop3A_503 = arith.constant 8 : i32
        %parallel_loop3A_504 = arith.index_cast %parallel_loop3A_503 : i32 to index
        %parallel_loop3A_505 = arith.index_cast %parallel_loop3A_502 : i32 to index
        %parallel_loop3A_506 = tpu.vector_load %arg8[%parallel_loop3A_504, %parallel_loop3A_505] {strides = array<i32>} : memref<16x1024xf32, #tpu.memory_space<vmem>>, vector<16xf32>,
        tpu.vector_store %arg8[%parallel_loop3A_504, %parallel_loop3A_505], %parallel_loop3A_500 {strides = array<i32>} : memref<16x1024xf32, #tpu.memory_space<vmem>>, vector<16xf32>,
        %parallel_loop3A_507 = arith.constant 9 : i32
        %parallel_loop3A_508 = vector.broadcast %parallel_loop3A_507 : i32 to vector<16xi32>
        %parallel_loop3A_509 = arith.addi %parallel_loop3A_416, %parallel_loop3A_508 : vector<16xi32>
        %parallel_loop3A_510 = tpu.vector_load_idx %arg5[%parallel_loop3A_509] : memref<17000xf32, #tpu.memory_space<vmem>>[vector<16xi32>], vector<16xf32>,
        %parallel_loop3A_511 = arith.constant 16 : i32
        %parallel_loop3A_512 = arith.muli %parallel_loop3A_409, %parallel_loop3A_511 : i32
        %parallel_loop3A_513 = arith.constant 9 : i32
        %parallel_loop3A_514 = arith.index_cast %parallel_loop3A_513 : i32 to index
        %parallel_loop3A_515 = arith.index_cast %parallel_loop3A_512 : i32 to index
        %parallel_loop3A_516 = tpu.vector_load %arg8[%parallel_loop3A_514, %parallel_loop3A_515] {strides = array<i32>} : memref<16x1024xf32, #tpu.memory_space<vmem>>, vector<16xf32>,
        tpu.vector_store %arg8[%parallel_loop3A_514, %parallel_loop3A_515], %parallel_loop3A_510 {strides = array<i32>} : memref<16x1024xf32, #tpu.memory_space<vmem>>, vector<16xf32>,
        %parallel_loop3A_517 = arith.constant 10 : i32
        %parallel_loop3A_518 = vector.broadcast %parallel_loop3A_517 : i32 to vector<16xi32>
        %parallel_loop3A_519 = arith.addi %parallel_loop3A_416, %parallel_loop3A_518 : vector<16xi32>
        %parallel_loop3A_520 = tpu.vector_load_idx %arg5[%parallel_loop3A_519] : memref<17000xf32, #tpu.memory_space<vmem>>[vector<16xi32>], vector<16xf32>,
        %parallel_loop3A_521 = arith.constant 16 : i32
        %parallel_loop3A_522 = arith.muli %parallel_loop3A_409, %parallel_loop3A_521 : i32
        %parallel_loop3A_523 = arith.constant 10 : i32
        %parallel_loop3A_524 = arith.index_cast %parallel_loop3A_523 : i32 to index
        %parallel_loop3A_525 = arith.index_cast %parallel_loop3A_522 : i32 to index
        %parallel_loop3A_526 = tpu.vector_load %arg8[%parallel_loop3A_524, %parallel_loop3A_525] {strides = array<i32>} : memref<16x1024xf32, #tpu.memory_space<vmem>>, vector<16xf32>,
        tpu.vector_store %arg8[%parallel_loop3A_524, %parallel_loop3A_525], %parallel_loop3A_520 {strides = array<i32>} : memref<16x1024xf32, #tpu.memory_space<vmem>>, vector<16xf32>,
        %parallel_loop3A_527 = arith.constant 11 : i32
        %parallel_loop3A_528 = vector.broadcast %parallel_loop3A_527 : i32 to vector<16xi32>
        %parallel_loop3A_529 = arith.addi %parallel_loop3A_416, %parallel_loop3A_528 : vector<16xi32>
        %parallel_loop3A_530 = tpu.vector_load_idx %arg5[%parallel_loop3A_529] : memref<17000xf32, #tpu.memory_space<vmem>>[vector<16xi32>], vector<16xf32>,
        %parallel_loop3A_531 = arith.constant 16 : i32
        %parallel_loop3A_532 = arith.muli %parallel_loop3A_409, %parallel_loop3A_531 : i32
        %parallel_loop3A_533 = arith.constant 11 : i32
        %parallel_loop3A_534 = arith.index_cast %parallel_loop3A_533 : i32 to index
        %parallel_loop3A_535 = arith.index_cast %parallel_loop3A_532 : i32 to index
        %parallel_loop3A_536 = tpu.vector_load %arg8[%parallel_loop3A_534, %parallel_loop3A_535] {strides = array<i32>} : memref<16x1024xf32, #tpu.memory_space<vmem>>, vector<16xf32>,
        tpu.vector_store %arg8[%parallel_loop3A_534, %parallel_loop3A_535], %parallel_loop3A_530 {strides = array<i32>} : memref<16x1024xf32, #tpu.memory_space<vmem>>, vector<16xf32>,
        %parallel_loop3A_537 = arith.constant 12 : i32
        %parallel_loop3A_538 = vector.broadcast %parallel_loop3A_537 : i32 to vector<16xi32>
        %parallel_loop3A_539 = arith.addi %parallel_loop3A_416, %parallel_loop3A_538 : vector<16xi32>
        %parallel_loop3A_540 = tpu.vector_load_idx %arg5[%parallel_loop3A_539] : memref<17000xf32, #tpu.memory_space<vmem>>[vector<16xi32>], vector<16xf32>,
        %parallel_loop3A_541 = arith.constant 16 : i32
        %parallel_loop3A_542 = arith.muli %parallel_loop3A_409, %parallel_loop3A_541 : i32
        %parallel_loop3A_543 = arith.constant 12 : i32
        %parallel_loop3A_544 = arith.index_cast %parallel_loop3A_543 : i32 to index
        %parallel_loop3A_545 = arith.index_cast %parallel_loop3A_542 : i32 to index
        %parallel_loop3A_546 = tpu.vector_load %arg8[%parallel_loop3A_544, %parallel_loop3A_545] {strides = array<i32>} : memref<16x1024xf32, #tpu.memory_space<vmem>>, vector<16xf32>,
        tpu.vector_store %arg8[%parallel_loop3A_544, %parallel_loop3A_545], %parallel_loop3A_540 {strides = array<i32>} : memref<16x1024xf32, #tpu.memory_space<vmem>>, vector<16xf32>,
        %parallel_loop3A_547 = arith.constant 13 : i32
        %parallel_loop3A_548 = vector.broadcast %parallel_loop3A_547 : i32 to vector<16xi32>
        %parallel_loop3A_549 = arith.addi %parallel_loop3A_416, %parallel_loop3A_548 : vector<16xi32>
        %parallel_loop3A_550 = tpu.vector_load_idx %arg5[%parallel_loop3A_549] : memref<17000xf32, #tpu.memory_space<vmem>>[vector<16xi32>], vector<16xf32>,
        %parallel_loop3A_551 = arith.constant 16 : i32
        %parallel_loop3A_552 = arith.muli %parallel_loop3A_409, %parallel_loop3A_551 : i32
        %parallel_loop3A_553 = arith.constant 13 : i32
        %parallel_loop3A_554 = arith.index_cast %parallel_loop3A_553 : i32 to index
        %parallel_loop3A_555 = arith.index_cast %parallel_loop3A_552 : i32 to index
        %parallel_loop3A_556 = tpu.vector_load %arg8[%parallel_loop3A_554, %parallel_loop3A_555] {strides = array<i32>} : memref<16x1024xf32, #tpu.memory_space<vmem>>, vector<16xf32>,
        tpu.vector_store %arg8[%parallel_loop3A_554, %parallel_loop3A_555], %parallel_loop3A_550 {strides = array<i32>} : memref<16x1024xf32, #tpu.memory_space<vmem>>, vector<16xf32>,
        %parallel_loop3A_557 = arith.constant 14 : i32
        %parallel_loop3A_558 = vector.broadcast %parallel_loop3A_557 : i32 to vector<16xi32>
        %parallel_loop3A_559 = arith.addi %parallel_loop3A_416, %parallel_loop3A_558 : vector<16xi32>
        %parallel_loop3A_560 = tpu.vector_load_idx %arg5[%parallel_loop3A_559] : memref<17000xf32, #tpu.memory_space<vmem>>[vector<16xi32>], vector<16xf32>,
        %parallel_loop3A_561 = arith.constant 16 : i32
        %parallel_loop3A_562 = arith.muli %parallel_loop3A_409, %parallel_loop3A_561 : i32
        %parallel_loop3A_563 = arith.constant 14 : i32
        %parallel_loop3A_564 = arith.index_cast %parallel_loop3A_563 : i32 to index
        %parallel_loop3A_565 = arith.index_cast %parallel_loop3A_562 : i32 to index
        %parallel_loop3A_566 = tpu.vector_load %arg8[%parallel_loop3A_564, %parallel_loop3A_565] {strides = array<i32>} : memref<16x1024xf32, #tpu.memory_space<vmem>>, vector<16xf32>,
        tpu.vector_store %arg8[%parallel_loop3A_564, %parallel_loop3A_565], %parallel_loop3A_560 {strides = array<i32>} : memref<16x1024xf32, #tpu.memory_space<vmem>>, vector<16xf32>,
        %parallel_loop3A_567 = arith.constant 15 : i32
        %parallel_loop3A_568 = vector.broadcast %parallel_loop3A_567 : i32 to vector<16xi32>
        %parallel_loop3A_569 = arith.addi %parallel_loop3A_416, %parallel_loop3A_568 : vector<16xi32>
        %parallel_loop3A_570 = tpu.vector_load_idx %arg5[%parallel_loop3A_569] : memref<17000xf32, #tpu.memory_space<vmem>>[vector<16xi32>], vector<16xf32>,
        %parallel_loop3A_571 = arith.constant 16 : i32
        %parallel_loop3A_572 = arith.muli %parallel_loop3A_409, %parallel_loop3A_571 : i32
        %parallel_loop3A_573 = arith.constant 15 : i32
        %parallel_loop3A_574 = arith.index_cast %parallel_loop3A_573 : i32 to index
        %parallel_loop3A_575 = arith.index_cast %parallel_loop3A_572 : i32 to index
        %parallel_loop3A_576 = tpu.vector_load %arg8[%parallel_loop3A_574, %parallel_loop3A_575] {strides = array<i32>} : memref<16x1024xf32, #tpu.memory_space<vmem>>, vector<16xf32>,
        tpu.vector_store %arg8[%parallel_loop3A_574, %parallel_loop3A_575], %parallel_loop3A_570 {strides = array<i32>} : memref<16x1024xf32, #tpu.memory_space<vmem>>, vector<16xf32>,
      } {sc.loop_unroll_factor = 4 : i64, sc.parallel_access}
      %jit3A_267 = arith.constant 16 : i32
      %div3A_268 = arith.divsi %add3A_222, %jit3A_267 : i32
      %sign3A_269 = arith.constant 0 : i32
      %sign3A_270 = arith.cmpi sgt, %add3A_222, %sign3A_269 : i32
      %sign3A_271 = arith.extui %sign3A_270 : i1 to i32
      %sign3A_272 = arith.constant 0 : i32
      %sign3A_273 = arith.cmpi slt, %add3A_222, %sign3A_272 : i32
      %sign3A_274 = arith.extui %sign3A_273 : i1 to i32
      %sign3A_275 = arith.subi %sign3A_271, %sign3A_274 : i32
      %sign3A_276 = arith.constant 0 : i32
      %sign3A_277 = arith.cmpi sgt, %jit3A_267, %sign3A_276 : i32
      %sign3A_278 = arith.extui %sign3A_277 : i1 to i32
      %sign3A_279 = arith.constant 0 : i32
      %sign3A_280 = arith.cmpi slt, %jit3A_267, %sign3A_279 : i32
      %sign3A_281 = arith.extui %sign3A_280 : i1 to i32
      %sign3A_282 = arith.subi %sign3A_278, %sign3A_281 : i32
      %ne3A_283 = arith.cmpi ne, %sign3A_275, %sign3A_282 : i32
      %rem3A_284 = arith.remsi %add3A_222, %jit3A_267 : i32
      %ne3A_285 = arith.constant 0 : i32
      %ne3A_286 = arith.cmpi ne, %rem3A_284, %ne3A_285 : i32
      %and3A_287 = arith.andi %ne3A_283, %ne3A_286 : i1
      %sub3A_288 = arith.constant 1 : i32
      %sub3A_289 = arith.subi %div3A_268, %sub3A_288 : i32
      %select_n3A_290 = arith.select %and3A_287, %sub3A_289, %div3A_268 : i32
      %mul3A_291 = arith.constant 16 : i32
      %mul3A_292 = arith.muli %select_n3A_290, %mul3A_291 : i32
      %sub3A_293 = arith.subi %add3A_222, %mul3A_292 : i32
      %dma_start3A_294 = arith.constant 0 : i32
      %dma_start3A_295 = arith.constant 0 : i32
      %dma_start3A_296 = tpu.memref_slice %arg4[%select_n3A_290, %sub3A_293, %dma_start3A_294, %dma_start3A_295] : memref<200x16x16x1024xf32, #tpu.memory_space<hbm>> -> memref<1x1x16x1024xf32, #tpu.memory_space<hbm>>
      %dma_start3A_297 = tpu.memref_squeeze %dma_start3A_296 : memref<1x1x16x1024xf32, #tpu.memory_space<hbm>> -> memref<16x1024xf32, #tpu.memory_space<hbm>>
      %dma_start3A_298 = arith.constant 0 : i32
      %dma_start3A_299 = arith.constant 0 : i32
      %dma_start3A_300 = tpu.memref_slice %arg4[%select_n3A_290, %sub3A_293, %dma_start3A_298, %dma_start3A_299] : memref<200x16x16x1024xf32, #tpu.memory_space<hbm>> -> memref<1x1x16x1024xf32, #tpu.memory_space<hbm>>
      %dma_start3A_301 = tpu.memref_squeeze %dma_start3A_300 : memref<1x1x16x1024xf32, #tpu.memory_space<hbm>> -> memref<16x1024xf32, #tpu.memory_space<hbm>>
      tpu.enqueue_dma source(%arg8 : memref<16x1024xf32, #tpu.memory_space<vmem>>) target(%dma_start3A_301 : memref<16x1024xf32, #tpu.memory_space<hbm>>) target_semaphore(%arg12 : memref<!tpu.dma_semaphore, #tpu.memory_space<semaphore_mem>>)
      %add3A_302 = arith.constant 2 : i32
      %add3A_303 = arith.addi %add3A_222, %add3A_302 : i32
      %add3A_304 = arith.constant 100 : i32
      %add3A_305 = arith.addi %mul3A_2, %add3A_304 : i32
      %sub3A_306 = arith.constant 1 : i32
      %sub3A_307 = arith.subi %add3A_305, %sub3A_306 : i32
      %min3A = arith.minsi %add3A_303, %sub3A_307 : i32
      %mul3A_308 = arith.constant 1024 : i32
      %mul3A_309 = arith.muli %min3A, %mul3A_308 : i32
      %dma_start3A_310 = tpu.memref_slice %arg2[%mul3A_309] : memref<3276800xi32, #tpu.memory_space<hbm>> -> memref<1024xi32, #tpu.memory_space<hbm>>
      %dma_start3A_311 = tpu.memref_slice %arg2[%mul3A_309] : memref<3276800xi32, #tpu.memory_space<hbm>> -> memref<1024xi32, #tpu.memory_space<hbm>>
      tpu.enqueue_dma source(%dma_start3A_311 : memref<1024xi32, #tpu.memory_space<hbm>>) target(%arg6 : memref<1024xi32, #tpu.memory_space<vmem>>) target_semaphore(%arg10 : memref<!tpu.dma_semaphore, #tpu.memory_space<semaphore_mem>>)
      %add3A_312 = arith.constant 1 : i32
      %add3A_313 = arith.addi %scan3A_215, %add3A_312 : i32
      %mul3A_314 = arith.constant 2 : i32
      %mul3A_315 = arith.muli %add3A_313, %mul3A_314 : i32
      %add3A_316 = arith.addi %mul3A_2, %mul3A_315 : i32
      %add3A_317 = arith.constant 1 : i32
      %add3A_318 = arith.addi %add3A_316, %add3A_317 : i32
      %mul3A_319 = arith.constant 1024 : i32
      %mul3A_320 = arith.muli %add3A_318, %mul3A_319 : i32
      %dma_wait3A_321 = tpu.memref_slice %arg2[%mul3A_320] : memref<3276800xi32, #tpu.memory_space<hbm>> -> memref<1024xi32, #tpu.memory_space<hbm>>
      %dma_wait3A_322 = tpu.memref_slice %arg2[%mul3A_320] : memref<3276800xi32, #tpu.memory_space<hbm>> -> memref<1024xi32, #tpu.memory_space<hbm>>
      tpu.wait_dma2 semaphore(%arg11 : memref<!tpu.dma_semaphore, #tpu.memory_space<semaphore_mem>>) src(%dma_wait3A_322 : memref<1024xi32, #tpu.memory_space<hbm>>) dst(%arg7 : memref<1024xi32, #tpu.memory_space<vmem>>)
      %sub3A_323 = arith.constant 2 : i32
      %sub3A_324 = arith.subi %add3A_318, %sub3A_323 : i32
      %jit3A_325 = arith.constant 16 : i32
      %div3A_326 = arith.divsi %sub3A_324, %jit3A_325 : i32
      %sign3A_327 = arith.constant 0 : i32
      %sign3A_328 = arith.cmpi sgt, %sub3A_324, %sign3A_327 : i32
      %sign3A_329 = arith.extui %sign3A_328 : i1 to i32
      %sign3A_330 = arith.constant 0 : i32
      %sign3A_331 = arith.cmpi slt, %sub3A_324, %sign3A_330 : i32
      %sign3A_332 = arith.extui %sign3A_331 : i1 to i32
      %sign3A_333 = arith.subi %sign3A_329, %sign3A_332 : i32
      %sign3A_334 = arith.constant 0 : i32
      %sign3A_335 = arith.cmpi sgt, %jit3A_325, %sign3A_334 : i32
      %sign3A_336 = arith.extui %sign3A_335 : i1 to i32
      %sign3A_337 = arith.constant 0 : i32
      %sign3A_338 = arith.cmpi slt, %jit3A_325, %sign3A_337 : i32
      %sign3A_339 = arith.extui %sign3A_338 : i1 to i32
      %sign3A_340 = arith.subi %sign3A_336, %sign3A_339 : i32
      %ne3A_341 = arith.cmpi ne, %sign3A_333, %sign3A_340 : i32
      %rem3A_342 = arith.remsi %sub3A_324, %jit3A_325 : i32
      %ne3A_343 = arith.constant 0 : i32
      %ne3A_344 = arith.cmpi ne, %rem3A_342, %ne3A_343 : i32
      %and3A_345 = arith.andi %ne3A_341, %ne3A_344 : i1
      %sub3A_346 = arith.constant 1 : i32
      %sub3A_347 = arith.subi %div3A_326, %sub3A_346 : i32
      %select_n3A_348 = arith.select %and3A_345, %sub3A_347, %div3A_326 : i32
      %mul3A_349 = arith.constant 16 : i32
      %mul3A_350 = arith.muli %select_n3A_348, %mul3A_349 : i32
      %sub3A_351 = arith.subi %sub3A_324, %mul3A_350 : i32
      %dma_wait3A_352 = arith.constant 0 : i32
      %dma_wait3A_353 = arith.constant 0 : i32
      %dma_wait3A_354 = tpu.memref_slice %arg4[%select_n3A_348, %sub3A_351, %dma_wait3A_352, %dma_wait3A_353] : memref<200x16x16x1024xf32, #tpu.memory_space<hbm>> -> memref<1x1x16x1024xf32, #tpu.memory_space<hbm>>
      %dma_wait3A_355 = tpu.memref_squeeze %dma_wait3A_354 : memref<1x1x16x1024xf32, #tpu.memory_space<hbm>> -> memref<16x1024xf32, #tpu.memory_space<hbm>>
      %dma_wait3A_356 = arith.constant 0 : i32
      %dma_wait3A_357 = arith.constant 0 : i32
      %dma_wait3A_358 = tpu.memref_slice %arg4[%select_n3A_348, %sub3A_351, %dma_wait3A_356, %dma_wait3A_357] : memref<200x16x16x1024xf32, #tpu.memory_space<hbm>> -> memref<1x1x16x1024xf32, #tpu.memory_space<hbm>>
      %dma_wait3A_359 = tpu.memref_squeeze %dma_wait3A_358 : memref<1x1x16x1024xf32, #tpu.memory_space<hbm>> -> memref<16x1024xf32, #tpu.memory_space<hbm>>
      tpu.wait_dma2 semaphore(%arg13 : memref<!tpu.dma_semaphore, #tpu.memory_space<semaphore_mem>>) src(%arg9 : memref<16x1024xf32, #tpu.memory_space<vmem>>) dst(%dma_wait3A_359 : memref<16x1024xf32, #tpu.memory_space<hbm>>)
      %parallel_loop3A_360 = arith.constant 0 : i32
      %parallel_loop3A_361 = arith.constant 64 : i32
      %parallel_loop3A_362 = arith.constant 1 : i32
      scf.for %parallel_loop3A_409 = %parallel_loop3A_360 to %parallel_loop3A_361 step %parallel_loop3A_362  : i32 {
        %parallel_loop3A_410 = arith.constant 16 : i32
        %parallel_loop3A_411 = arith.muli %parallel_loop3A_409, %parallel_loop3A_410 : i32
        %parallel_loop3A_412 = arith.index_cast %parallel_loop3A_411 : i32 to index
        %parallel_loop3A_413 = tpu.vector_load %arg7[%parallel_loop3A_412] {strides = array<i32>} : memref<1024xi32, #tpu.memory_space<vmem>>, vector<16xi32>,
        %parallel_loop3A_414 = arith.constant 17 : i32
        %parallel_loop3A_415 = vector.broadcast %parallel_loop3A_414 : i32 to vector<16xi32>
        %parallel_loop3A_416 = arith.muli %parallel_loop3A_413, %parallel_loop3A_415 : vector<16xi32>
        %parallel_loop3A_417 = arith.constant 0 : i32
        %parallel_loop3A_418 = vector.broadcast %parallel_loop3A_417 : i32 to vector<16xi32>
        %parallel_loop3A_419 = arith.addi %parallel_loop3A_416, %parallel_loop3A_418 : vector<16xi32>
        %parallel_loop3A_420 = tpu.vector_load_idx %arg5[%parallel_loop3A_419] : memref<17000xf32, #tpu.memory_space<vmem>>[vector<16xi32>], vector<16xf32>,
        %parallel_loop3A_421 = arith.constant 16 : i32
        %parallel_loop3A_422 = arith.muli %parallel_loop3A_409, %parallel_loop3A_421 : i32
        %parallel_loop3A_423 = arith.constant 0 : i32
        %parallel_loop3A_424 = arith.index_cast %parallel_loop3A_423 : i32 to index
        %parallel_loop3A_425 = arith.index_cast %parallel_loop3A_422 : i32 to index
        %parallel_loop3A_426 = tpu.vector_load %arg9[%parallel_loop3A_424, %parallel_loop3A_425] {strides = array<i32>} : memref<16x1024xf32, #tpu.memory_space<vmem>>, vector<16xf32>,
        tpu.vector_store %arg9[%parallel_loop3A_424, %parallel_loop3A_425], %parallel_loop3A_420 {strides = array<i32>} : memref<16x1024xf32, #tpu.memory_space<vmem>>, vector<16xf32>,
        %parallel_loop3A_427 = arith.constant 1 : i32
        %parallel_loop3A_428 = vector.broadcast %parallel_loop3A_427 : i32 to vector<16xi32>
        %parallel_loop3A_429 = arith.addi %parallel_loop3A_416, %parallel_loop3A_428 : vector<16xi32>
        %parallel_loop3A_430 = tpu.vector_load_idx %arg5[%parallel_loop3A_429] : memref<17000xf32, #tpu.memory_space<vmem>>[vector<16xi32>], vector<16xf32>,
        %parallel_loop3A_431 = arith.constant 16 : i32
        %parallel_loop3A_432 = arith.muli %parallel_loop3A_409, %parallel_loop3A_431 : i32
        %parallel_loop3A_433 = arith.constant 1 : i32
        %parallel_loop3A_434 = arith.index_cast %parallel_loop3A_433 : i32 to index
        %parallel_loop3A_435 = arith.index_cast %parallel_loop3A_432 : i32 to index
        %parallel_loop3A_436 = tpu.vector_load %arg9[%parallel_loop3A_434, %parallel_loop3A_435] {strides = array<i32>} : memref<16x1024xf32, #tpu.memory_space<vmem>>, vector<16xf32>,
        tpu.vector_store %arg9[%parallel_loop3A_434, %parallel_loop3A_435], %parallel_loop3A_430 {strides = array<i32>} : memref<16x1024xf32, #tpu.memory_space<vmem>>, vector<16xf32>,
        %parallel_loop3A_437 = arith.constant 2 : i32
        %parallel_loop3A_438 = vector.broadcast %parallel_loop3A_437 : i32 to vector<16xi32>
        %parallel_loop3A_439 = arith.addi %parallel_loop3A_416, %parallel_loop3A_438 : vector<16xi32>
        %parallel_loop3A_440 = tpu.vector_load_idx %arg5[%parallel_loop3A_439] : memref<17000xf32, #tpu.memory_space<vmem>>[vector<16xi32>], vector<16xf32>,
        %parallel_loop3A_441 = arith.constant 16 : i32
        %parallel_loop3A_442 = arith.muli %parallel_loop3A_409, %parallel_loop3A_441 : i32
        %parallel_loop3A_443 = arith.constant 2 : i32
        %parallel_loop3A_444 = arith.index_cast %parallel_loop3A_443 : i32 to index
        %parallel_loop3A_445 = arith.index_cast %parallel_loop3A_442 : i32 to index
        %parallel_loop3A_446 = tpu.vector_load %arg9[%parallel_loop3A_444, %parallel_loop3A_445] {strides = array<i32>} : memref<16x1024xf32, #tpu.memory_space<vmem>>, vector<16xf32>,
        tpu.vector_store %arg9[%parallel_loop3A_444, %parallel_loop3A_445], %parallel_loop3A_440 {strides = array<i32>} : memref<16x1024xf32, #tpu.memory_space<vmem>>, vector<16xf32>,
        %parallel_loop3A_447 = arith.constant 3 : i32
        %parallel_loop3A_448 = vector.broadcast %parallel_loop3A_447 : i32 to vector<16xi32>
        %parallel_loop3A_449 = arith.addi %parallel_loop3A_416, %parallel_loop3A_448 : vector<16xi32>
        %parallel_loop3A_450 = tpu.vector_load_idx %arg5[%parallel_loop3A_449] : memref<17000xf32, #tpu.memory_space<vmem>>[vector<16xi32>], vector<16xf32>,
        %parallel_loop3A_451 = arith.constant 16 : i32
        %parallel_loop3A_452 = arith.muli %parallel_loop3A_409, %parallel_loop3A_451 : i32
        %parallel_loop3A_453 = arith.constant 3 : i32
        %parallel_loop3A_454 = arith.index_cast %parallel_loop3A_453 : i32 to index
        %parallel_loop3A_455 = arith.index_cast %parallel_loop3A_452 : i32 to index
        %parallel_loop3A_456 = tpu.vector_load %arg9[%parallel_loop3A_454, %parallel_loop3A_455] {strides = array<i32>} : memref<16x1024xf32, #tpu.memory_space<vmem>>, vector<16xf32>,
        tpu.vector_store %arg9[%parallel_loop3A_454, %parallel_loop3A_455], %parallel_loop3A_450 {strides = array<i32>} : memref<16x1024xf32, #tpu.memory_space<vmem>>, vector<16xf32>,
        %parallel_loop3A_457 = arith.constant 4 : i32
        %parallel_loop3A_458 = vector.broadcast %parallel_loop3A_457 : i32 to vector<16xi32>
        %parallel_loop3A_459 = arith.addi %parallel_loop3A_416, %parallel_loop3A_458 : vector<16xi32>
        %parallel_loop3A_460 = tpu.vector_load_idx %arg5[%parallel_loop3A_459] : memref<17000xf32, #tpu.memory_space<vmem>>[vector<16xi32>], vector<16xf32>,
        %parallel_loop3A_461 = arith.constant 16 : i32
        %parallel_loop3A_462 = arith.muli %parallel_loop3A_409, %parallel_loop3A_461 : i32
        %parallel_loop3A_463 = arith.constant 4 : i32
        %parallel_loop3A_464 = arith.index_cast %parallel_loop3A_463 : i32 to index
        %parallel_loop3A_465 = arith.index_cast %parallel_loop3A_462 : i32 to index
        %parallel_loop3A_466 = tpu.vector_load %arg9[%parallel_loop3A_464, %parallel_loop3A_465] {strides = array<i32>} : memref<16x1024xf32, #tpu.memory_space<vmem>>, vector<16xf32>,
        tpu.vector_store %arg9[%parallel_loop3A_464, %parallel_loop3A_465], %parallel_loop3A_460 {strides = array<i32>} : memref<16x1024xf32, #tpu.memory_space<vmem>>, vector<16xf32>,
        %parallel_loop3A_467 = arith.constant 5 : i32
        %parallel_loop3A_468 = vector.broadcast %parallel_loop3A_467 : i32 to vector<16xi32>
        %parallel_loop3A_469 = arith.addi %parallel_loop3A_416, %parallel_loop3A_468 : vector<16xi32>
        %parallel_loop3A_470 = tpu.vector_load_idx %arg5[%parallel_loop3A_469] : memref<17000xf32, #tpu.memory_space<vmem>>[vector<16xi32>], vector<16xf32>,
        %parallel_loop3A_471 = arith.constant 16 : i32
        %parallel_loop3A_472 = arith.muli %parallel_loop3A_409, %parallel_loop3A_471 : i32
        %parallel_loop3A_473 = arith.constant 5 : i32
        %parallel_loop3A_474 = arith.index_cast %parallel_loop3A_473 : i32 to index
        %parallel_loop3A_475 = arith.index_cast %parallel_loop3A_472 : i32 to index
        %parallel_loop3A_476 = tpu.vector_load %arg9[%parallel_loop3A_474, %parallel_loop3A_475] {strides = array<i32>} : memref<16x1024xf32, #tpu.memory_space<vmem>>, vector<16xf32>,
        tpu.vector_store %arg9[%parallel_loop3A_474, %parallel_loop3A_475], %parallel_loop3A_470 {strides = array<i32>} : memref<16x1024xf32, #tpu.memory_space<vmem>>, vector<16xf32>,
        %parallel_loop3A_477 = arith.constant 6 : i32
        %parallel_loop3A_478 = vector.broadcast %parallel_loop3A_477 : i32 to vector<16xi32>
        %parallel_loop3A_479 = arith.addi %parallel_loop3A_416, %parallel_loop3A_478 : vector<16xi32>
        %parallel_loop3A_480 = tpu.vector_load_idx %arg5[%parallel_loop3A_479] : memref<17000xf32, #tpu.memory_space<vmem>>[vector<16xi32>], vector<16xf32>,
        %parallel_loop3A_481 = arith.constant 16 : i32
        %parallel_loop3A_482 = arith.muli %parallel_loop3A_409, %parallel_loop3A_481 : i32
        %parallel_loop3A_483 = arith.constant 6 : i32
        %parallel_loop3A_484 = arith.index_cast %parallel_loop3A_483 : i32 to index
        %parallel_loop3A_485 = arith.index_cast %parallel_loop3A_482 : i32 to index
        %parallel_loop3A_486 = tpu.vector_load %arg9[%parallel_loop3A_484, %parallel_loop3A_485] {strides = array<i32>} : memref<16x1024xf32, #tpu.memory_space<vmem>>, vector<16xf32>,
        tpu.vector_store %arg9[%parallel_loop3A_484, %parallel_loop3A_485], %parallel_loop3A_480 {strides = array<i32>} : memref<16x1024xf32, #tpu.memory_space<vmem>>, vector<16xf32>,
        %parallel_loop3A_487 = arith.constant 7 : i32
        %parallel_loop3A_488 = vector.broadcast %parallel_loop3A_487 : i32 to vector<16xi32>
        %parallel_loop3A_489 = arith.addi %parallel_loop3A_416, %parallel_loop3A_488 : vector<16xi32>
        %parallel_loop3A_490 = tpu.vector_load_idx %arg5[%parallel_loop3A_489] : memref<17000xf32, #tpu.memory_space<vmem>>[vector<16xi32>], vector<16xf32>,
        %parallel_loop3A_491 = arith.constant 16 : i32
        %parallel_loop3A_492 = arith.muli %parallel_loop3A_409, %parallel_loop3A_491 : i32
        %parallel_loop3A_493 = arith.constant 7 : i32
        %parallel_loop3A_494 = arith.index_cast %parallel_loop3A_493 : i32 to index
        %parallel_loop3A_495 = arith.index_cast %parallel_loop3A_492 : i32 to index
        %parallel_loop3A_496 = tpu.vector_load %arg9[%parallel_loop3A_494, %parallel_loop3A_495] {strides = array<i32>} : memref<16x1024xf32, #tpu.memory_space<vmem>>, vector<16xf32>,
        tpu.vector_store %arg9[%parallel_loop3A_494, %parallel_loop3A_495], %parallel_loop3A_490 {strides = array<i32>} : memref<16x1024xf32, #tpu.memory_space<vmem>>, vector<16xf32>,
        %parallel_loop3A_497 = arith.constant 8 : i32
        %parallel_loop3A_498 = vector.broadcast %parallel_loop3A_497 : i32 to vector<16xi32>
        %parallel_loop3A_499 = arith.addi %parallel_loop3A_416, %parallel_loop3A_498 : vector<16xi32>
        %parallel_loop3A_500 = tpu.vector_load_idx %arg5[%parallel_loop3A_499] : memref<17000xf32, #tpu.memory_space<vmem>>[vector<16xi32>], vector<16xf32>,
        %parallel_loop3A_501 = arith.constant 16 : i32
        %parallel_loop3A_502 = arith.muli %parallel_loop3A_409, %parallel_loop3A_501 : i32
        %parallel_loop3A_503 = arith.constant 8 : i32
        %parallel_loop3A_504 = arith.index_cast %parallel_loop3A_503 : i32 to index
        %parallel_loop3A_505 = arith.index_cast %parallel_loop3A_502 : i32 to index
        %parallel_loop3A_506 = tpu.vector_load %arg9[%parallel_loop3A_504, %parallel_loop3A_505] {strides = array<i32>} : memref<16x1024xf32, #tpu.memory_space<vmem>>, vector<16xf32>,
        tpu.vector_store %arg9[%parallel_loop3A_504, %parallel_loop3A_505], %parallel_loop3A_500 {strides = array<i32>} : memref<16x1024xf32, #tpu.memory_space<vmem>>, vector<16xf32>,
        %parallel_loop3A_507 = arith.constant 9 : i32
        %parallel_loop3A_508 = vector.broadcast %parallel_loop3A_507 : i32 to vector<16xi32>
        %parallel_loop3A_509 = arith.addi %parallel_loop3A_416, %parallel_loop3A_508 : vector<16xi32>
        %parallel_loop3A_510 = tpu.vector_load_idx %arg5[%parallel_loop3A_509] : memref<17000xf32, #tpu.memory_space<vmem>>[vector<16xi32>], vector<16xf32>,
        %parallel_loop3A_511 = arith.constant 16 : i32
        %parallel_loop3A_512 = arith.muli %parallel_loop3A_409, %parallel_loop3A_511 : i32
        %parallel_loop3A_513 = arith.constant 9 : i32
        %parallel_loop3A_514 = arith.index_cast %parallel_loop3A_513 : i32 to index
        %parallel_loop3A_515 = arith.index_cast %parallel_loop3A_512 : i32 to index
        %parallel_loop3A_516 = tpu.vector_load %arg9[%parallel_loop3A_514, %parallel_loop3A_515] {strides = array<i32>} : memref<16x1024xf32, #tpu.memory_space<vmem>>, vector<16xf32>,
        tpu.vector_store %arg9[%parallel_loop3A_514, %parallel_loop3A_515], %parallel_loop3A_510 {strides = array<i32>} : memref<16x1024xf32, #tpu.memory_space<vmem>>, vector<16xf32>,
        %parallel_loop3A_517 = arith.constant 10 : i32
        %parallel_loop3A_518 = vector.broadcast %parallel_loop3A_517 : i32 to vector<16xi32>
        %parallel_loop3A_519 = arith.addi %parallel_loop3A_416, %parallel_loop3A_518 : vector<16xi32>
        %parallel_loop3A_520 = tpu.vector_load_idx %arg5[%parallel_loop3A_519] : memref<17000xf32, #tpu.memory_space<vmem>>[vector<16xi32>], vector<16xf32>,
        %parallel_loop3A_521 = arith.constant 16 : i32
        %parallel_loop3A_522 = arith.muli %parallel_loop3A_409, %parallel_loop3A_521 : i32
        %parallel_loop3A_523 = arith.constant 10 : i32
        %parallel_loop3A_524 = arith.index_cast %parallel_loop3A_523 : i32 to index
        %parallel_loop3A_525 = arith.index_cast %parallel_loop3A_522 : i32 to index
        %parallel_loop3A_526 = tpu.vector_load %arg9[%parallel_loop3A_524, %parallel_loop3A_525] {strides = array<i32>} : memref<16x1024xf32, #tpu.memory_space<vmem>>, vector<16xf32>,
        tpu.vector_store %arg9[%parallel_loop3A_524, %parallel_loop3A_525], %parallel_loop3A_520 {strides = array<i32>} : memref<16x1024xf32, #tpu.memory_space<vmem>>, vector<16xf32>,
        %parallel_loop3A_527 = arith.constant 11 : i32
        %parallel_loop3A_528 = vector.broadcast %parallel_loop3A_527 : i32 to vector<16xi32>
        %parallel_loop3A_529 = arith.addi %parallel_loop3A_416, %parallel_loop3A_528 : vector<16xi32>
        %parallel_loop3A_530 = tpu.vector_load_idx %arg5[%parallel_loop3A_529] : memref<17000xf32, #tpu.memory_space<vmem>>[vector<16xi32>], vector<16xf32>,
        %parallel_loop3A_531 = arith.constant 16 : i32
        %parallel_loop3A_532 = arith.muli %parallel_loop3A_409, %parallel_loop3A_531 : i32
        %parallel_loop3A_533 = arith.constant 11 : i32
        %parallel_loop3A_534 = arith.index_cast %parallel_loop3A_533 : i32 to index
        %parallel_loop3A_535 = arith.index_cast %parallel_loop3A_532 : i32 to index
        %parallel_loop3A_536 = tpu.vector_load %arg9[%parallel_loop3A_534, %parallel_loop3A_535] {strides = array<i32>} : memref<16x1024xf32, #tpu.memory_space<vmem>>, vector<16xf32>,
        tpu.vector_store %arg9[%parallel_loop3A_534, %parallel_loop3A_535], %parallel_loop3A_530 {strides = array<i32>} : memref<16x1024xf32, #tpu.memory_space<vmem>>, vector<16xf32>,
        %parallel_loop3A_537 = arith.constant 12 : i32
        %parallel_loop3A_538 = vector.broadcast %parallel_loop3A_537 : i32 to vector<16xi32>
        %parallel_loop3A_539 = arith.addi %parallel_loop3A_416, %parallel_loop3A_538 : vector<16xi32>
        %parallel_loop3A_540 = tpu.vector_load_idx %arg5[%parallel_loop3A_539] : memref<17000xf32, #tpu.memory_space<vmem>>[vector<16xi32>], vector<16xf32>,
        %parallel_loop3A_541 = arith.constant 16 : i32
        %parallel_loop3A_542 = arith.muli %parallel_loop3A_409, %parallel_loop3A_541 : i32
        %parallel_loop3A_543 = arith.constant 12 : i32
        %parallel_loop3A_544 = arith.index_cast %parallel_loop3A_543 : i32 to index
        %parallel_loop3A_545 = arith.index_cast %parallel_loop3A_542 : i32 to index
        %parallel_loop3A_546 = tpu.vector_load %arg9[%parallel_loop3A_544, %parallel_loop3A_545] {strides = array<i32>} : memref<16x1024xf32, #tpu.memory_space<vmem>>, vector<16xf32>,
        tpu.vector_store %arg9[%parallel_loop3A_544, %parallel_loop3A_545], %parallel_loop3A_540 {strides = array<i32>} : memref<16x1024xf32, #tpu.memory_space<vmem>>, vector<16xf32>,
        %parallel_loop3A_547 = arith.constant 13 : i32
        %parallel_loop3A_548 = vector.broadcast %parallel_loop3A_547 : i32 to vector<16xi32>
        %parallel_loop3A_549 = arith.addi %parallel_loop3A_416, %parallel_loop3A_548 : vector<16xi32>
        %parallel_loop3A_550 = tpu.vector_load_idx %arg5[%parallel_loop3A_549] : memref<17000xf32, #tpu.memory_space<vmem>>[vector<16xi32>], vector<16xf32>,
        %parallel_loop3A_551 = arith.constant 16 : i32
        %parallel_loop3A_552 = arith.muli %parallel_loop3A_409, %parallel_loop3A_551 : i32
        %parallel_loop3A_553 = arith.constant 13 : i32
        %parallel_loop3A_554 = arith.index_cast %parallel_loop3A_553 : i32 to index
        %parallel_loop3A_555 = arith.index_cast %parallel_loop3A_552 : i32 to index
        %parallel_loop3A_556 = tpu.vector_load %arg9[%parallel_loop3A_554, %parallel_loop3A_555] {strides = array<i32>} : memref<16x1024xf32, #tpu.memory_space<vmem>>, vector<16xf32>,
        tpu.vector_store %arg9[%parallel_loop3A_554, %parallel_loop3A_555], %parallel_loop3A_550 {strides = array<i32>} : memref<16x1024xf32, #tpu.memory_space<vmem>>, vector<16xf32>,
        %parallel_loop3A_557 = arith.constant 14 : i32
        %parallel_loop3A_558 = vector.broadcast %parallel_loop3A_557 : i32 to vector<16xi32>
        %parallel_loop3A_559 = arith.addi %parallel_loop3A_416, %parallel_loop3A_558 : vector<16xi32>
        %parallel_loop3A_560 = tpu.vector_load_idx %arg5[%parallel_loop3A_559] : memref<17000xf32, #tpu.memory_space<vmem>>[vector<16xi32>], vector<16xf32>,
        %parallel_loop3A_561 = arith.constant 16 : i32
        %parallel_loop3A_562 = arith.muli %parallel_loop3A_409, %parallel_loop3A_561 : i32
        %parallel_loop3A_563 = arith.constant 14 : i32
        %parallel_loop3A_564 = arith.index_cast %parallel_loop3A_563 : i32 to index
        %parallel_loop3A_565 = arith.index_cast %parallel_loop3A_562 : i32 to index
        %parallel_loop3A_566 = tpu.vector_load %arg9[%parallel_loop3A_564, %parallel_loop3A_565] {strides = array<i32>} : memref<16x1024xf32, #tpu.memory_space<vmem>>, vector<16xf32>,
        tpu.vector_store %arg9[%parallel_loop3A_564, %parallel_loop3A_565], %parallel_loop3A_560 {strides = array<i32>} : memref<16x1024xf32, #tpu.memory_space<vmem>>, vector<16xf32>,
        %parallel_loop3A_567 = arith.constant 15 : i32
        %parallel_loop3A_568 = vector.broadcast %parallel_loop3A_567 : i32 to vector<16xi32>
        %parallel_loop3A_569 = arith.addi %parallel_loop3A_416, %parallel_loop3A_568 : vector<16xi32>
        %parallel_loop3A_570 = tpu.vector_load_idx %arg5[%parallel_loop3A_569] : memref<17000xf32, #tpu.memory_space<vmem>>[vector<16xi32>], vector<16xf32>,
        %parallel_loop3A_571 = arith.constant 16 : i32
        %parallel_loop3A_572 = arith.muli %parallel_loop3A_409, %parallel_loop3A_571 : i32
        %parallel_loop3A_573 = arith.constant 15 : i32
        %parallel_loop3A_574 = arith.index_cast %parallel_loop3A_573 : i32 to index
        %parallel_loop3A_575 = arith.index_cast %parallel_loop3A_572 : i32 to index
        %parallel_loop3A_576 = tpu.vector_load %arg9[%parallel_loop3A_574, %parallel_loop3A_575] {strides = array<i32>} : memref<16x1024xf32, #tpu.memory_space<vmem>>, vector<16xf32>,
        tpu.vector_store %arg9[%parallel_loop3A_574, %parallel_loop3A_575], %parallel_loop3A_570 {strides = array<i32>} : memref<16x1024xf32, #tpu.memory_space<vmem>>, vector<16xf32>,
      } {sc.loop_unroll_factor = 4 : i64, sc.parallel_access}
      %jit3A_363 = arith.constant 16 : i32
      %div3A_364 = arith.divsi %add3A_318, %jit3A_363 : i32
      %sign3A_365 = arith.constant 0 : i32
      %sign3A_366 = arith.cmpi sgt, %add3A_318, %sign3A_365 : i32
      %sign3A_367 = arith.extui %sign3A_366 : i1 to i32
      %sign3A_368 = arith.constant 0 : i32
      %sign3A_369 = arith.cmpi slt, %add3A_318, %sign3A_368 : i32
      %sign3A_370 = arith.extui %sign3A_369 : i1 to i32
      %sign3A_371 = arith.subi %sign3A_367, %sign3A_370 : i32
      %sign3A_372 = arith.constant 0 : i32
      %sign3A_373 = arith.cmpi sgt, %jit3A_363, %sign3A_372 : i32
      %sign3A_374 = arith.extui %sign3A_373 : i1 to i32
      %sign3A_375 = arith.constant 0 : i32
      %sign3A_376 = arith.cmpi slt, %jit3A_363, %sign3A_375 : i32
      %sign3A_377 = arith.extui %sign3A_376 : i1 to i32
      %sign3A_378 = arith.subi %sign3A_374, %sign3A_377 : i32
      %ne3A_379 = arith.cmpi ne, %sign3A_371, %sign3A_378 : i32
      %rem3A_380 = arith.remsi %add3A_318, %jit3A_363 : i32
      %ne3A_381 = arith.constant 0 : i32
      %ne3A_382 = arith.cmpi ne, %rem3A_380, %ne3A_381 : i32
      %and3A_383 = arith.andi %ne3A_379, %ne3A_382 : i1
      %sub3A_384 = arith.constant 1 : i32
      %sub3A_385 = arith.subi %div3A_364, %sub3A_384 : i32
      %select_n3A_386 = arith.select %and3A_383, %sub3A_385, %div3A_364 : i32
      %mul3A_387 = arith.constant 16 : i32
      %mul3A_388 = arith.muli %select_n3A_386, %mul3A_387 : i32
      %sub3A_389 = arith.subi %add3A_318, %mul3A_388 : i32
      %dma_start3A_390 = arith.constant 0 : i32
      %dma_start3A_391 = arith.constant 0 : i32
      %dma_start3A_392 = tpu.memref_slice %arg4[%select_n3A_386, %sub3A_389, %dma_start3A_390, %dma_start3A_391] : memref<200x16x16x1024xf32, #tpu.memory_space<hbm>> -> memref<1x1x16x1024xf32, #tpu.memory_space<hbm>>
      %dma_start3A_393 = tpu.memref_squeeze %dma_start3A_392 : memref<1x1x16x1024xf32, #tpu.memory_space<hbm>> -> memref<16x1024xf32, #tpu.memory_space<hbm>>
      %dma_start3A_394 = arith.constant 0 : i32
      %dma_start3A_395 = arith.constant 0 : i32
      %dma_start3A_396 = tpu.memref_slice %arg4[%select_n3A_386, %sub3A_389, %dma_start3A_394, %dma_start3A_395] : memref<200x16x16x1024xf32, #tpu.memory_space<hbm>> -> memref<1x1x16x1024xf32, #tpu.memory_space<hbm>>
      %dma_start3A_397 = tpu.memref_squeeze %dma_start3A_396 : memref<1x1x16x1024xf32, #tpu.memory_space<hbm>> -> memref<16x1024xf32, #tpu.memory_space<hbm>>
      tpu.enqueue_dma source(%arg9 : memref<16x1024xf32, #tpu.memory_space<vmem>>) target(%dma_start3A_397 : memref<16x1024xf32, #tpu.memory_space<hbm>>) target_semaphore(%arg13 : memref<!tpu.dma_semaphore, #tpu.memory_space<semaphore_mem>>)
      %add3A_398 = arith.constant 2 : i32
      %add3A_399 = arith.addi %add3A_318, %add3A_398 : i32
      %add3A_400 = arith.constant 100 : i32
      %add3A_401 = arith.addi %mul3A_2, %add3A_400 : i32
      %sub3A_402 = arith.constant 1 : i32
      %sub3A_403 = arith.subi %add3A_401, %sub3A_402 : i32
      %min3A_404 = arith.minsi %add3A_399, %sub3A_403 : i32
      %mul3A_405 = arith.constant 1024 : i32
      %mul3A_406 = arith.muli %min3A_404, %mul3A_405 : i32
      %dma_start3A_407 = tpu.memref_slice %arg2[%mul3A_406] : memref<3276800xi32, #tpu.memory_space<hbm>> -> memref<1024xi32, #tpu.memory_space<hbm>>
      %dma_start3A_408 = tpu.memref_slice %arg2[%mul3A_406] : memref<3276800xi32, #tpu.memory_space<hbm>> -> memref<1024xi32, #tpu.memory_space<hbm>>
      tpu.enqueue_dma source(%dma_start3A_408 : memref<1024xi32, #tpu.memory_space<hbm>>) target(%arg7 : memref<1024xi32, #tpu.memory_space<vmem>>) target_semaphore(%arg11 : memref<!tpu.dma_semaphore, #tpu.memory_space<semaphore_mem>>)
    }
    %scan3A_116 = arith.constant 49 : i32
    %add3A_117 = arith.constant 100 : i32
    %add3A_118 = arith.addi %mul3A_2, %add3A_117 : i32
    %sub3A_119 = arith.constant 1 : i32
    %sub3A_120 = arith.subi %add3A_118, %sub3A_119 : i32
    %mul3A_121 = arith.constant 1024 : i32
    %mul3A_122 = arith.muli %sub3A_120, %mul3A_121 : i32
    %dma_wait3A_123 = tpu.memref_slice %arg2[%mul3A_122] : memref<3276800xi32, #tpu.memory_space<hbm>> -> memref<1024xi32, #tpu.memory_space<hbm>>
    %dma_wait3A_124 = tpu.memref_slice %arg2[%mul3A_122] : memref<3276800xi32, #tpu.memory_space<hbm>> -> memref<1024xi32, #tpu.memory_space<hbm>>
    tpu.wait_dma2 semaphore(%arg10 : memref<!tpu.dma_semaphore, #tpu.memory_space<semaphore_mem>>) src(%dma_wait3A_124 : memref<1024xi32, #tpu.memory_space<hbm>>) dst(%arg6 : memref<1024xi32, #tpu.memory_space<vmem>>)
    %add3A_125 = arith.constant 100 : i32
    %add3A_126 = arith.addi %mul3A_2, %add3A_125 : i32
    %sub3A_127 = arith.constant 2 : i32
    %sub3A_128 = arith.subi %add3A_126, %sub3A_127 : i32
    %add3A_129 = arith.constant 0 : i32
    %add3A_130 = arith.addi %sub3A_128, %add3A_129 : i32
    %jit3A_131 = arith.constant 16 : i32
    %div3A_132 = arith.divsi %add3A_130, %jit3A_131 : i32
    %sign3A_133 = arith.constant 0 : i32
    %sign3A_134 = arith.cmpi sgt, %add3A_130, %sign3A_133 : i32
    %sign3A_135 = arith.extui %sign3A_134 : i1 to i32
    %sign3A_136 = arith.constant 0 : i32
    %sign3A_137 = arith.cmpi slt, %add3A_130, %sign3A_136 : i32
    %sign3A_138 = arith.extui %sign3A_137 : i1 to i32
    %sign3A_139 = arith.subi %sign3A_135, %sign3A_138 : i32
    %sign3A_140 = arith.constant 0 : i32
    %sign3A_141 = arith.cmpi sgt, %jit3A_131, %sign3A_140 : i32
    %sign3A_142 = arith.extui %sign3A_141 : i1 to i32
    %sign3A_143 = arith.constant 0 : i32
    %sign3A_144 = arith.cmpi slt, %jit3A_131, %sign3A_143 : i32
    %sign3A_145 = arith.extui %sign3A_144 : i1 to i32
    %sign3A_146 = arith.subi %sign3A_142, %sign3A_145 : i32
    %ne3A_147 = arith.cmpi ne, %sign3A_139, %sign3A_146 : i32
    %rem3A_148 = arith.remsi %add3A_130, %jit3A_131 : i32
    %ne3A_149 = arith.constant 0 : i32
    %ne3A_150 = arith.cmpi ne, %rem3A_148, %ne3A_149 : i32
    %and3A_151 = arith.andi %ne3A_147, %ne3A_150 : i1
    %sub3A_152 = arith.constant 1 : i32
    %sub3A_153 = arith.subi %div3A_132, %sub3A_152 : i32
    %select_n3A_154 = arith.select %and3A_151, %sub3A_153, %div3A_132 : i32
    %mul3A_155 = arith.constant 16 : i32
    %mul3A_156 = arith.muli %select_n3A_154, %mul3A_155 : i32
    %sub3A_157 = arith.subi %add3A_130, %mul3A_156 : i32
    %dma_wait3A_158 = arith.constant 0 : i32
    %dma_wait3A_159 = arith.constant 0 : i32
    %dma_wait3A_160 = tpu.memref_slice %arg4[%select_n3A_154, %sub3A_157, %dma_wait3A_158, %dma_wait3A_159] : memref<200x16x16x1024xf32, #tpu.memory_space<hbm>> -> memref<1x1x16x1024xf32, #tpu.memory_space<hbm>>
    %dma_wait3A_161 = tpu.memref_squeeze %dma_wait3A_160 : memref<1x1x16x1024xf32, #tpu.memory_space<hbm>> -> memref<16x1024xf32, #tpu.memory_space<hbm>>
    %dma_wait3A_162 = arith.constant 0 : i32
    %dma_wait3A_163 = arith.constant 0 : i32
    %dma_wait3A_164 = tpu.memref_slice %arg4[%select_n3A_154, %sub3A_157, %dma_wait3A_162, %dma_wait3A_163] : memref<200x16x16x1024xf32, #tpu.memory_space<hbm>> -> memref<1x1x16x1024xf32, #tpu.memory_space<hbm>>
    %dma_wait3A_165 = tpu.memref_squeeze %dma_wait3A_164 : memref<1x1x16x1024xf32, #tpu.memory_space<hbm>> -> memref<16x1024xf32, #tpu.memory_space<hbm>>
    tpu.wait_dma2 semaphore(%arg12 : memref<!tpu.dma_semaphore, #tpu.memory_space<semaphore_mem>>) src(%arg8 : memref<16x1024xf32, #tpu.memory_space<vmem>>) dst(%dma_wait3A_165 : memref<16x1024xf32, #tpu.memory_space<hbm>>)
    %add3A_166 = arith.constant 100 : i32
    %add3A_167 = arith.addi %mul3A_2, %add3A_166 : i32
    %sub3A_168 = arith.constant 1 : i32
    %sub3A_169 = arith.subi %add3A_167, %sub3A_168 : i32
    %mul3A_170 = arith.constant 1024 : i32
    %mul3A_171 = arith.muli %sub3A_169, %mul3A_170 : i32
    %dma_wait3A_172 = tpu.memref_slice %arg2[%mul3A_171] : memref<3276800xi32, #tpu.memory_space<hbm>> -> memref<1024xi32, #tpu.memory_space<hbm>>
    %dma_wait3A_173 = tpu.memref_slice %arg2[%mul3A_171] : memref<3276800xi32, #tpu.memory_space<hbm>> -> memref<1024xi32, #tpu.memory_space<hbm>>
    tpu.wait_dma2 semaphore(%arg11 : memref<!tpu.dma_semaphore, #tpu.memory_space<semaphore_mem>>) src(%dma_wait3A_173 : memref<1024xi32, #tpu.memory_space<hbm>>) dst(%arg7 : memref<1024xi32, #tpu.memory_space<vmem>>)
    %add3A_174 = arith.constant 100 : i32
    %add3A_175 = arith.addi %mul3A_2, %add3A_174 : i32
    %sub3A_176 = arith.constant 2 : i32
    %sub3A_177 = arith.subi %add3A_175, %sub3A_176 : i32
    %add3A_178 = arith.constant 1 : i32
    %add3A_179 = arith.addi %sub3A_177, %add3A_178 : i32
    %jit3A_180 = arith.constant 16 : i32
    %div3A_181 = arith.divsi %add3A_179, %jit3A_180 : i32
    %sign3A_182 = arith.constant 0 : i32
    %sign3A_183 = arith.cmpi sgt, %add3A_179, %sign3A_182 : i32
    %sign3A_184 = arith.extui %sign3A_183 : i1 to i32
    %sign3A_185 = arith.constant 0 : i32
    %sign3A_186 = arith.cmpi slt, %add3A_179, %sign3A_185 : i32
    %sign3A_187 = arith.extui %sign3A_186 : i1 to i32
    %sign3A_188 = arith.subi %sign3A_184, %sign3A_187 : i32
    %sign3A_189 = arith.constant 0 : i32
    %sign3A_190 = arith.cmpi sgt, %jit3A_180, %sign3A_189 : i32
    %sign3A_191 = arith.extui %sign3A_190 : i1 to i32
    %sign3A_192 = arith.constant 0 : i32
    %sign3A_193 = arith.cmpi slt, %jit3A_180, %sign3A_192 : i32
    %sign3A_194 = arith.extui %sign3A_193 : i1 to i32
    %sign3A_195 = arith.subi %sign3A_191, %sign3A_194 : i32
    %ne3A_196 = arith.cmpi ne, %sign3A_188, %sign3A_195 : i32
    %rem3A_197 = arith.remsi %add3A_179, %jit3A_180 : i32
    %ne3A_198 = arith.constant 0 : i32
    %ne3A_199 = arith.cmpi ne, %rem3A_197, %ne3A_198 : i32
    %and3A_200 = arith.andi %ne3A_196, %ne3A_199 : i1
    %sub3A_201 = arith.constant 1 : i32
    %sub3A_202 = arith.subi %div3A_181, %sub3A_201 : i32
    %select_n3A_203 = arith.select %and3A_200, %sub3A_202, %div3A_181 : i32
    %mul3A_204 = arith.constant 16 : i32
    %mul3A_205 = arith.muli %select_n3A_203, %mul3A_204 : i32
    %sub3A_206 = arith.subi %add3A_179, %mul3A_205 : i32
    %dma_wait3A_207 = arith.constant 0 : i32
    %dma_wait3A_208 = arith.constant 0 : i32
    %dma_wait3A_209 = tpu.memref_slice %arg4[%select_n3A_203, %sub3A_206, %dma_wait3A_207, %dma_wait3A_208] : memref<200x16x16x1024xf32, #tpu.memory_space<hbm>> -> memref<1x1x16x1024xf32, #tpu.memory_space<hbm>>
    %dma_wait3A_210 = tpu.memref_squeeze %dma_wait3A_209 : memref<1x1x16x1024xf32, #tpu.memory_space<hbm>> -> memref<16x1024xf32, #tpu.memory_space<hbm>>
    %dma_wait3A_211 = arith.constant 0 : i32
    %dma_wait3A_212 = arith.constant 0 : i32
    %dma_wait3A_213 = tpu.memref_slice %arg4[%select_n3A_203, %sub3A_206, %dma_wait3A_211, %dma_wait3A_212] : memref<200x16x16x1024xf32, #tpu.memory_space<hbm>> -> memref<1x1x16x1024xf32, #tpu.memory_space<hbm>>
    %dma_wait3A_214 = tpu.memref_squeeze %dma_wait3A_213 : memref<1x1x16x1024xf32, #tpu.memory_space<hbm>> -> memref<16x1024xf32, #tpu.memory_space<hbm>>
    tpu.wait_dma2 semaphore(%arg13 : memref<!tpu.dma_semaphore, #tpu.memory_space<semaphore_mem>>) src(%arg9 : memref<16x1024xf32, #tpu.memory_space<vmem>>) dst(%dma_wait3A_214 : memref<16x1024xf32, #tpu.memory_space<hbm>>)
    return
  }
}

</mosaic_0001>

<sc_bundles>
// kernel: kernel.3.cloned.1.call-start
scs
__scs_entry_jumppad:
0x0: {  	(pc) =	sbr.rel $0x88, $3  }
0x1: {  	(tag) =	ssettag $0x0;
	lr =	simm.s32 $0x1  }
0x2: {  	[smem:$0x3F9F] =	sst lr;
	_ =	strace $0xD0000000  }
0x3: {  	_ = 	snop  }
0x4: {  	_ = 	snop  }
0x5: {  	_ = 	snop  }
0x6: {  	_ = 	snop  }
0x7: {  	_ = 	snop  }
__scs_overlays_trampoline_lowered:
0x8: {  	[smem:$0x3FAE] =	sst s0  }
0x9: {  	[smem:$0x3FAF] =	sst s1  }
0xa: {  	[smem:$0x3FB0] =	sst s2  }
0xb: {  	[smem:$0x3FB1] =	sst s3  }
0xc: {  	[smem:$0x3FB2] =	sst s4  }
0xd: {  	[smem:$0x3FB3] =	sst s5  }
0xe: {  	[smem:$0x3FB4] =	sst s6  }
0xf: {  	[smem:$0x3FB5] =	sst s7  }
0x10: {  	[smem:$0x3FB6] =	sst s8  }
0x11: {  	[smem:$0x3FB7] =	sst s9;
	s0 =	simm.s32 @!p0 $0x0  }
0x12: {  	s1 =	sld [smem:$0x3F9D];
	s0 =	simm.s32 @p0 $0x1  }
0x13: {  	[smem:$0x3FB8] =	sst s0;
	s0 =	simm.s32 @!p1 $0x0  }
0x14: {  	s2 =	sld [smem:$0x3F9C];
	s0 =	simm.s32 @p1 $0x1  }
0x15: {  	[smem:$0x3FB9] =	sst s0;
	s0 =	simm.s32 @!p2 $0x0  }
0x16: {  	s3 =	sld [smem:$0x3FDB];
	s0 =	simm.s32 @p2 $0x1  }
0x17: {  	s4 =	simm.s32 $0x1BF5;
	[smem:$0x3FBB] =	sst s0  }
0x18: {  	s0 =	sld [smem:$0x3F9E];
	_ =	swait.ge [sflag:s4], $0x0  }
0x19: {  	s7 =	sld [smem:$0x3F9F]  }
0x1a: {  	s8 =	sadd.s32 $0xFFFFE003, lr  }
0x1b: {  	s9 =	sadd.s32 $0xFFFFFEF7, lr;
	s5 =	simm.s32 $0xFFFFFFFF;
	p2 =	slt.u32 s8, $0xFFFFF086  }
0x1c: {  	p1 =	slt.u32 s9, $0xF7A;
	s5 =	simm.s32 @!p2 $0x0  }
0x1d: {  	s5 =	simm.s32 @p1 $0x1;
	p0 =	seq.s32 s7, s2  }
0x1e: {  	s7 =	smul.u32 @!p0 $0xF7A, s2;
	p2 =	seq.s32 @!p0 s5, $0x0  }
0x1f: {  	s9 =	smul.u32 $0xF7A, s1;
	s8 =	simm.s32 @!p0 $0x1BF5;
	p2 =	por !p2, p0  }
0x20: {  	[sflag:s8] =	ssyncset.s32 @!p0 $0xFFFFF086;
	s6 =	sadd.s32 @!p0 s3, s7;
	s7 =	simm.s32 @!p0 $0x108  }
0x21: {  	s3 =	sadd.s32 s3, s9;
	s6 =	sadd.s32 @!p0 $0x88, s6;
	s7 =	simm.s32 @p2 $0x1082  }
0x22: {  	[simem:s7], [sflag:s8] =	dma.local @!p0 [hbm:s6], $0xF7A  }
0x23: {  	s9 =	sor.u32 $0xD0000000, s2;
	s6 =	simm.s32 $0x108;
	_ =	swait.ge @!p0 [sflag:s8], $0x0  }
0x24: {  	s3 =	sadd.s32 $0x88, s3;
	s6 =	simm.s32 @!p1 $0x1082;
	[sflag:s4] =	ssyncset.s32 $0xFFFFF086  }
0x25: {  	[simem:s6], [sflag:s4] =	dma.local [hbm:s3], $0xF7A  }
0x26: {  	[smem:$0x3F9F] =	sst s1;
	(tag) =	ssettag s2;
	_ =	strace s9  }
0x27: {  	s1 =	sld [smem:$0x3FAF]  }
0x28: {  	s2 =	sld [smem:$0x3FB0]  }
0x29: {  	s4 =	sld [smem:$0x3FB2]  }
0x2a: {  	p0 =	seq.s32 s5, $0x0;
	s5 =	sld [smem:$0x3FB3]  }
0x2b: {  	s6 =	sld [smem:$0x3FB4]  }
0x2c: {  	s7 =	sld [smem:$0x3FB5]  }
0x2d: {  	s3 =	simm.s32 $0x108;
	s8 =	sld [smem:$0x3FB6]  }
0x2e: {  	s3 =	simm.s32 @!p0 $0x1082;
	s9 =	sld [smem:$0x3FB7]  }
0x2f: {  	lr =	sadd.s32 s0, s3;
	s0 =	sld [smem:$0x3FAE]  }
0x30: {  	s3 =	sld [smem:$0x3FB1]  }
0x31: {  	[smem:$0x3FBA] =	sst s10  }
0x32: {  	s10 =	sld [smem:$0x3FB8];
	_ =	sdelay $0x3  }
0x33: {  	p0 =	seq.s32 s10, $0x1;
	s10 =	sld [smem:$0x3FBA];
	_ =	sdelay $0x3  }
0x34: {  	[smem:$0x3FBA] =	sst s10  }
0x35: {  	s10 =	sld [smem:$0x3FB9];
	_ =	sdelay $0x3  }
0x36: {  	p1 =	seq.s32 s10, $0x1;
	s10 =	sld [smem:$0x3FBA];
	_ =	sdelay $0x3  }
0x37: {  	[smem:$0x3FBA] =	sst s10  }
0x38: {  	s10 =	sld [smem:$0x3FBB]  }
0x39: {  	_ = 	snop;
	(pc) =	sbr.ind lr, $3  }
0x3a: {  	_ = 	snop  }
0x3b: {  	_ = 	snop  }
0x3c: {  	p2 =	seq.s32 s10, $0x1;
	s10 =	sld [smem:$0x3FBA]  }
0x3d: {  	_ =	shalt  }
0x3e: {  	_ =	shalt  }
0x3f: {  	_ =	shalt  }
0x40: {  	_ =	shalt  }
0x41: {  	_ =	shalt  }
0x42: {  	_ =	shalt  }
0x43: {  	_ =	shalt  }
0x44: {  	_ =	shalt  }
0x45: {  	_ =	shalt  }
0x46: {  	_ =	shalt  }
0x47: {  	_ =	shalt  }
0x48: {  	_ =	shalt  }
0x49: {  	_ =	shalt  }
0x4a: {  	_ =	shalt  }
0x4b: {  	_ =	shalt  }
0x4c: {  	_ =	shalt  }
0x4d: {  	_ =	shalt  }
0x4e: {  	_ =	shalt  }
0x4f: {  	_ =	shalt  }
0x50: {  	_ =	shalt  }
0x51: {  	_ =	shalt  }
0x52: {  	_ =	shalt  }
0x53: {  	_ =	shalt  }
0x54: {  	_ =	shalt  }
0x55: {  	_ =	shalt  }
0x56: {  	_ =	shalt  }
0x57: {  	_ =	shalt  }
0x58: {  	_ =	shalt  }
0x59: {  	_ =	shalt  }
0x5a: {  	_ =	shalt  }
0x5b: {  	_ =	shalt  }
0x5c: {  	_ =	shalt  }
0x5d: {  	_ =	shalt  }
0x5e: {  	_ =	shalt  }
0x5f: {  	_ =	shalt  }
0x60: {  	_ =	shalt  }
0x61: {  	_ =	shalt  }
0x62: {  	_ =	shalt  }
0x63: {  	_ =	shalt  }
0x64: {  	_ =	shalt  }
0x65: {  	_ =	shalt  }
0x66: {  	_ =	shalt  }
0x67: {  	_ =	shalt  }
0x68: {  	_ =	shalt  }
0x69: {  	_ =	shalt  }
0x6a: {  	_ =	shalt  }
0x6b: {  	_ =	shalt  }
0x6c: {  	_ =	shalt  }
0x6d: {  	_ =	shalt  }
0x6e: {  	_ =	shalt  }
0x6f: {  	_ =	shalt  }
0x70: {  	_ =	shalt  }
0x71: {  	_ =	shalt  }
0x72: {  	_ =	shalt  }
0x73: {  	_ =	shalt  }
0x74: {  	_ =	shalt  }
0x75: {  	_ =	shalt  }
0x76: {  	_ =	shalt  }
0x77: {  	_ =	shalt  }
0x78: {  	_ =	shalt  }
0x79: {  	_ =	shalt  }
0x7a: {  	_ =	shalt  }
0x7b: {  	_ =	shalt  }
0x7c: {  	_ =	shalt  }
0x7d: {  	_ =	shalt  }
0x7e: {  	_ =	shalt  }
0x7f: {  	_ =	shalt  }
0x80: {  	_ =	shalt  }
0x81: {  	_ =	shalt  }
0x82: {  	_ =	shalt  }
0x83: {  	_ =	shalt  }
0x84: {  	_ =	shalt  }
0x85: {  	_ =	shalt  }
0x86: {  	_ =	shalt  }
0x87: {  	_ =	shalt  }
.Lfunc_end0:
.L_simem_size_0:
called_computation_lowered:
.L_overlay_start_0:
0x88: {  	s2 =	sld [smem:$0x3FD9]  }
0x89: {  	s3 =	sld [smem:$0x3FFE];
	_ =	sdelay $0x1  }
0x8a: {  	s1 =	srdreg.scid  }
0x8b: {  	s0 =	sand.u32 $0x1, s1  }
0x8c: {  	s17 =	sshll.u32 s0, $0xA;
	s2 =	sadd.s32 s3, s2  }
0x8d: {  	s2 =	sadd.s32 s2, s17  }
0x8e: {  	[smem:$0x3FC6] =	sst s2  }
0x8f: {  	_ = 	snop  }
0x90: {  	s2 =	sld [smem:$0x3FD0];
	(tm) =	ssettm $0x1  }
0x91: {  	s18 =	sld [smem:$0x3FFB];
	_ =	sdelay $0x3  }
0x92: {  	_ =	strace s18  }
0x93: {  	s3 =	sld [smem:$0x3FFC];
	_ =	sdelay $0x3  }
0x94: {  	_ =	strace s3  }
0x95: {  	s3 =	sld [smem:$0x3FFD];
	_ =	sdelay $0x3  }
0x96: {  	_ =	strace s3  }
0x97: {  	_ =	strace $0x8FFFFFFF  }
0x98: {  	s19 =	sld [smem:$0x3FDB];
	_ =	sdelay $0x1  }
0x99: {  	s4 =	simm.s32 $_scs_section_size  }
0x9a: {  	s5 =	simm.s32 $_size__tile_overlayer_lowered;
	s6 =	simm.s32 $_tile_overlayer_lowered  }
0x9b: {  	s22 =	simm.s32 $0x1BFF;
	s21 =	sshll.u32 s6, $0x1;
	s3 =	sadd.s32 s4, s19  }
0x9c: {  	s7 =	simm.s32 $0x0;
	s20 =	sshll.u32 s5, $0x1;
	s5 =	sadd.s32 s21, s3  }
0x9d: {  	[timem:s7], [sflag:s22] =	dma.local [hbm:s5], s20  }
0x9e: {  	_ =	swait.ge [sflag:s22], s20  }
0x9f: {  	s4 =	ssub.s32 $0x0, s20;
	[sflag:s22] =	ssyncset.done $0x0  }
0xa0: {  	[sflag:s22] =	ssyncadd.s32 s4;
	_ =	sdelay $0x1  }
0xa1: {  	s23 =	simm.s32 $0x1B8B  }
0xa2: {  	_ =	swait.ge [sflag:s23], $0x1  }
0xa3: {  	[sflag:s23] =	ssyncset.done $0x0  }
0xa4: {  	s25 =	simm.s32 $0x1B8E;
	s24 =	sld [smem:$0x3FFE];
	[sflag:s23] =	ssyncadd.s32 $0xFFFFFFFF  }
0xa5: {  	s26 =	simm.s32 $execute0_lowered;
	[smem:$0x3FD2] =	sst s25  }
0xa6: {  	s5 =	sshll.u32 s26, $0x1;
	_ =	strace $0x80000046;
	[dreg:$0x1] =	wrdreg $0xFFFFFFFF  }
0xa7: {  	s28 =	simm.s32 $_size_execute0_lowered;
	s3 =	sadd.s32 s3, s5;
	[dreg:$0x0] =	wrdreg $0x0  }
0xa8: {  	s5 =	sshll.u32 s28, $0x1;
	[dreg:$0x2] =	wrdreg s3  }
0xa9: {  	[dreg:$0x3] =	wrdreg s5  }
0xaa: {  	[dreg:$0x4] =	wrdreg $0xC0  }
0xab: {  	_ =	task [dreg:s7], $0x5FFFF  }
0xac: {  	[dreg:$0x1] =	wrdreg $0xFFFFFFFF  }
0xad: {  	[dreg:$0x0] =	wrdreg $0x60  }
0xae: {  	[dreg:$0x2] =	wrdreg s24  }
0xaf: {  	[dreg:$0x3] =	wrdreg s2  }
0xb0: {  	[dreg:$0x4] =	wrdreg $0x9  }
0xb1: {  	_ =	task.clear_ibuf [dreg:s7], $0x5FFFF;
	_ =	strace $0x90000046  }
0xb2: {  	s29 =	simm.s32 $0x9;
	_ =	strace $0x80000048  }
0xb3: {  	_ =	swait.ge [sflag:s29], $0x1  }
0xb4: {  	[sflag:s29] =	ssyncadd.s32 $0xFFFFFFFF  }
0xb5: {  	_ =	strace $0x90000048  }
0xb6: {  	_ =	sfence  }
0xb7: {  	s30 =	sld [smem:$0x0];
	_ =	sdelay $0x2  }
0xb8: {  	s31 =	sshll.u32 s1, $0xD;
	s1 =	sshrl.u32 s1, $0x2  }
0xb9: {  	s3 =	sand.u32 $0x4000, s31;
	s1 =	sadd.s32 s1, s30  }
0xba: {  	s0 =	sor.u32 s3, s0;
	s1 =	sshll.u32 s1, $0x11  }
0xbb: {  	s0 =	sor.u32 s1, s0  }
0xbc: {  	s0 =	sadd.s32 $0x8F2B, s0  }
0xbd: {  	[sflag:s0] =	ssyncadd.remote.s32 $0x1  }
0xbe: {  	_ =	sfence.sel $0xFFFF  }
0xbf: {  	[dreg:$0x0] =	wrdreg $0xFFFFFFFF;
	(pc) =	sbr.abs _section_cstart, $3  }
0xc0: {  	[dreg:$0x1] =	wrdreg $0xFFFFFFFF  }
0xc1: {  	_ =	task.clear_ibuf [dreg:s7], $0x2FFFF;
	_ =	strace $0x9FFFFFFF  }
0xc2: {  	(tm) =	ssettm $0x7FFFFFFF  }
0xc3: {  	_ =	shalt  }
tec
execute0_lowered:
.L_overlay_start_1:
0x0: {  	(tag) =	ssettag $0x1  }
0x1: {  	s0 =	rddreg [dreg:$0x0];
	s1 =	srdreg.scid  }
0x2: {  	s2 =	stileid.u32;
	s7 =	rddreg [dreg:$0x1]  }
0x3: {  	s3 =	simm.s32 $0x0;
	s1 =	sand.u32 $0x1, s1;
	s2 =	sshll.u32 s2, $0x1  }
0x4: {  	[smem:$0x7FF] =	sst s3;
	s2 =	sor.u32 s1, s2  }
0x5: {  	s9 =	sadd.s32 $0xE00, s0;
	s0 =	sadd.s32 $0x400, s0;
	s8 =	smul.u32 $0x64, s2  }
0x6: {  	_ =	strace $0x80000047;
	[dreg:$0x18] =	wrdreg s0;
	s22 =	smul.u32 $0x3200, s2  }
0x7: {  	s31 =	sadd.s32 $0x800, s7;
	[dreg:$0x17] =	wrdreg s9;
	s2 =	smul.u32 $0x32000, s2  }
0x8: {  	[smem:$0x7FC] =	sst s31  }
0x9: {  	s21 =	ssub.s32 $0x2, s1;
	s25 =	sadd.s32 s7, s2;
	[dreg:$0x16] =	wrdreg s8  }
0xa: {  	s5 =	sshrl.u32 s21, $0x1;
	s23 =	sadd.s32 s9, s22;
	[dreg:$0x1b] =	wrdreg s25  }
0xb: {  	s0 =	ssub.s32 s21, s5;
	s30 =	sadd.s32 $0x63, s8;
	[dreg:$0x19] =	wrdreg s23  }
0xc: {  	s0 =	smax.u32 s0, $0x1;
	[dreg:$0x1f] =	wrdreg s30  }
0xd: {  	s4 =	sor.u32 $0x1, s8;
	s26 =	sadd.s32 $0x100, s23;
	[smem:$0x7FD] =	sst s0  }
0xe: {  	s6 =	sshll.u32 s4, $0x7;
	s29 =	sadd.s32 $0x180, s23;
	[dreg:$0x1c] =	wrdreg s26  }
0xf: {  	s28 =	sshll.u32 s4, $0xB;
	s24 =	sadd.s32 s9, s6;
	[dreg:$0x1e] =	wrdreg s29  }
0x10: {  	s1 =	sadd.s32 s7, s28;
	[dreg:$0x1a] =	wrdreg s24  }
0x11: {  	s2 =	simm.s32 $0x1;
	s4 =	simm.s32 $0x0;
	[dreg:$0x1d] =	wrdreg s1  }
.LBB2_1:
0x12: {  	[smem:$0x7FB] =	sst s4  }
0x13: {  	s0 =	rddreg [dreg:$0x18];
	s15 =	simm.s32 $0x5  }
0x14: {  	[tilespmem:s3], [sflag:$0x5] =	stream.linear.gather [hbm4b:s0+s3], $0x4280, $0x38;
	[tilespmem:$0xCA80] =	vst v63  }
0x15: {  	_ =	swait.ge [sflag:s15], $0x4280  }
0x16: {  	[sflag:s15] =	ssyncset.done $0x0  }
0x17: {  	s17 =	simm.s32 $0x4280;
	s16 =	rddreg [dreg:$0x19];
	[sflag:s15] =	ssyncadd.s32 $0xFFFFBD80  }
0x18: {  	[tilespmem:s17], [sflag:$0x1] =	stream.linear.gather [hbm4b:s16+s3], $0x400, $0x38;
	[tilespmem:$0xCA80] =	vst v63  }
0x19: {  	s1 =	simm.s32 $0x4680;
	s18 =	rddreg [dreg:$0x1a]  }
0x1a: {  	[tilespmem:s1], [sflag:$0x2] =	stream.linear.gather [hbm4b:s18+s3], $0x400, $0x38;
	[tilespmem:$0xCA80] =	vst v63  }
0x1b: {  	s19 =	sand.u32 $0x380, s3;
	s15 =	sand.u32 $0x40, s3;
	_ =	swait.ge [sflag:s2], $0x400  }
0x1c: {  	s0 =	sadd.s32 $0x4280, s19;
	s12 =	sor.u32 $0x30, s15;
	[sflag:s2] =	ssyncset.done $0x0  }
0x1d: {  	s20 =	sor.u32 s12, s0;
	[sflag:s2] =	ssyncadd.s32 $0xFFFFFC00  }
0x1e: {  	v0 =	vld [tilespmem:s20+$0x0]  }
0x1f: {  	s7 =	sor.u32 $0x10, s15  }
0x20: {  	s11 =	sor.u32 $0x20, s15;
	s21 =	sor.u32 s7, s0  }
0x21: {  	s0 =	sor.u32 s11, s0;
	v1 =	vld [tilespmem:s21+$0x0]  }
0x22: {  	v2 =	vld [tilespmem:s0+$0x0]  }
0x23: {  	v5 =	vmul.u32 $0x11, v0;
	_ =	sdelay $0x2  }
0x24: {  	v0 =	vld [tilespmem:s17+$0x0];
	v4 =	vmul.u32 $0x11, v1  }
0x25: {  	v3 =	vmul.u32 $0x11, v2;
	_ =	sdelay $0x1  }
0x26: {  	v1 =	vld.idx.msk [tilespmem:v5+s3+$0x0], $0xffff  }
0x27: {  	v2 =	vadd.s32 $0x1, v5  }
0x28: {  	s2 =	sand.u32 $0x1C00, s3;
	v0 =	vmul.u32 $0x11, v0  }
0x29: {  	s22 =	sadd.s32 $0x4A80, s2;
	v6 =	vld.idx.msk [tilespmem:v4+s3+$0x0], $0xffff  }
0x2a: {  	s23 =	sor.u32 s12, s22;
	v7 =	vadd.s32 $0x1, v4;
	v8 =	vld.idx.msk [tilespmem:v3+s3+$0x0], $0xffff  }
0x2b: {  	[tilespmem:s23+$0x0] =	vst v1;
	v1 =	vadd.s32 $0x1, v3  }
0x2c: {  	v2 =	vld.idx.msk [tilespmem:v2+s3+$0x0], $0xffff  }
0x2d: {  	s24 =	sor.u32 s7, s22;
	v9 =	vadd.s32 $0x2, v5  }
0x2e: {  	s5 =	sor.u32 s11, s22;
	v10 =	vld.idx.msk [tilespmem:v0+s3+$0x0], $0xffff;
	[tilespmem:s24+$0x0] =	vst v6  }
0x2f: {  	v6 =	vadd.s32 $0x1, v0;
	[tilespmem:s5+$0x0] =	vst v8;
	v7 =	vld.idx.msk [tilespmem:v7+s3+$0x0], $0xffff  }
0x30: {  	v8 =	vadd.s32 $0x2, v4;
	v1 =	vld.idx.msk [tilespmem:v1+s3+$0x0], $0xffff  }
0x31: {  	[tilespmem:s23+$0x80] =	vst v2;
	v2 =	vadd.s32 $0x2, v3  }
0x32: {  	s6 =	sor.u32 s15, s22;
	v9 =	vld.idx.msk [tilespmem:v9+s3+$0x0], $0xffff  }
0x33: {  	v11 =	vadd.s32 $0x3, v5;
	[tilespmem:s6+$0x0] =	vst v10  }
0x34: {  	v6 =	vld.idx.msk [tilespmem:v6+s3+$0x0], $0xffff;
	[tilespmem:s24+$0x80] =	vst v7  }
0x35: {  	v7 =	vadd.s32 $0x2, v0;
	v8 =	vld.idx.msk [tilespmem:v8+s3+$0x0], $0xffff;
	[tilespmem:s5+$0x80] =	vst v1  }
0x36: {  	v1 =	vadd.s32 $0x3, v4;
	v2 =	vld.idx.msk [tilespmem:v2+s3+$0x0], $0xffff  }
0x37: {  	[tilespmem:s23+$0x100] =	vst v9;
	v9 =	vadd.s32 $0x3, v3  }
0x38: {  	v10 =	vld.idx.msk [tilespmem:v11+s3+$0x0], $0xffff  }
0x39: {  	[tilespmem:s6+$0x80] =	vst v6;
	v11 =	vadd.s32 $0x4, v5  }
0x3a: {  	v6 =	vld.idx.msk [tilespmem:v7+s3+$0x0], $0xffff;
	[tilespmem:s24+$0x100] =	vst v8  }
0x3b: {  	v7 =	vadd.s32 $0x3, v0;
	v1 =	vld.idx.msk [tilespmem:v1+s3+$0x0], $0xffff;
	[tilespmem:s5+$0x100] =	vst v2  }
0x3c: {  	v2 =	vadd.s32 $0x4, v4;
	v8 =	vld.idx.msk [tilespmem:v9+s3+$0x0], $0xffff  }
0x3d: {  	p0 =	por $0x0, $0x0;
	s0 =	simm.s32 $0x1;
	v9 =	vadd.s32 $0x4, v3;
	[tilespmem:s23+$0x180] =	vst v10  }
0x3e: {  	s0 =	simm.s32 @!p0 $0x0;
	v10 =	vld.idx.msk [tilespmem:v11+s3+$0x0], $0xffff  }
0x3f: {  	s0 =	sshll.u32 s0, $0x6;
	[tilespmem:s6+$0x100] =	vst v6;
	v11 =	vadd.s32 $0x5, v5  }
0x40: {  	s0 =	sadd.s32 $0x0, s0;
	v6 =	vld.idx.msk [tilespmem:v7+s3+$0x0], $0xffff;
	[tilespmem:s24+$0x180] =	vst v1  }
0x41: {  	s25 =	sadd.s32 $0x30, s0;
	v1 =	vadd.s32 $0x4, v0;
	v2 =	vld.idx.msk [tilespmem:v2+s3+$0x0], $0xffff;
	[tilespmem:s5+$0x180] =	vst v8  }
0x42: {  	s9 =	sor.u32 $0x200, s25;
	v7 =	vadd.s32 $0x5, v4;
	v8 =	vld.idx.msk [tilespmem:v9+s3+$0x0], $0xffff  }
0x43: {  	v9 =	vadd.s32 $0x5, v3;
	[tilespmem:s9+$0x4A80] =	vst v10  }
0x44: {  	s10 =	sadd.s32 $0x10, s0;
	v10 =	vld.idx.msk [tilespmem:v11+s3+$0x0], $0xffff  }
0x45: {  	s4 =	sadd.s32 $0x20, s0;
	s13 =	sor.u32 $0x200, s10;
	[tilespmem:s6+$0x180] =	vst v6;
	v11 =	vadd.s32 $0x6, v5  }
0x46: {  	s8 =	sor.u32 $0x200, s4;
	v1 =	vld.idx.msk [tilespmem:v1+s3+$0x0], $0xffff;
	[tilespmem:s13+$0x4A80] =	vst v2  }
0x47: {  	v2 =	vadd.s32 $0x5, v0;
	v6 =	vld.idx.msk [tilespmem:v7+s3+$0x0], $0xffff;
	[tilespmem:s8+$0x4A80] =	vst v8  }
0x48: {  	s14 =	sor.u32 $0x280, s25;
	v7 =	vadd.s32 $0x6, v4;
	v8 =	vld.idx.msk [tilespmem:v9+s3+$0x0], $0xffff  }
0x49: {  	v9 =	vadd.s32 $0x6, v3;
	[tilespmem:s14+$0x4A80] =	vst v10  }
0x4a: {  	s16 =	sor.u32 $0x200, s0;
	v10 =	vld.idx.msk [tilespmem:v11+s3+$0x0], $0xffff  }
0x4b: {  	s17 =	sor.u32 $0x280, s10;
	s8 =	simm.s32 $0x40;
	[tilespmem:s16+$0x4A80] =	vst v1;
	v11 =	vadd.s32 $0x7, v5  }
0x4c: {  	s18 =	sor.u32 $0x280, s4;
	s26 =	sand.u32 $0x40, s8;
	s23 =	sand.u32 $0x380, s8;
	v1 =	vld.idx.msk [tilespmem:v2+s3+$0x0], $0xffff;
	[tilespmem:s17+$0x4A80] =	vst v6  }
0x4d: {  	s6 =	sadd.s32 $0x4280, s23;
	s29 =	sor.u32 $0x10, s26;
	v2 =	vadd.s32 $0x6, v0;
	v6 =	vld.idx.msk [tilespmem:v7+s3+$0x0], $0xffff;
	[tilespmem:s18+$0x4A80] =	vst v8  }
0x4e: {  	s19 =	sor.u32 $0x300, s25;
	s1 =	sor.u32 $0x380, s25;
	s25 =	sor.u32 s29, s6;
	v7 =	vadd.s32 $0x7, v4;
	v8 =	vld.idx.msk [tilespmem:v9+s3+$0x0], $0xffff  }
0x4f: {  	v13 =	vld [tilespmem:s25+$0x0];
	v9 =	vadd.s32 $0x7, v3;
	[tilespmem:s19+$0x4A80] =	vst v10  }
0x50: {  	s21 =	simm.s32 $0x42C0;
	s20 =	sor.u32 $0x280, s0;
	v10 =	vld.idx.msk [tilespmem:v11+s3+$0x0], $0xffff  }
0x51: {  	v12 =	vld [tilespmem:s21+$0x0];
	s9 =	sor.u32 $0x300, s10;
	[tilespmem:s20+$0x4A80] =	vst v1;
	v11 =	vadd.s32 $0x8, v5  }
0x52: {  	s22 =	sor.u32 $0x300, s4;
	v1 =	vld.idx.msk [tilespmem:v2+s3+$0x0], $0xffff;
	[tilespmem:s9+$0x4A80] =	vst v6  }
0x53: {  	v6 =	vld.idx.msk [tilespmem:v7+s3+$0x0], $0xffff;
	[tilespmem:s22+$0x4A80] =	vst v8;
	s22 =	sor.u32 $0x30, s26  }
0x54: {  	v2 =	vadd.s32 $0x7, v0;
	v7 =	vld.idx.msk [tilespmem:v9+s3+$0x0], $0xffff;
	s24 =	sor.u32 s22, s6  }
0x55: {  	v18 =	vmul.u32 $0x11, v13;
	v8 =	vadd.s32 $0x8, v4;
	[tilespmem:s1+$0x4A80] =	vst v10;
	v10 =	vld [tilespmem:s24+$0x0]  }
0x56: {  	s1 =	sor.u32 $0x20, s26;
	v9 =	vld.idx.msk [tilespmem:v11+s3+$0x0], $0xffff  }
0x57: {  	s0 =	sor.u32 $0x300, s0;
	v15 =	vadd.s32 $0x9, v5;
	s13 =	sor.u32 s1, s6  }
0x58: {  	s10 =	sor.u32 $0x380, s10;
	[tilespmem:s0+$0x4A80] =	vst v1;
	v1 =	vmul.u32 $0x11, v12;
	v11 =	vadd.s32 $0x8, v3;
	v16 =	vld [tilespmem:s13+$0x0]  }
0x59: {  	s16 =	sadd.s32 $0x6A80, s2;
	v14 =	vld.idx.msk [tilespmem:v2+s3+$0x0], $0xffff;
	[tilespmem:s10+$0x4A80] =	vst v6  }
0x5a: {  	s18 =	sor.u32 s12, s16;
	v6 =	vadd.s32 $0x8, v0;
	v8 =	vld.idx.msk [tilespmem:v8+s3+$0x0], $0xffff  }
0x5b: {  	s14 =	sor.u32 $0x380, s4;
	v12 =	vadd.s32 $0x9, v4;
	v17 =	vld.idx.msk [tilespmem:v18+s3+$0x0], $0xffff;
	v2 =	vmul.u32 $0x11, v10;
	[tilespmem:s18+$0x0] =	vst v9  }
0x5c: {  	s17 =	sor.u32 s3, s3;
	[tilespmem:s14+$0x4A80] =	vst v7;
	v9 =	vld.idx.msk [tilespmem:v15+s3+$0x0], $0xffff  }
0x5d: {  	s5 =	sor.u32 $0x380, s17;
	v10 =	vadd.s32 $0xA, v5;
	v7 =	vld.idx.msk [tilespmem:v11+s3+$0x0], $0xffff;
	v16 =	vmul.u32 $0x11, v16  }
0x5e: {  	s19 =	sor.u32 s7, s16;
	s9 =	simm.s32 $0x200;
	[tilespmem:s5+$0x4A80] =	vst v14;
	v11 =	vld.idx.msk [tilespmem:v1+s3+$0x0], $0xffff  }
0x5f: {  	s20 =	sadd.s32 $0x6B00, s2;
	s6 =	sand.u32 $0x1C00, s9;
	v6 =	vld.idx.msk [tilespmem:v6+s3+$0x0], $0xffff;
	[tilespmem:s19+$0x0] =	vst v8;
	v8 =	vadd.s32 $0x9, v3  }
0x60: {  	v13 =	vadd.s32 $0x9, v0;
	s21 =	sor.u32 s12, s20;
	s14 =	sadd.s32 $0x4A80, s6;
	v12 =	vld.idx.msk [tilespmem:v12+s3+$0x0], $0xffff  }
0x61: {  	s10 =	sor.u32 s29, s14;
	v15 =	vadd.s32 $0xA, v4;
	v14 =	vld.idx.msk [tilespmem:v2+s3+$0x0], $0xffff;
	[tilespmem:s21+$0x0] =	vst v9  }
0x62: {  	s23 =	sor.u32 s11, s16;
	[tilespmem:s10+$0x0] =	vst v17;
	v9 =	vadd.s32 $0x1, v2;
	v10 =	vld.idx.msk [tilespmem:v10+s3+$0x0], $0xffff  }
0x63: {  	s4 =	sor.u32 s15, s16;
	[tilespmem:s23+$0x0] =	vst v7;
	v7 =	vld.idx.msk [tilespmem:v16+s3+$0x0], $0xffff  }
0x64: {  	v19 =	vadd.s32 $0x1, v18;
	s24 =	sor.u32 s7, s20;
	[tilespmem:s4+$0x0] =	vst v6;
	v6 =	vld.idx.msk [tilespmem:v8+s3+$0x0], $0xffff  }
0x65: {  	s13 =	sor.u32 s22, s14;
	v8 =	vadd.s32 $0xB, v5;
	v13 =	vld.idx.msk [tilespmem:v13+s3+$0x0], $0xffff;
	[tilespmem:s24+$0x0] =	vst v12  }
0x66: {  	s16 =	sadd.s32 $0x6B80, s2;
	v20 =	vadd.s32 $0x1, v16;
	[tilespmem:s13+$0x0] =	vst v14;
	v14 =	vld.idx.msk [tilespmem:v15+s3+$0x0], $0xffff  }
0x67: {  	s25 =	sor.u32 s12, s16;
	v12 =	vadd.s32 $0x1, v1;
	v9 =	vld.idx.msk [tilespmem:v9+s3+$0x0], $0xffff;
	[dreg:$0x8] =	wrdreg s1  }
0x68: {  	v15 =	vadd.s32 $0xA, v3;
	s1 =	sor.u32 s1, s14;
	[tilespmem:s25+$0x0] =	vst v10  }
0x69: {  	s4 =	sor.u32 s26, s14;
	v17 =	vld.idx.msk [tilespmem:v19+s3+$0x0], $0xffff;
	v19 =	vadd.s32 $0xA, v0;
	[tilespmem:s1+$0x0] =	vst v7  }
0x6a: {  	s17 =	sor.u32 s11, s20;
	v7 =	vadd.s32 $0x2, v2;
	[tilespmem:s4+$0x0] =	vst v11;
	v8 =	vld.idx.msk [tilespmem:v8+s3+$0x0], $0xffff  }
0x6b: {  	s0 =	sor.u32 s15, s20;
	v10 =	vadd.s32 $0x2, v18;
	[tilespmem:s17+$0x0] =	vst v6;
	v11 =	vld.idx.msk [tilespmem:v20+s3+$0x0], $0xffff  }
0x6c: {  	s19 =	sor.u32 s7, s16;
	v6 =	vadd.s32 $0xC, v5;
	[tilespmem:s0+$0x0] =	vst v13;
	v12 =	vld.idx.msk [tilespmem:v12+s3+$0x0], $0xffff  }
0x6d: {  	v20 =	vadd.s32 $0x2, v16;
	v13 =	vld.idx.msk [tilespmem:v15+s3+$0x0], $0xffff;
	[tilespmem:s19+$0x0] =	vst v14  }
0x6e: {  	s0 =	sadd.s32 $0x6C00, s2;
	v15 =	vadd.s32 $0x2, v1;
	[tilespmem:s13+$0x80] =	vst v9;
	v9 =	vld.idx.msk [tilespmem:v19+s3+$0x0], $0xffff  }
0x6f: {  	s18 =	sor.u32 s12, s0;
	v19 =	vadd.s32 $0xB, v4;
	[tilespmem:s10+$0x80] =	vst v17;
	v7 =	vld.idx.msk [tilespmem:v7+s3+$0x0], $0xffff  }
0x70: {  	v17 =	vadd.s32 $0xB, v3;
	v10 =	vld.idx.msk [tilespmem:v10+s3+$0x0], $0xffff;
	[tilespmem:s18+$0x0] =	vst v8  }
0x71: {  	[tilespmem:s1+$0x80] =	vst v11;
	v8 =	vadd.s32 $0x3, v2;
	v6 =	vld.idx.msk [tilespmem:v6+s3+$0x0], $0xffff  }
0x72: {  	s17 =	sor.u32 s11, s16;
	v11 =	vadd.s32 $0x3, v18;
	[tilespmem:s4+$0x80] =	vst v12;
	v12 =	vld.idx.msk [tilespmem:v20+s3+$0x0], $0xffff  }
0x73: {  	v14 =	vadd.s32 $0xD, v5;
	v15 =	vld.idx.msk [tilespmem:v15+s3+$0x0], $0xffff;
	[tilespmem:s17+$0x0] =	vst v13  }
0x74: {  	s16 =	sor.u32 s15, s16;
	v20 =	vadd.s32 $0x3, v16;
	v19 =	vld.idx.msk [tilespmem:v19+s3+$0x0], $0xffff;
	[tilespmem:s13+$0x100] =	vst v7  }
0x75: {  	s14 =	sadd.s32 $0x6C80, s2;
	v13 =	vadd.s32 $0x3, v1;
	v7 =	vld.idx.msk [tilespmem:v17+s3+$0x0], $0xffff;
	[tilespmem:s16+$0x0] =	vst v9  }
0x76: {  	s20 =	sor.u32 s12, s14;
	[tilespmem:s10+$0x100] =	vst v10;
	v8 =	vld.idx.msk [tilespmem:v8+s3+$0x0], $0xffff;
	v10 =	vadd.s32 $0xB, v0  }
0x77: {  	v17 =	vadd.s32 $0xC, v4;
	v11 =	vld.idx.msk [tilespmem:v11+s3+$0x0], $0xffff;
	[tilespmem:s20+$0x0] =	vst v6  }
0x78: {  	[tilespmem:s1+$0x100] =	vst v12;
	v6 =	vadd.s32 $0x4, v2;
	v12 =	vld.idx.msk [tilespmem:v14+s3+$0x0], $0xffff  }
0x79: {  	s21 =	sor.u32 s7, s0;
	v14 =	vadd.s32 $0x4, v18;
	[tilespmem:s4+$0x100] =	vst v15;
	v15 =	vld.idx.msk [tilespmem:v20+s3+$0x0], $0xffff  }
0x7a: {  	v9 =	vadd.s32 $0xE, v5;
	v13 =	vld.idx.msk [tilespmem:v13+s3+$0x0], $0xffff;
	[tilespmem:s21+$0x0] =	vst v19  }
0x7b: {  	s17 =	sadd.s32 $0x6D00, s2;
	v20 =	vadd.s32 $0x4, v16;
	v10 =	vld.idx.msk [tilespmem:v10+s3+$0x0], $0xffff;
	[tilespmem:s13+$0x180] =	vst v8  }
0x7c: {  	s23 =	sor.u32 s12, s17;
	v19 =	vadd.s32 $0x4, v1;
	v8 =	vld.idx.msk [tilespmem:v17+s3+$0x0], $0xffff;
	[tilespmem:s10+$0x180] =	vst v11  }
0x7d: {  	p0 =	por !p0, !p0;
	s13 =	simm.s32 $0x1;
	v6 =	vld.idx.msk [tilespmem:v6+s3+$0x0], $0xffff;
	[tilespmem:s23+$0x0] =	vst v12  }
0x7e: {  	v17 =	vadd.s32 $0xC, v3;
	s13 =	simm.s32 @!p0 $0x0;
	v11 =	vld.idx.msk [tilespmem:v14+s3+$0x0], $0xffff;
	[tilespmem:s1+$0x180] =	vst v15  }
0x7f: {  	v14 =	vadd.s32 $0xC, v0;
	s24 =	sshll.u32 s13, $0x6;
	s1 =	sor.u32 s11, s0;
	v9 =	vld.idx.msk [tilespmem:v9+s3+$0x0], $0xffff;
	[tilespmem:s4+$0x180] =	vst v13  }
0x80: {  	s18 =	sor.u32 s15, s14;
	v12 =	vadd.s32 $0x5, v2;
	s13 =	sadd.s32 $0x200, s24;
	v13 =	vld.idx.msk [tilespmem:v20+s3+$0x0], $0xffff;
	[tilespmem:s1+$0x0] =	vst v7  }
0x81: {  	v15 =	vadd.s32 $0x5, v18;
	s0 =	sor.u32 s15, s0;
	v21 =	vld.idx.msk [tilespmem:v19+s3+$0x0], $0xffff;
	s5 =	sadd.s32 $0x30, s13;
	[dreg:$0xa] =	wrdreg s18  }
0x82: {  	s25 =	sor.u32 s9, s8;
	v7 =	vadd.s32 $0xF, v5;
	s16 =	sadd.s32 $0x10, s13;
	s19 =	sor.u32 $0x200, s5;
	[tilespmem:s0+$0x0] =	vst v10  }
0x83: {  	v22 =	vadd.s32 $0x5, v16;
	s10 =	sor.u32 $0x380, s25;
	v10 =	vld.idx.msk [tilespmem:v17+s3+$0x0], $0xffff;
	s18 =	sor.u32 $0x200, s16;
	[tilespmem:s19+$0x4A80] =	vst v6  }
0x84: {  	v26 =	vadd.s32 $0xD, v4;
	v30 =	vadd.s32 $0xD, v3;
	v27 =	vadd.s32 $0x5, v1;
	s23 =	sor.u32 s7, s17;
	s24 =	sor.u32 s15, s17;
	s19 =	sadd.s32 $0x6D80, s2;
	v28 =	vld.idx.msk [tilespmem:v14+s3+$0x0], $0xffff;
	[tilespmem:s18+$0x4A80] =	vst v11  }
0x85: {  	v35 =	vadd.s32 $0x6, v18;
	v24 =	vadd.s32 $0x7, v18;
	v36 =	vadd.s32 $0x6, v2;
	s21 =	sadd.s32 $0x20, s13;
	v31 =	vld.idx.msk [tilespmem:v12+s3+$0x0], $0xffff;
	s20 =	sor.u32 s12, s19;
	[dreg:$0xd] =	wrdreg s24  }
0x86: {  	v25 =	vadd.s32 $0x6, v16;
	v23 =	vadd.s32 $0x7, v16;
	v5 =	vadd.s32 $0xE, v4;
	s4 =	sor.u32 s11, s17;
	s1 =	sor.u32 $0x200, s13;
	s25 =	sor.u32 $0x200, s21;
	v34 =	vld.idx.msk [tilespmem:v15+s3+$0x0], $0xffff;
	[tilespmem:s20+$0x0] =	vst v9  }
0x87: {  	v4 =	vadd.s32 $0xF, v4;
	v20 =	vadd.s32 $0x8, v18;
	v19 =	vadd.s32 $0x8, v16;
	s30 =	sor.u32 $0x280, s13;
	s0 =	sor.u32 s7, s14;
	s28 =	sor.u32 $0x280, s16;
	[tilespmem:s25+$0x4A80] =	vst v13;
	v37 =	vld.idx.msk [tilespmem:v7+s3+$0x0], $0xffff  }
0x88: {  	s14 =	sor.u32 s11, s14;
	v17 =	vadd.s32 $0x9, v18;
	s31 =	sor.u32 $0x300, s21;
	v6 =	vadd.s32 $0xE, v3;
	v3 =	vadd.s32 $0xF, v3;
	s2 =	sadd.s32 $0x6E00, s2;
	[tilespmem:s1+$0x4A80] =	vst v21;
	v32 =	vld.idx.msk [tilespmem:v22+s3+$0x0], $0xffff  }
0x89: {  	s17 =	sor.u32 s15, s19;
	s18 =	sor.u32 s7, s19;
	v11 =	vadd.s32 $0xB, v18;
	v14 =	vadd.s32 $0xA, v16;
	v12 =	vadd.s32 $0xB, v16;
	s24 =	sor.u32 $0x280, s5;
	[tilespmem:s0+$0x0] =	vst v8;
	v33 =	vld.idx.msk [tilespmem:v27+s3+$0x0], $0xffff  }
0x8a: {  	v13 =	vadd.s32 $0xA, v18;
	v15 =	vadd.s32 $0x9, v16;
	s20 =	sor.u32 s11, s19;
	s25 =	sor.u32 s15, s2;
	v9 =	vadd.s32 $0xC, v18;
	s15 =	sor.u32 s12, s2;
	[tilespmem:s14+$0x0] =	vst v10;
	v29 =	vld.idx.msk [tilespmem:v26+s3+$0x0], $0xffff  }
0x8b: {  	v21 =	vadd.s32 $0xE, v18;
	s19 =	sor.u32 s11, s2;
	s0 =	sor.u32 $0x280, s21;
	v8 =	vadd.s32 $0xD, v16;
	s21 =	sor.u32 $0x380, s21;
	v10 =	vadd.s32 $0xC, v16;
	v27 =	vld.idx.msk [tilespmem:v30+s3+$0x0], $0xffff;
	[tilespmem:s24+$0x4A80] =	vst v31  }
0x8c: {  	s11 =	simm.s32 $0x4;
	s12 =	simm.s32 $0x4300;
	s14 =	sor.u32 s7, s2;
	v7 =	vadd.s32 $0xD, v18;
	v18 =	vadd.s32 $0xF, v18;
	v22 =	vadd.s32 $0xE, v16;
	v31 =	vld.idx.msk [tilespmem:v36+s3+$0x0], $0xffff;
	[tilespmem:s28+$0x4A80] =	vst v34  }
0x8d: {  	v16 =	vadd.s32 $0xF, v16;
	v30 =	vadd.s32 $0xD, v0;
	s24 =	sor.u32 $0x300, s13;
	s13 =	sor.u32 $0x380, s16;
	s28 =	sor.u32 $0x300, s16;
	v34 =	vadd.s32 $0x6, v1;
	[tilespmem:s15+$0x0] =	vst v37;
	v26 =	vld.idx.msk [tilespmem:v35+s3+$0x0], $0xffff  }
.LBB2_2:
0x8e: {  	_ = 	snop  }
0x8f: {  	[tilespmem:s0+$0x4A80] =	vst v32  }
0x90: {  	v35 =	vld [tilespmem:s12+$0x0];
	v55 =	vadd.s32 $0x7, v2;
	[tilespmem:s23+$0x0] =	vst v29  }
0x91: {  	s2 =	rddreg [dreg:$0xa];
	[tilespmem:s30+$0x4A80] =	vst v33;
	v25 =	vld.idx.msk [tilespmem:v25+s3+$0x0], $0xffff  }
0x92: {  	s15 =	smov.u32 s22;
	s22 =	sor.u32 $0x300, s5;
	v33 =	vld.idx.msk [tilespmem:v34+s3+$0x0], $0xffff;
	[tilespmem:s2+$0x0] =	vst v28  }
0x93: {  	[tilespmem:s22+$0x4A80] =	vst v31;
	v28 =	vld.idx.msk [tilespmem:v30+s3+$0x0], $0xffff  }
0x94: {  	v29 =	vadd.s32 $0x7, v1;
	[tilespmem:s4+$0x0] =	vst v27;
	v30 =	vld.idx.msk [tilespmem:v5+s3+$0x0], $0xffff  }
0x95: {  	v5 =	vmov v21;
	[tilespmem:s28+$0x4A80] =	vst v26;
	v21 =	vld.idx.msk [tilespmem:v55+s3+$0x0], $0xffff;
	v26 =	vadd.s32 $0xE, v0  }
0x96: {  	v24 =	vld.idx.msk [tilespmem:v24+s3+$0x0], $0xffff;
	[tilespmem:s31+$0x4A80] =	vst v25  }
0x97: {  	s1 =	rddreg [dreg:$0x8];
	v27 =	vld.idx.msk [tilespmem:v6+s3+$0x0], $0xffff  }
0x98: {  	s8 =	sadd.s32 $0x40, s8;
	s7 =	smov.u32 s1;
	s1 =	rddreg [dreg:$0xd];
	v6 =	vmov v22;
	[tilespmem:s24+$0x4A80] =	vst v33;
	v22 =	vld.idx.msk [tilespmem:v23+s3+$0x0], $0xffff  }
0x99: {  	s4 =	sand.u32 $0x380, s8;
	s2 =	sand.u32 $0x40, s8;
	v25 =	vadd.s32 $0x8, v2;
	v23 =	vld.idx.msk [tilespmem:v29+s3+$0x0], $0xffff;
	[tilespmem:s1+$0x0] =	vst v28  }
0x9a: {  	s0 =	sadd.s32 $0x4280, s4;
	s22 =	sor.u32 $0x30, s2;
	s1 =	sor.u32 $0x380, s5;
	[tilespmem:s18+$0x0] =	vst v30;
	v26 =	vld.idx.msk [tilespmem:v26+s3+$0x0], $0xffff  }
0x9b: {  	s5 =	sor.u32 s22, s0;
	[tilespmem:s1+$0x4A80] =	vst v21;
	v21 =	vld.idx.msk [tilespmem:v4+s3+$0x0], $0xffff  }
0x9c: {  	[tilespmem:s13+$0x4A80] =	vst v24;
	v24 =	vld [tilespmem:s5+$0x0]  }
0x9d: {  	s16 =	smov.u32 s29;
	s29 =	sor.u32 $0x10, s2;
	v20 =	vld.idx.msk [tilespmem:v20+s3+$0x0], $0xffff  }
0x9e: {  	s18 =	sor.u32 s29, s0;
	v4 =	vmov v18;
	s1 =	sor.u32 $0x20, s2;
	v18 =	vld.idx.msk [tilespmem:v25+s3+$0x0], $0xffff;
	v25 =	vadd.s32 $0x8, v1;
	[tilespmem:s20+$0x0] =	vst v27  }
0x9f: {  	s0 =	sor.u32 s1, s0;
	v27 =	vld [tilespmem:s18+$0x0];
	[tilespmem:s21+$0x4A80] =	vst v22  }
0xa0: {  	v22 =	vadd.s32 $0x9, v2;
	[tilespmem:s10+$0x4A80] =	vst v23;
	v29 =	vld [tilespmem:s0+$0x0]  }
0xa1: {  	s21 =	sadd.s32 $0x6A80, s6;
	v23 =	vadd.s32 $0xF, v0;
	v0 =	vmov v1;
	v1 =	vmul.u32 $0x11, v35;
	[tilespmem:s17+$0x0] =	vst v26;
	v19 =	vld.idx.msk [tilespmem:v19+s3+$0x0], $0xffff  }
0xa2: {  	s24 =	sor.u32 s16, s21;
	[tilespmem:s14+$0x0] =	vst v21;
	v31 =	vld.idx.msk [tilespmem:v3+s3+$0x0], $0xffff;
	v28 =	vmul.u32 $0x11, v24  }
0xa3: {  	s13 =	sor.u32 s15, s21;
	[tilespmem:s24+$0x0] =	vst v20;
	v21 =	vld.idx.msk [tilespmem:v25+s3+$0x0], $0xffff  }
0xa4: {  	[tilespmem:s13+$0x0] =	vst v18;
	v44 =	vld.idx.msk [tilespmem:v17+s3+$0x0], $0xffff;
	v18 =	vmul.u32 $0x11, v27  }
0xa5: {  	v22 =	vld.idx.msk [tilespmem:v22+s3+$0x0], $0xffff  }
0xa6: {  	s0 =	sor.u32 s7, s21;
	v3 =	vmov v16;
	v16 =	vadd.s32 $0xA, v2;
	v56 =	vld.idx.msk [tilespmem:v23+s3+$0x0], $0xffff  }
0xa7: {  	v30 =	vadd.s32 $0x9, v0;
	v41 =	vld.idx.msk [tilespmem:v1+s3+$0x0], $0xffff;
	[tilespmem:s0+$0x0] =	vst v19  }
0xa8: {  	s23 =	sor.u32 s26, s21;
	s17 =	sadd.s32 $0x6B00, s6;
	v38 =	vmul.u32 $0x11, v29;
	[tilespmem:s19+$0x0] =	vst v31;
	v45 =	vld.idx.msk [tilespmem:v28+s3+$0x0], $0xffff  }
0xa9: {  	s21 =	sor.u32 s15, s17;
	[tilespmem:s23+$0x0] =	vst v21;
	v52 =	vld.idx.msk [tilespmem:v15+s3+$0x0], $0xffff  }
0xaa: {  	s9 =	sadd.s32 $0x200, s9;
	v37 =	vadd.s32 $0x1, v1;
	v46 =	vld.idx.msk [tilespmem:v18+s3+$0x0], $0xffff;
	[tilespmem:s21+$0x0] =	vst v22  }
0xab: {  	s14 =	sand.u32 $0x1C00, s9;
	s20 =	sor.u32 s16, s17;
	v47 =	vadd.s32 $0x1, v28;
	[tilespmem:s25+$0x0] =	vst v56;
	v48 =	vld.idx.msk [tilespmem:v16+s3+$0x0], $0xffff  }
0xac: {  	[dreg:$0x8] =	wrdreg s1;
	s24 =	sor.u32 s9, s8;
	v39 =	vadd.s32 $0x1, v18;
	s25 =	sadd.s32 $0x4A80, s14;
	[tilespmem:s20+$0x0] =	vst v44;
	v56 =	vld.idx.msk [tilespmem:v30+s3+$0x0], $0xffff  }
0xad: {  	v53 =	vadd.s32 $0xB, v2;
	s18 =	sor.u32 s26, s17;
	s4 =	sor.u32 $0x380, s24;
	s5 =	sor.u32 s2, s25;
	v44 =	vld.idx.msk [tilespmem:v13+s3+$0x0], $0xffff  }
0xae: {  	v58 =	vadd.s32 $0xA, v0;
	[dreg:$0xf] =	wrdreg s4;
	s23 =	sor.u32 s7, s17;
	s17 =	sor.u32 s22, s25;
	v49 =	vld.idx.msk [tilespmem:v38+s3+$0x0], $0xffff;
	[tilespmem:s5+$0x0] =	vst v41  }
0xaf: {  	v42 =	vadd.s32 $0x1, v38;
	s4 =	sor.u32 s29, s25;
	s13 =	sor.u32 s1, s25;
	s1 =	sadd.s32 $0x6B80, s6;
	[tilespmem:s17+$0x0] =	vst v45;
	v37 =	vld.idx.msk [tilespmem:v37+s3+$0x0], $0xffff  }
0xb0: {  	s24 =	sor.u32 s15, s1;
	v57 =	vld.idx.msk [tilespmem:v47+s3+$0x0], $0xffff;
	[tilespmem:s4+$0x0] =	vst v46  }
0xb1: {  	v59 =	vadd.s32 $0x2, v28;
	v39 =	vld.idx.msk [tilespmem:v39+s3+$0x0], $0xffff;
	[tilespmem:s24+$0x0] =	vst v48  }
0xb2: {  	v40 =	vadd.s32 $0x2, v18;
	[tilespmem:s18+$0x0] =	vst v56;
	v60 =	vld.idx.msk [tilespmem:v53+s3+$0x0], $0xffff  }
0xb3: {  	v62 =	vadd.s32 $0xC, v2;
	[tilespmem:s13+$0x0] =	vst v49;
	v53 =	vld.idx.msk [tilespmem:v58+s3+$0x0], $0xffff  }
0xb4: {  	v61 =	vld.idx.msk [tilespmem:v42+s3+$0x0], $0xffff;
	[tilespmem:s23+$0x0] =	vst v52;
	v52 =	vadd.s32 $0x2, v1  }
0xb5: {  	s25 =	sadd.s32 $0x6C00, s6;
	s21 =	sor.u32 s26, s1;
	v63 =	vld.idx.msk [tilespmem:v14+s3+$0x0], $0xffff;
	[tilespmem:s17+$0x80] =	vst v57  }
0xb6: {  	v43 =	vadd.s32 $0x2, v38;
	s10 =	sor.u32 s16, s1;
	s19 =	sor.u32 s7, s1;
	s1 =	sor.u32 s15, s25;
	v56 =	vld.idx.msk [tilespmem:v59+s3+$0x0], $0xffff;
	[tilespmem:s4+$0x80] =	vst v39  }
0xb7: {  	v40 =	vld.idx.msk [tilespmem:v40+s3+$0x0], $0xffff;
	[tilespmem:s1+$0x0] =	vst v60  }
0xb8: {  	[tilespmem:s5+$0x80] =	vst v37;
	v42 =	vld.idx.msk [tilespmem:v62+s3+$0x0], $0xffff  }
0xb9: {  	v57 =	vadd.s32 $0x3, v28;
	[tilespmem:s10+$0x0] =	vst v44;
	v59 =	vld.idx.msk [tilespmem:v52+s3+$0x0], $0xffff  }
0xba: {  	v36 =	vadd.s32 $0x3, v18;
	[tilespmem:s13+$0x80] =	vst v61;
	v61 =	vld.idx.msk [tilespmem:v11+s3+$0x0], $0xffff  }
0xbb: {  	v60 =	vadd.s32 $0xD, v2;
	v58 =	vld.idx.msk [tilespmem:v43+s3+$0x0], $0xffff;
	[tilespmem:s19+$0x0] =	vst v63  }
0xbc: {  	s10 =	sadd.s32 $0x6C80, s6;
	v62 =	vadd.s32 $0x3, v1;
	[tilespmem:s17+$0x100] =	vst v56  }
0xbd: {  	[dreg:$0x13] =	wrdreg s22;
	s22 =	sor.u32 s15, s10;
	v63 =	vld.idx.msk [tilespmem:v12+s3+$0x0], $0xffff;
	[tilespmem:s4+$0x100] =	vst v40  }
0xbe: {  	v35 =	vadd.s32 $0x3, v38;
	v48 =	vld.idx.msk [tilespmem:v57+s3+$0x0], $0xffff;
	[tilespmem:s22+$0x0] =	vst v42  }
0xbf: {  	v50 =	vadd.s32 $0xB, v18;
	v49 =	vadd.s32 $0xB, v0;
	s23 =	sor.u32 s16, s25;
	v36 =	vld.idx.msk [tilespmem:v36+s3+$0x0], $0xffff;
	[tilespmem:s5+$0x100] =	vst v59  }
0xc0: {  	v11 =	vmov v50;
	v50 =	vadd.s32 $0x4, v28;
	[tilespmem:s23+$0x0] =	vst v61;
	v42 =	vld.idx.msk [tilespmem:v60+s3+$0x0], $0xffff  }
0xc1: {  	v33 =	vadd.s32 $0x4, v18;
	v51 =	vadd.s32 $0xA, v38;
	[tilespmem:s13+$0x100] =	vst v58;
	v43 =	vld.idx.msk [tilespmem:v62+s3+$0x0], $0xffff  }
0xc2: {  	p0 =	por !p0, !p0;
	v14 =	vmov v51;
	v51 =	vadd.s32 $0xE, v2;
	[tilespmem:s21+$0x0] =	vst v53;
	v53 =	vld.idx.msk [tilespmem:v9+s3+$0x0], $0xffff  }
0xc3: {  	v32 =	vadd.s32 $0x4, v38;
	v27 =	vadd.s32 $0x5, v38;
	s20 =	sor.u32 s7, s25;
	s18 =	sor.u32 s26, s25;
	v52 =	vadd.s32 $0x4, v1;
	s19 =	sor.u32 s26, s10;
	v35 =	vld.idx.msk [tilespmem:v35+s3+$0x0], $0xffff  }
0xc4: {  	v25 =	vadd.s32 $0x6, v38;
	v23 =	vadd.s32 $0x7, v38;
	v55 =	vadd.s32 $0xB, v38;
	s24 =	sadd.s32 $0x6D00, s6;
	s25 =	sor.u32 s7, s10;
	[dreg:$0xa] =	wrdreg s19;
	v41 =	vld.idx.msk [tilespmem:v49+s3+$0x0], $0xffff;
	[tilespmem:s17+$0x180] =	vst v48  }
0xc5: {  	v19 =	vadd.s32 $0x8, v38;
	v21 =	vadd.s32 $0x9, v38;
	v12 =	vmovc v55;
	s19 =	sor.u32 s16, s10;
	s10 =	sor.u32 s15, s24;
	v56 =	vadd.s32 $0xC, v0;
	s21 =	simm.s32 $0x1;
	v55 =	vld.idx.msk [tilespmem:v50+s3+$0x0], $0xffff;
	[tilespmem:s4+$0x180] =	vst v36  }
0xc6: {  	v34 =	vadd.s32 $0xC, v38;
	v22 =	vadd.s32 $0xE, v38;
	v16 =	vadd.s32 $0xA, v18;
	s21 =	simm.s32 @!p0 $0x0;
	v33 =	vld.idx.msk [tilespmem:v33+s3+$0x0], $0xffff;
	[tilespmem:s10+$0x0] =	vst v42  }
0xc7: {  	v30 =	vadd.s32 $0xD, v38;
	v13 =	vmovc v16;
	v16 =	vadd.s32 $0xF, v38;
	v57 =	vadd.s32 $0x5, v28;
	s21 =	sshll.u32 s21, $0x6;
	[tilespmem:s5+$0x180] =	vst v43;
	v38 =	vld.idx.msk [tilespmem:v51+s3+$0x0], $0xffff  }
0xc8: {  	s11 =	sadd.s32 $0x4, s11;
	s12 =	sadd.s32 $0x40, s12;
	v29 =	vadd.s32 $0x5, v18;
	[tilespmem:s13+$0x180] =	vst v35;
	s13 =	sadd.s32 s21, s9;
	v58 =	vld.idx.msk [tilespmem:v52+s3+$0x0], $0xffff  }
0xc9: {  	p1 =	slt.u32 s11, $0x3C;
	s23 =	sor.u32 s16, s24;
	v59 =	vadd.s32 $0xF, v2;
	[tilespmem:s18+$0x0] =	vst v41;
	v32 =	vld.idx.msk [tilespmem:v32+s3+$0x0], $0xffff;
	s5 =	sadd.s32 $0x30, s13  }
0xca: {  	v2 =	vmov v28;
	v61 =	vadd.s32 $0x5, v1;
	s4 =	sor.u32 s26, s24;
	s17 =	sadd.s32 $0x10, s13;
	[tilespmem:s20+$0x0] =	vst v63;
	v28 =	vld.idx.msk [tilespmem:v56+s3+$0x0], $0xffff;
	s10 =	sor.u32 $0x200, s5  }
0xcb: {  	[dreg:$0xd] =	wrdreg s4;
	s22 =	sor.u32 $0x200, s17;
	v60 =	vld.idx.msk [tilespmem:v10+s3+$0x0], $0xffff;
	[tilespmem:s10+$0x4A80] =	vst v55;
	s10 =	sadd.s32 $0x6D80, s6  }
0xcc: {  	s4 =	sor.u32 s7, s24;
	s21 =	sadd.s32 $0x20, s13;
	[tilespmem:s22+$0x4A80] =	vst v33;
	v35 =	vld.idx.msk [tilespmem:v57+s3+$0x0], $0xffff;
	s22 =	sor.u32 s15, s10  }
0xcd: {  	s18 =	sor.u32 $0x200, s13;
	s30 =	sor.u32 $0x280, s13;
	s24 =	sor.u32 $0x300, s13;
	v62 =	vld.idx.msk [tilespmem:v29+s3+$0x0], $0xffff;
	[tilespmem:s22+$0x0] =	vst v38  }
0xce: {  	v63 =	vadd.s32 $0x6, v2;
	s20 =	sor.u32 $0x200, s21;
	s1 =	sor.u32 $0x280, s17;
	s0 =	sor.u32 $0x280, s21;
	[tilespmem:s18+$0x4A80] =	vst v58;
	v38 =	vld.idx.msk [tilespmem:v59+s3+$0x0], $0xffff  }
0xcf: {  	v26 =	vadd.s32 $0x6, v18;
	s28 =	sor.u32 $0x300, s17;
	s31 =	sor.u32 $0x300, s21;
	s13 =	sor.u32 $0x380, s17;
	[tilespmem:s19+$0x0] =	vst v53;
	v33 =	vld.idx.msk [tilespmem:v61+s3+$0x0], $0xffff  }
.Ltmp0:
0xd0: {  	s21 =	sor.u32 $0x380, s21;
	s17 =	sor.u32 s26, s10;
	[tilespmem:s20+$0x4A80] =	vst v32;
	v29 =	vld.idx.msk [tilespmem:v7+s3+$0x0], $0xffff;
	(pc) =	sbr.rel @p1 .LBB2_2-.Ltmp0, $4  }
0xd1: {  	v24 =	vadd.s32 $0x7, v18;
	s22 =	rddreg [dreg:$0x13];
	s18 =	sor.u32 s16, s10;
	s19 =	sor.u32 $0x280, s5;
	v32 =	vld.idx.msk [tilespmem:v27+s3+$0x0], $0xffff;
	[tilespmem:s25+$0x0] =	vst v60  }
0xd2: {  	v20 =	vadd.s32 $0x8, v18;
	v17 =	vadd.s32 $0x9, v18;
	v31 =	vadd.s32 $0xD, v18;
	s20 =	sor.u32 s7, s10;
	s10 =	rddreg [dreg:$0xf];
	v27 =	vld.idx.msk [tilespmem:v8+s3+$0x0], $0xffff;
	[tilespmem:s19+$0x4A80] =	vst v35;
	s19 =	sadd.s32 $0x6E00, s6  }
0xd3: {  	v54 =	vadd.s32 $0xC, v18;
	v15 =	vmovc v21;
	v21 =	vadd.s32 $0xE, v18;
	v18 =	vadd.s32 $0xF, v18;
	v7 =	vmovc v31;
	s6 =	smov.u32 s14;
	[tilespmem:s1+$0x4A80] =	vst v62;
	v31 =	vld.idx.msk [tilespmem:v63+s3+$0x0], $0xffff;
	s25 =	sor.u32 s26, s19;
	s26 =	sor.u32 s15, s19  }
0xd4: {  	v9 =	vmovc v54;
	v10 =	vmovc v34;
	v34 =	vadd.s32 $0x6, v1;
	v8 =	vmov v30;
	v30 =	vadd.s32 $0xD, v0;
	s14 =	sor.u32 s16, s19;
	s19 =	sor.u32 s7, s19;
	v26 =	vld.idx.msk [tilespmem:v26+s3+$0x0], $0xffff;
	[tilespmem:s26+$0x0] =	vst v38;
	s26 =	smov.u32 s2  }
0xd5: {  	_ =	sdelay $0x2  }
0xd6: {  	v60 =	vadd.s32 $0x7, v2;
	[tilespmem:s30+$0x4A80] =	vst v33  }
0xd7: {  	[tilespmem:s0+$0x4A80] =	vst v32;
	v33 =	vld.idx.msk [tilespmem:v34+s3+$0x0], $0xffff  }
0xd8: {  	v61 =	vadd.s32 $0x7, v1;
	v25 =	vld.idx.msk [tilespmem:v25+s3+$0x0], $0xffff  }
0xd9: {  	s15 =	sor.u32 $0x300, s5  }
0xda: {  	[tilespmem:s15+$0x4A80] =	vst v31  }
0xdb: {  	[tilespmem:s28+$0x4A80] =	vst v26;
	v26 =	vld.idx.msk [tilespmem:v60+s3+$0x0], $0xffff  }
0xdc: {  	v24 =	vld.idx.msk [tilespmem:v24+s3+$0x0], $0xffff;
	[tilespmem:s24+$0x4A80] =	vst v33  }
0xdd: {  	[tilespmem:s31+$0x4A80] =	vst v25;
	v25 =	vadd.s32 $0x8, v2;
	v31 =	vld.idx.msk [tilespmem:v61+s3+$0x0], $0xffff  }
0xde: {  	v23 =	vld.idx.msk [tilespmem:v23+s3+$0x0], $0xffff  }
0xdf: {  	s16 =	sor.u32 $0x380, s5;
	v62 =	vadd.s32 $0x8, v1  }
0xe0: {  	[tilespmem:s16+$0x4A80] =	vst v26  }
0xe1: {  	[tilespmem:s13+$0x4A80] =	vst v24  }
0xe2: {  	v24 =	vld.idx.msk [tilespmem:v25+s3+$0x0], $0xffff;
	[tilespmem:s10+$0x4A80] =	vst v31  }
0xe3: {  	v20 =	vld.idx.msk [tilespmem:v20+s3+$0x0], $0xffff;
	[tilespmem:s21+$0x4A80] =	vst v23;
	v23 =	vadd.s32 $0x9, v2  }
0xe4: {  	v25 =	vld.idx.msk [tilespmem:v62+s3+$0x0], $0xffff  }
0xe5: {  	v26 =	vadd.s32 $0x9, v1;
	s21 =	sadd.s32 $0x6A80, s6;
	v19 =	vld.idx.msk [tilespmem:v19+s3+$0x0], $0xffff  }
0xe6: {  	s1 =	sor.u32 s22, s21  }
0xe7: {  	s2 =	sor.u32 s29, s21;
	[tilespmem:s1+$0x0] =	vst v24  }
0xe8: {  	s0 =	sor.u32 s26, s21;
	s5 =	rddreg [dreg:$0x8];
	v23 =	vld.idx.msk [tilespmem:v23+s3+$0x0], $0xffff;
	[tilespmem:s2+$0x0] =	vst v20  }
0xe9: {  	v20 =	vadd.s32 $0xA, v2;
	[tilespmem:s0+$0x0] =	vst v25;
	s24 =	sor.u32 s5, s21;
	v17 =	vld.idx.msk [tilespmem:v17+s3+$0x0], $0xffff  }
0xea: {  	[tilespmem:s24+$0x0] =	vst v19;
	v19 =	vld.idx.msk [tilespmem:v26+s3+$0x0], $0xffff  }
0xeb: {  	s7 =	sadd.s32 $0x6B00, s6;
	v24 =	vadd.s32 $0xA, v1;
	v15 =	vld.idx.msk [tilespmem:v15+s3+$0x0], $0xffff  }
0xec: {  	s8 =	sor.u32 s22, s7  }
0xed: {  	s9 =	sor.u32 s29, s7;
	[tilespmem:s8+$0x0] =	vst v23  }
0xee: {  	s0 =	sor.u32 s26, s7;
	v20 =	vld.idx.msk [tilespmem:v20+s3+$0x0], $0xffff;
	[tilespmem:s9+$0x0] =	vst v17  }
0xef: {  	s10 =	sor.u32 s5, s7;
	v17 =	vadd.s32 $0xB, v2;
	v13 =	vld.idx.msk [tilespmem:v13+s3+$0x0], $0xffff;
	[tilespmem:s0+$0x0] =	vst v19  }
0xf0: {  	[tilespmem:s10+$0x0] =	vst v15;
	v15 =	vld.idx.msk [tilespmem:v24+s3+$0x0], $0xffff  }
0xf1: {  	s11 =	sadd.s32 $0x6B80, s6;
	v19 =	vadd.s32 $0xB, v1;
	v14 =	vld.idx.msk [tilespmem:v14+s3+$0x0], $0xffff  }
0xf2: {  	s12 =	sor.u32 s22, s11  }
0xf3: {  	s13 =	sor.u32 s29, s11;
	[tilespmem:s12+$0x0] =	vst v20  }
0xf4: {  	s0 =	sor.u32 s26, s11;
	v17 =	vld.idx.msk [tilespmem:v17+s3+$0x0], $0xffff;
	[tilespmem:s13+$0x0] =	vst v13  }
0xf5: {  	s15 =	sor.u32 s5, s11;
	v13 =	vadd.s32 $0xC, v2;
	v11 =	vld.idx.msk [tilespmem:v11+s3+$0x0], $0xffff;
	[tilespmem:s0+$0x0] =	vst v15  }
0xf6: {  	[tilespmem:s15+$0x0] =	vst v14;
	v14 =	vld.idx.msk [tilespmem:v19+s3+$0x0], $0xffff  }
0xf7: {  	s16 =	sadd.s32 $0x6C00, s6;
	v15 =	vadd.s32 $0xC, v1;
	v12 =	vld.idx.msk [tilespmem:v12+s3+$0x0], $0xffff;
	s0 =	rddreg [dreg:$0xa];
	[tilespmem:s23+$0x0] =	vst v29  }
0xf8: {  	s21 =	sor.u32 s22, s16;
	[tilespmem:s0+$0x0] =	vst v28  }
0xf9: {  	s23 =	sor.u32 s29, s16;
	v5 =	vld.idx.msk [tilespmem:v5+s3+$0x0], $0xffff;
	[tilespmem:s21+$0x0] =	vst v17  }
0xfa: {  	s0 =	sor.u32 s26, s16;
	v13 =	vld.idx.msk [tilespmem:v13+s3+$0x0], $0xffff;
	[tilespmem:s23+$0x0] =	vst v11  }
0xfb: {  	s24 =	sor.u32 s5, s16;
	v11 =	vadd.s32 $0xD, v2;
	v9 =	vld.idx.msk [tilespmem:v9+s3+$0x0], $0xffff;
	[tilespmem:s0+$0x0] =	vst v14  }
0xfc: {  	[tilespmem:s24+$0x0] =	vst v12;
	v12 =	vld.idx.msk [tilespmem:v15+s3+$0x0], $0xffff  }
0xfd: {  	s7 =	sadd.s32 $0x6C80, s6;
	[tilespmem:s4+$0x0] =	vst v27;
	v14 =	vadd.s32 $0xD, v1;
	v10 =	vld.idx.msk [tilespmem:v10+s3+$0x0], $0xffff  }
0xfe: {  	s8 =	sor.u32 s22, s7;
	v6 =	vld.idx.msk [tilespmem:v6+s3+$0x0], $0xffff;
	s1 =	rddreg [dreg:$0xd];
	[tilespmem:s18+$0x0] =	vst v5  }
0xff: {  	s9 =	sor.u32 s29, s7;
	v19 =	vld.idx.msk [tilespmem:v30+s3+$0x0], $0xffff;
	[tilespmem:s8+$0x0] =	vst v13  }
0x100: {  	s0 =	sor.u32 s26, s7;
	v15 =	vadd.s32 $0xE, v0;
	v11 =	vld.idx.msk [tilespmem:v11+s3+$0x0], $0xffff;
	[tilespmem:s9+$0x0] =	vst v9  }
0x101: {  	s10 =	sor.u32 s5, s7;
	v9 =	vadd.s32 $0xE, v2;
	v7 =	vld.idx.msk [tilespmem:v7+s3+$0x0], $0xffff;
	[tilespmem:s0+$0x0] =	vst v12  }
0x102: {  	[tilespmem:s10+$0x0] =	vst v10;
	v5 =	vld.idx.msk [tilespmem:v14+s3+$0x0], $0xffff  }
0x103: {  	s11 =	sadd.s32 $0x6D00, s6;
	[tilespmem:s20+$0x0] =	vst v6;
	v6 =	vadd.s32 $0xE, v1;
	v8 =	vld.idx.msk [tilespmem:v8+s3+$0x0], $0xffff  }
0x104: {  	s12 =	sor.u32 s22, s11;
	[tilespmem:s1+$0x0] =	vst v19;
	v4 =	vld.idx.msk [tilespmem:v4+s3+$0x0], $0xffff  }
0x105: {  	s13 =	sor.u32 s29, s11;
	v10 =	vld.idx.msk [tilespmem:v15+s3+$0x0], $0xffff;
	[tilespmem:s12+$0x0] =	vst v11  }
0x106: {  	v0 =	vadd.s32 $0xF, v0;
	s0 =	sor.u32 s26, s11;
	v9 =	vld.idx.msk [tilespmem:v9+s3+$0x0], $0xffff;
	[tilespmem:s13+$0x0] =	vst v7  }
0x107: {  	s15 =	sor.u32 s5, s11;
	v2 =	vadd.s32 $0xF, v2;
	v7 =	vld.idx.msk [tilespmem:v21+s3+$0x0], $0xffff;
	[tilespmem:s0+$0x0] =	vst v5  }
0x108: {  	[tilespmem:s15+$0x0] =	vst v8;
	v5 =	vld.idx.msk [tilespmem:v6+s3+$0x0], $0xffff  }
0x109: {  	s16 =	sadd.s32 $0x6D80, s6;
	v1 =	vadd.s32 $0xF, v1;
	[tilespmem:s14+$0x0] =	vst v4;
	v8 =	vld.idx.msk [tilespmem:v22+s3+$0x0], $0xffff  }
0x10a: {  	v3 =	vld.idx.msk [tilespmem:v3+s3+$0x0], $0xffff;
	[tilespmem:s17+$0x0] =	vst v10;
	s17 =	sor.u32 s22, s16  }
0x10b: {  	s18 =	sor.u32 s29, s16;
	v0 =	vld.idx.msk [tilespmem:v0+s3+$0x0], $0xffff;
	[tilespmem:s17+$0x0] =	vst v9  }
0x10c: {  	s0 =	sor.u32 s26, s16;
	v2 =	vld.idx.msk [tilespmem:v2+s3+$0x0], $0xffff;
	[tilespmem:s18+$0x0] =	vst v7  }
0x10d: {  	s20 =	sor.u32 s5, s16;
	v4 =	vld.idx.msk [tilespmem:v18+s3+$0x0], $0xffff;
	[tilespmem:s0+$0x0] =	vst v5  }
0x10e: {  	[tilespmem:s20+$0x0] =	vst v8;
	v1 =	vld.idx.msk [tilespmem:v1+s3+$0x0], $0xffff  }
0x10f: {  	s21 =	sadd.s32 $0x6E00, s6;
	[tilespmem:s19+$0x0] =	vst v3;
	v5 =	vld.idx.msk [tilespmem:v16+s3+$0x0], $0xffff  }
0x110: {  	s23 =	sor.u32 s22, s21;
	[tilespmem:s25+$0x0] =	vst v0  }
0x111: {  	s24 =	sor.u32 s29, s21;
	[tilespmem:s23+$0x0] =	vst v2  }
0x112: {  	s0 =	sor.u32 s26, s21;
	[tilespmem:s24+$0x0] =	vst v4  }
0x113: {  	s25 =	sor.u32 s5, s21;
	[tilespmem:s0+$0x0] =	vst v1  }
0x114: {  	[tilespmem:s25+$0x0] =	vst v5  }
0x115: {  	s4 =	simm.s32 $0x0;
	s26 =	simm.s32 $0x4A80;
	s0 =	rddreg [dreg:$0x1b]  }
0x116: {  	[hbm4b:s0+s4] =	stream.linear.scatter [tilespmem:s26], [sflag:$0x3], $0x4000, $0x38;
	[tilespmem:$0xCA80] =	vst v63  }
0x117: {  	s2 =	simm.s32 $0x4280;
	s5 =	simm.s32 $0x2;
	s1 =	rddreg [dreg:$0x1c]  }
0x118: {  	[tilespmem:s2], [sflag:$0x1] =	stream.linear.gather [hbm4b:s1+s4], $0x400, $0x38;
	[tilespmem:$0xCA80] =	vst v63  }
0x119: {  	s6 =	sand.u32 $0x380, s4;
	s15 =	sand.u32 $0x40, s4;
	_ =	swait.ge [sflag:s5], $0x400  }
0x11a: {  	s12 =	sor.u32 $0x30, s15;
	s0 =	sadd.s32 $0x4680, s6;
	[sflag:s5] =	ssyncset.done $0x0  }
0x11b: {  	s7 =	sor.u32 s12, s0;
	[sflag:s5] =	ssyncadd.s32 $0xFFFFFC00  }
0x11c: {  	s29 =	sor.u32 $0x10, s15;
	v0 =	vld [tilespmem:s7+$0x0]  }
0x11d: {  	s8 =	sor.u32 s29, s0  }
0x11e: {  	s11 =	sor.u32 $0x20, s15;
	v1 =	vld [tilespmem:s8+$0x0]  }
0x11f: {  	s0 =	sor.u32 s11, s0  }
0x120: {  	v2 =	vld [tilespmem:s0+$0x0]  }
0x121: {  	v5 =	vmul.u32 $0x11, v0  }
0x122: {  	s9 =	simm.s32 $0x4680  }
0x123: {  	v0 =	vld [tilespmem:s9+$0x0];
	v4 =	vmul.u32 $0x11, v1;
	_ =	sdelay $0x1  }
0x124: {  	v3 =	vmul.u32 $0x11, v2;
	_ =	sdelay $0x1  }
0x125: {  	v1 =	vld.idx.msk [tilespmem:v5+s3+$0x0], $0xffff  }
0x126: {  	v2 =	vadd.s32 $0x1, v5;
	v0 =	vmul.u32 $0x11, v0  }
0x127: {  	s2 =	sand.u32 $0x1C00, s4;
	v6 =	vld.idx.msk [tilespmem:v4+s3+$0x0], $0xffff  }
0x128: {  	s10 =	sadd.s32 $0x8A80, s2;
	v7 =	vadd.s32 $0x1, v4  }
0x129: {  	s13 =	sor.u32 s12, s10;
	v8 =	vld.idx.msk [tilespmem:v3+s3+$0x0], $0xffff  }
0x12a: {  	[tilespmem:s13+$0x0] =	vst v1;
	v1 =	vadd.s32 $0x1, v3  }
0x12b: {  	s14 =	sor.u32 s29, s10;
	v2 =	vld.idx.msk [tilespmem:v2+s3+$0x0], $0xffff  }
0x12c: {  	v9 =	vadd.s32 $0x2, v5;
	v10 =	vld.idx.msk [tilespmem:v0+s3+$0x0], $0xffff;
	[tilespmem:s14+$0x0] =	vst v6  }
0x12d: {  	s16 =	sor.u32 s11, s10;
	v6 =	vadd.s32 $0x1, v0;
	v7 =	vld.idx.msk [tilespmem:v7+s3+$0x0], $0xffff  }
0x12e: {  	[tilespmem:s16+$0x0] =	vst v8;
	v8 =	vadd.s32 $0x2, v4  }
0x12f: {  	v1 =	vld.idx.msk [tilespmem:v1+s3+$0x0], $0xffff  }
0x130: {  	s7 =	sor.u32 s15, s10;
	[tilespmem:s13+$0x80] =	vst v2;
	v2 =	vadd.s32 $0x2, v3  }
0x131: {  	[tilespmem:s7+$0x0] =	vst v10;
	v9 =	vld.idx.msk [tilespmem:v9+s3+$0x0], $0xffff  }
0x132: {  	v11 =	vadd.s32 $0x3, v5;
	v6 =	vld.idx.msk [tilespmem:v6+s3+$0x0], $0xffff;
	[tilespmem:s14+$0x80] =	vst v7  }
0x133: {  	v7 =	vadd.s32 $0x2, v0;
	v8 =	vld.idx.msk [tilespmem:v8+s3+$0x0], $0xffff  }
0x134: {  	[tilespmem:s16+$0x80] =	vst v1;
	v1 =	vadd.s32 $0x3, v4  }
0x135: {  	v2 =	vld.idx.msk [tilespmem:v2+s3+$0x0], $0xffff  }
0x136: {  	[tilespmem:s13+$0x100] =	vst v9;
	v9 =	vadd.s32 $0x3, v3  }
0x137: {  	[tilespmem:s7+$0x80] =	vst v6;
	v10 =	vld.idx.msk [tilespmem:v11+s3+$0x0], $0xffff  }
0x138: {  	v6 =	vld.idx.msk [tilespmem:v7+s3+$0x0], $0xffff;
	[tilespmem:s14+$0x100] =	vst v8;
	v11 =	vadd.s32 $0x4, v5  }
0x139: {  	v7 =	vadd.s32 $0x3, v0;
	v1 =	vld.idx.msk [tilespmem:v1+s3+$0x0], $0xffff  }
0x13a: {  	[tilespmem:s16+$0x100] =	vst v2;
	v2 =	vadd.s32 $0x4, v4  }
0x13b: {  	v8 =	vld.idx.msk [tilespmem:v9+s3+$0x0], $0xffff  }
0x13c: {  	p0 =	por $0x0, $0x0;
	s0 =	simm.s32 $0x1;
	v9 =	vadd.s32 $0x4, v3;
	[tilespmem:s13+$0x180] =	vst v10  }
0x13d: {  	s0 =	simm.s32 @!p0 $0x0;
	[tilespmem:s7+$0x100] =	vst v6;
	v10 =	vld.idx.msk [tilespmem:v11+s3+$0x0], $0xffff  }
0x13e: {  	s0 =	sshll.u32 s0, $0x6;
	v6 =	vld.idx.msk [tilespmem:v7+s3+$0x0], $0xffff;
	v11 =	vadd.s32 $0x5, v5;
	[tilespmem:s14+$0x180] =	vst v1  }
0x13f: {  	s0 =	sadd.s32 $0x0, s0;
	v1 =	vadd.s32 $0x4, v0;
	v2 =	vld.idx.msk [tilespmem:v2+s3+$0x0], $0xffff  }
0x140: {  	s9 =	sadd.s32 $0x30, s0;
	v7 =	vadd.s32 $0x5, v4;
	[tilespmem:s16+$0x180] =	vst v8  }
0x141: {  	s17 =	sor.u32 $0x200, s9;
	v8 =	vld.idx.msk [tilespmem:v9+s3+$0x0], $0xffff  }
0x142: {  	s5 =	sadd.s32 $0x10, s0;
	v9 =	vadd.s32 $0x5, v3;
	[tilespmem:s17+$0x8A80] =	vst v10  }
0x143: {  	s18 =	sor.u32 $0x200, s5;
	[tilespmem:s7+$0x180] =	vst v6;
	v10 =	vld.idx.msk [tilespmem:v11+s3+$0x0], $0xffff  }
0x144: {  	s1 =	sadd.s32 $0x20, s0;
	v11 =	vadd.s32 $0x6, v5;
	v1 =	vld.idx.msk [tilespmem:v1+s3+$0x0], $0xffff;
	[tilespmem:s18+$0x8A80] =	vst v2  }
0x145: {  	s19 =	sor.u32 $0x200, s1;
	v2 =	vadd.s32 $0x5, v0;
	v6 =	vld.idx.msk [tilespmem:v7+s3+$0x0], $0xffff  }
0x146: {  	v7 =	vadd.s32 $0x6, v4;
	[tilespmem:s19+$0x8A80] =	vst v8  }
0x147: {  	s20 =	sor.u32 $0x280, s9;
	v8 =	vld.idx.msk [tilespmem:v9+s3+$0x0], $0xffff  }
0x148: {  	s21 =	sor.u32 $0x200, s0;
	v9 =	vadd.s32 $0x6, v3;
	[tilespmem:s20+$0x8A80] =	vst v10  }
0x149: {  	s22 =	sor.u32 $0x280, s5;
	[tilespmem:s21+$0x8A80] =	vst v1;
	v10 =	vld.idx.msk [tilespmem:v11+s3+$0x0], $0xffff  }
0x14a: {  	v11 =	vadd.s32 $0x7, v5;
	v1 =	vld.idx.msk [tilespmem:v2+s3+$0x0], $0xffff;
	[tilespmem:s22+$0x8A80] =	vst v6  }
0x14b: {  	s23 =	sor.u32 $0x280, s1;
	v6 =	vld.idx.msk [tilespmem:v7+s3+$0x0], $0xffff  }
0x14c: {  	v2 =	vadd.s32 $0x6, v0;
	[tilespmem:s23+$0x8A80] =	vst v8  }
0x14d: {  	s24 =	sor.u32 $0x300, s9;
	v7 =	vadd.s32 $0x7, v4;
	v8 =	vld.idx.msk [tilespmem:v9+s3+$0x0], $0xffff  }
0x14e: {  	s25 =	sor.u32 $0x280, s0;
	v9 =	vadd.s32 $0x7, v3;
	[tilespmem:s24+$0x8A80] =	vst v10  }
0x14f: {  	s26 =	simm.s32 $0x46C0;
	s8 =	sor.u32 $0x300, s5;
	[tilespmem:s25+$0x8A80] =	vst v1;
	v10 =	vld.idx.msk [tilespmem:v11+s3+$0x0], $0xffff  }
0x150: {  	v12 =	vld [tilespmem:s26+$0x0];
	[tilespmem:s8+$0x8A80] =	vst v6;
	s8 =	simm.s32 $0x40  }
0x151: {  	s7 =	sor.u32 $0x300, s1;
	v11 =	vadd.s32 $0x8, v5;
	v1 =	vld.idx.msk [tilespmem:v2+s3+$0x0], $0xffff;
	s26 =	sand.u32 $0x40, s8;
	s10 =	sand.u32 $0x380, s8  }
0x152: {  	v6 =	vld.idx.msk [tilespmem:v7+s3+$0x0], $0xffff;
	[tilespmem:s7+$0x8A80] =	vst v8;
	s6 =	sadd.s32 $0x4680, s10;
	s22 =	sor.u32 $0x30, s26  }
0x153: {  	s13 =	sor.u32 $0x380, s9;
	v2 =	vadd.s32 $0x7, v0;
	s30 =	sor.u32 $0x10, s26;
	v7 =	vld.idx.msk [tilespmem:v9+s3+$0x0], $0xffff;
	s14 =	sor.u32 s22, s6  }
0x154: {  	v8 =	vadd.s32 $0x8, v4;
	s16 =	sor.u32 s30, s6;
	[tilespmem:s13+$0x8A80] =	vst v10;
	v10 =	vld [tilespmem:s14+$0x0]  }
0x155: {  	s0 =	sor.u32 $0x300, s0;
	s17 =	sor.u32 $0x20, s26;
	v13 =	vld [tilespmem:s16+$0x0]  }
0x156: {  	s6 =	sor.u32 s17, s6;
	[tilespmem:s0+$0x8A80] =	vst v1;
	v1 =	vmul.u32 $0x11, v12;
	v9 =	vld.idx.msk [tilespmem:v11+s3+$0x0], $0xffff;
	v11 =	vadd.s32 $0x8, v3  }
0x157: {  	s5 =	sor.u32 $0x380, s5;
	v16 =	vld [tilespmem:s6+$0x0]  }
0x158: {  	v15 =	vadd.s32 $0x9, v5;
	v14 =	vld.idx.msk [tilespmem:v2+s3+$0x0], $0xffff;
	[tilespmem:s5+$0x8A80] =	vst v6  }
0x159: {  	s1 =	sor.u32 $0x380, s1;
	v6 =	vadd.s32 $0x8, v0;
	v8 =	vld.idx.msk [tilespmem:v8+s3+$0x0], $0xffff  }
0x15a: {  	s18 =	sadd.s32 $0xAA80, s2;
	v12 =	vadd.s32 $0x9, v4;
	[tilespmem:s1+$0x8A80] =	vst v7;
	v2 =	vmul.u32 $0x11, v10  }
0x15b: {  	s4 =	sor.u32 s4, s4;
	s19 =	sor.u32 s12, s18;
	v18 =	vmul.u32 $0x11, v13;
	v7 =	vld.idx.msk [tilespmem:v11+s3+$0x0], $0xffff  }
0x15c: {  	s4 =	sor.u32 $0x380, s4;
	v16 =	vmul.u32 $0x11, v16;
	[tilespmem:s19+$0x0] =	vst v9;
	v11 =	vld.idx.msk [tilespmem:v1+s3+$0x0], $0xffff  }
0x15d: {  	s20 =	sor.u32 s29, s18;
	[tilespmem:s4+$0x8A80] =	vst v14;
	v9 =	vld.idx.msk [tilespmem:v15+s3+$0x0], $0xffff  }
0x15e: {  	v10 =	vadd.s32 $0xA, v5;
	v6 =	vld.idx.msk [tilespmem:v6+s3+$0x0], $0xffff;
	[tilespmem:s20+$0x0] =	vst v8  }
0x15f: {  	v8 =	vadd.s32 $0x9, v3;
	v12 =	vld.idx.msk [tilespmem:v12+s3+$0x0], $0xffff  }
0x160: {  	s21 =	sadd.s32 $0xAB00, s2;
	s24 =	sor.u32 s11, s18;
	v13 =	vadd.s32 $0x9, v0;
	v14 =	vld.idx.msk [tilespmem:v2+s3+$0x0], $0xffff  }
0x161: {  	s9 =	simm.s32 $0x200;
	s23 =	sor.u32 s12, s21;
	v15 =	vadd.s32 $0xA, v4;
	v17 =	vld.idx.msk [tilespmem:v18+s3+$0x0], $0xffff;
	[tilespmem:s24+$0x0] =	vst v7  }
0x162: {  	s6 =	sand.u32 $0x1C00, s9;
	s5 =	sor.u32 s15, s18;
	v7 =	vld.idx.msk [tilespmem:v16+s3+$0x0], $0xffff;
	[tilespmem:s23+$0x0] =	vst v9;
	v9 =	vadd.s32 $0x1, v2  }
0x163: {  	s25 =	sor.u32 s29, s21;
	[tilespmem:s5+$0x0] =	vst v6;
	s5 =	sadd.s32 $0x8A80, s6;
	v10 =	vld.idx.msk [tilespmem:v10+s3+$0x0], $0xffff  }
0x164: {  	v19 =	vadd.s32 $0x1, v18;
	v6 =	vld.idx.msk [tilespmem:v8+s3+$0x0], $0xffff;
	s7 =	sor.u32 s22, s5;
	[tilespmem:s25+$0x0] =	vst v12  }
0x165: {  	v8 =	vadd.s32 $0xB, v5;
	v13 =	vld.idx.msk [tilespmem:v13+s3+$0x0], $0xffff;
	s23 =	sor.u32 s30, s5;
	[tilespmem:s7+$0x0] =	vst v14  }
0x166: {  	v20 =	vadd.s32 $0x1, v16;
	s24 =	sadd.s32 $0xAB80, s2;
	v14 =	vld.idx.msk [tilespmem:v15+s3+$0x0], $0xffff;
	[tilespmem:s23+$0x0] =	vst v17  }
0x167: {  	v12 =	vadd.s32 $0x1, v1;
	s25 =	sor.u32 s12, s24;
	v9 =	vld.idx.msk [tilespmem:v9+s3+$0x0], $0xffff;
	[dreg:$0x6] =	wrdreg s17  }
0x168: {  	s0 =	sor.u32 s17, s5;
	v15 =	vadd.s32 $0xA, v3;
	[tilespmem:s25+$0x0] =	vst v10  }
0x169: {  	s4 =	sor.u32 s26, s5;
	v17 =	vld.idx.msk [tilespmem:v19+s3+$0x0], $0xffff;
	v19 =	vadd.s32 $0xA, v0;
	[tilespmem:s0+$0x0] =	vst v7  }
0x16a: {  	s16 =	sor.u32 s11, s21;
	v7 =	vadd.s32 $0x2, v2;
	[tilespmem:s4+$0x0] =	vst v11;
	v8 =	vld.idx.msk [tilespmem:v8+s3+$0x0], $0xffff  }
0x16b: {  	s1 =	sor.u32 s15, s21;
	v10 =	vadd.s32 $0x2, v18;
	[tilespmem:s16+$0x0] =	vst v6;
	v11 =	vld.idx.msk [tilespmem:v20+s3+$0x0], $0xffff  }
0x16c: {  	s20 =	sor.u32 s29, s24;
	v6 =	vadd.s32 $0xC, v5;
	[tilespmem:s1+$0x0] =	vst v13;
	v12 =	vld.idx.msk [tilespmem:v12+s3+$0x0], $0xffff  }
0x16d: {  	v20 =	vadd.s32 $0x2, v16;
	v13 =	vld.idx.msk [tilespmem:v15+s3+$0x0], $0xffff;
	[tilespmem:s20+$0x0] =	vst v14  }
0x16e: {  	s17 =	sadd.s32 $0xAC00, s2;
	v15 =	vadd.s32 $0x2, v1;
	[tilespmem:s7+$0x80] =	vst v9;
	v9 =	vld.idx.msk [tilespmem:v19+s3+$0x0], $0xffff  }
0x16f: {  	s19 =	sor.u32 s12, s17;
	v19 =	vadd.s32 $0xB, v4;
	[tilespmem:s23+$0x80] =	vst v17;
	v7 =	vld.idx.msk [tilespmem:v7+s3+$0x0], $0xffff  }
0x170: {  	v17 =	vadd.s32 $0xB, v3;
	v10 =	vld.idx.msk [tilespmem:v10+s3+$0x0], $0xffff;
	[tilespmem:s19+$0x0] =	vst v8  }
0x171: {  	[tilespmem:s0+$0x80] =	vst v11;
	v8 =	vadd.s32 $0x3, v2;
	v6 =	vld.idx.msk [tilespmem:v6+s3+$0x0], $0xffff  }
0x172: {  	s16 =	sor.u32 s11, s24;
	v11 =	vadd.s32 $0x3, v18;
	[tilespmem:s4+$0x80] =	vst v12;
	v12 =	vld.idx.msk [tilespmem:v20+s3+$0x0], $0xffff  }
0x173: {  	v14 =	vadd.s32 $0xD, v5;
	v15 =	vld.idx.msk [tilespmem:v15+s3+$0x0], $0xffff;
	[tilespmem:s16+$0x0] =	vst v13  }
0x174: {  	s13 =	sor.u32 s15, s24;
	v20 =	vadd.s32 $0x3, v16;
	v19 =	vld.idx.msk [tilespmem:v19+s3+$0x0], $0xffff;
	[tilespmem:s7+$0x100] =	vst v7  }
0x175: {  	s21 =	sadd.s32 $0xAC80, s2;
	v13 =	vadd.s32 $0x3, v1;
	v7 =	vld.idx.msk [tilespmem:v17+s3+$0x0], $0xffff;
	[tilespmem:s13+$0x0] =	vst v9  }
0x176: {  	s18 =	sor.u32 s12, s21;
	[tilespmem:s23+$0x100] =	vst v10;
	v8 =	vld.idx.msk [tilespmem:v8+s3+$0x0], $0xffff;
	v10 =	vadd.s32 $0xB, v0  }
0x177: {  	v17 =	vadd.s32 $0xC, v4;
	v11 =	vld.idx.msk [tilespmem:v11+s3+$0x0], $0xffff;
	[tilespmem:s18+$0x0] =	vst v6  }
0x178: {  	[tilespmem:s0+$0x100] =	vst v12;
	v6 =	vadd.s32 $0x4, v2;
	v12 =	vld.idx.msk [tilespmem:v14+s3+$0x0], $0xffff  }
0x179: {  	s19 =	sor.u32 s29, s17;
	v14 =	vadd.s32 $0x4, v18;
	[tilespmem:s4+$0x100] =	vst v15;
	v15 =	vld.idx.msk [tilespmem:v20+s3+$0x0], $0xffff  }
0x17a: {  	v9 =	vadd.s32 $0xE, v5;
	v13 =	vld.idx.msk [tilespmem:v13+s3+$0x0], $0xffff;
	[tilespmem:s19+$0x0] =	vst v19  }
0x17b: {  	s20 =	sadd.s32 $0xAD00, s2;
	v20 =	vadd.s32 $0x4, v16;
	v10 =	vld.idx.msk [tilespmem:v10+s3+$0x0], $0xffff;
	[tilespmem:s7+$0x180] =	vst v8  }
0x17c: {  	v19 =	vadd.s32 $0x4, v1;
	v8 =	vld.idx.msk [tilespmem:v17+s3+$0x0], $0xffff;
	[tilespmem:s23+$0x180] =	vst v11;
	s23 =	sor.u32 s12, s20  }
0x17d: {  	p0 =	por !p0, !p0;
	s10 =	simm.s32 $0x1;
	v6 =	vld.idx.msk [tilespmem:v6+s3+$0x0], $0xffff;
	[tilespmem:s23+$0x0] =	vst v12  }
0x17e: {  	s10 =	simm.s32 @!p0 $0x0;
	v17 =	vadd.s32 $0xC, v3;
	v11 =	vld.idx.msk [tilespmem:v14+s3+$0x0], $0xffff;
	[tilespmem:s0+$0x180] =	vst v15  }
0x17f: {  	s24 =	sshll.u32 s10, $0x6;
	v14 =	vadd.s32 $0xC, v0;
	s0 =	sor.u32 s11, s17;
	v9 =	vld.idx.msk [tilespmem:v9+s3+$0x0], $0xffff;
	[tilespmem:s4+$0x180] =	vst v13  }
0x180: {  	s1 =	sor.u32 s15, s17;
	s7 =	sadd.s32 $0x200, s24;
	v12 =	vadd.s32 $0x5, v2;
	s17 =	sor.u32 s15, s21;
	v13 =	vld.idx.msk [tilespmem:v20+s3+$0x0], $0xffff;
	[tilespmem:s0+$0x0] =	vst v7  }
0x181: {  	s5 =	sadd.s32 $0x30, s7;
	v15 =	vadd.s32 $0x5, v18;
	v21 =	vld.idx.msk [tilespmem:v19+s3+$0x0], $0xffff;
	[dreg:$0xb] =	wrdreg s17  }
0x182: {  	s25 =	sor.u32 s9, s8;
	s13 =	sadd.s32 $0x10, s7;
	s18 =	sor.u32 $0x200, s5;
	v7 =	vadd.s32 $0xF, v5;
	[tilespmem:s1+$0x0] =	vst v10  }
0x183: {  	s14 =	sor.u32 s11, s21;
	v22 =	vadd.s32 $0x5, v16;
	s10 =	sor.u32 $0x380, s25;
	s23 =	sor.u32 $0x200, s13;
	v10 =	vld.idx.msk [tilespmem:v17+s3+$0x0], $0xffff;
	[tilespmem:s18+$0x8A80] =	vst v6  }
0x184: {  	v26 =	vadd.s32 $0xD, v4;
	v30 =	vadd.s32 $0xD, v3;
	v27 =	vadd.s32 $0x5, v1;
	s19 =	sor.u32 s29, s21;
	s24 =	sadd.s32 $0xAD80, s2;
	s17 =	sor.u32 s15, s20;
	v28 =	vld.idx.msk [tilespmem:v14+s3+$0x0], $0xffff;
	[tilespmem:s23+$0x8A80] =	vst v11  }
0x185: {  	v34 =	vadd.s32 $0x6, v1;
	v35 =	vadd.s32 $0x6, v18;
	v24 =	vadd.s32 $0x7, v18;
	s25 =	sor.u32 s12, s24;
	s21 =	sadd.s32 $0x20, s7;
	v31 =	vld.idx.msk [tilespmem:v12+s3+$0x0], $0xffff;
	[dreg:$0xe] =	wrdreg s17  }
0x186: {  	v25 =	vadd.s32 $0x6, v16;
	v23 =	vadd.s32 $0x7, v16;
	v36 =	vadd.s32 $0x6, v2;
	s2 =	sadd.s32 $0xAE00, s2;
	s18 =	sor.u32 $0x200, s21;
	v63 =	vld.idx.msk [tilespmem:v15+s3+$0x0], $0xffff;
	[tilespmem:s25+$0x0] =	vst v9  }
0x187: {  	v5 =	vadd.s32 $0xE, v4;
	v4 =	vadd.s32 $0xF, v4;
	s4 =	sor.u32 s11, s20;
	v20 =	vadd.s32 $0x8, v18;
	s23 =	sor.u32 s29, s20;
	s20 =	sor.u32 $0x200, s7;
	[tilespmem:s18+$0x8A80] =	vst v13;
	v37 =	vld.idx.msk [tilespmem:v7+s3+$0x0], $0xffff  }
0x188: {  	s31 =	sor.u32 $0x280, s7;
	s12 =	sor.u32 s12, s2;
	s28 =	sor.u32 $0x280, s13;
	v19 =	vadd.s32 $0x8, v16;
	v17 =	vadd.s32 $0x9, v18;
	v6 =	vadd.s32 $0xE, v3;
	[tilespmem:s20+$0x8A80] =	vst v21;
	v32 =	vld.idx.msk [tilespmem:v22+s3+$0x0], $0xffff  }
0x189: {  	s1 =	sor.u32 $0x280, s21;
	v3 =	vadd.s32 $0xF, v3;
	v11 =	vadd.s32 $0xB, v18;
	v14 =	vadd.s32 $0xA, v16;
	s17 =	sor.u32 s15, s24;
	s18 =	sor.u32 s29, s24;
	[tilespmem:s19+$0x0] =	vst v8;
	v33 =	vld.idx.msk [tilespmem:v27+s3+$0x0], $0xffff  }
0x18a: {  	v12 =	vadd.s32 $0xB, v16;
	v13 =	vadd.s32 $0xA, v18;
	v15 =	vadd.s32 $0x9, v16;
	s20 =	sor.u32 s11, s24;
	s25 =	sor.u32 s15, s2;
	s24 =	sor.u32 $0x280, s5;
	[tilespmem:s14+$0x0] =	vst v10;
	v29 =	vld.idx.msk [tilespmem:v26+s3+$0x0], $0xffff  }
0x18b: {  	v9 =	vadd.s32 $0xC, v18;
	v21 =	vadd.s32 $0xE, v18;
	s19 =	sor.u32 s11, s2;
	v8 =	vadd.s32 $0xD, v16;
	s11 =	simm.s32 $0x4;
	s14 =	sor.u32 s29, s2;
	v27 =	vld.idx.msk [tilespmem:v30+s3+$0x0], $0xffff;
	[tilespmem:s24+$0x8A80] =	vst v31  }
0x18c: {  	v10 =	vadd.s32 $0xC, v16;
	v7 =	vadd.s32 $0xD, v18;
	v18 =	vadd.s32 $0xF, v18;
	s29 =	sor.u32 $0x300, s21;
	s21 =	sor.u32 $0x380, s21;
	s24 =	sor.u32 $0x300, s7;
	v31 =	vld.idx.msk [tilespmem:v36+s3+$0x0], $0xffff;
	[tilespmem:s28+$0x8A80] =	vst v63  }
0x18d: {  	v22 =	vadd.s32 $0xE, v16;
	v16 =	vadd.s32 $0xF, v16;
	v30 =	vadd.s32 $0xD, v0;
	s28 =	sor.u32 $0x300, s13;
	s13 =	sor.u32 $0x380, s13;
	[tilespmem:s12+$0x0] =	vst v37;
	v26 =	vld.idx.msk [tilespmem:v35+s3+$0x0], $0xffff;
	s12 =	simm.s32 $0x4700  }
.LBB2_4:
0x18e: {  	_ = 	snop  }
0x18f: {  	[tilespmem:s1+$0x8A80] =	vst v32  }
0x190: {  	v35 =	vld [tilespmem:s12+$0x0];
	v55 =	vadd.s32 $0x7, v2;
	[tilespmem:s23+$0x0] =	vst v29  }
0x191: {  	s1 =	rddreg [dreg:$0xb];
	[tilespmem:s31+$0x8A80] =	vst v33;
	v25 =	vld.idx.msk [tilespmem:v25+s3+$0x0], $0xffff  }
0x192: {  	s2 =	sor.u32 $0x300, s5;
	v33 =	vld.idx.msk [tilespmem:v34+s3+$0x0], $0xffff;
	[tilespmem:s1+$0x0] =	vst v28  }
0x193: {  	[tilespmem:s2+$0x8A80] =	vst v31;
	v28 =	vld.idx.msk [tilespmem:v30+s3+$0x0], $0xffff  }
0x194: {  	v29 =	vadd.s32 $0x7, v1;
	[tilespmem:s4+$0x0] =	vst v27;
	v30 =	vld.idx.msk [tilespmem:v5+s3+$0x0], $0xffff  }
0x195: {  	v5 =	vmov v21;
	[tilespmem:s28+$0x8A80] =	vst v26;
	v21 =	vld.idx.msk [tilespmem:v55+s3+$0x0], $0xffff;
	v26 =	vadd.s32 $0xE, v0  }
0x196: {  	v24 =	vld.idx.msk [tilespmem:v24+s3+$0x0], $0xffff;
	[tilespmem:s29+$0x8A80] =	vst v25  }
0x197: {  	v27 =	vld.idx.msk [tilespmem:v6+s3+$0x0], $0xffff  }
0x198: {  	s8 =	sadd.s32 $0x40, s8;
	s4 =	rddreg [dreg:$0xe];
	v6 =	vmov v22;
	[tilespmem:s24+$0x8A80] =	vst v33;
	v22 =	vld.idx.msk [tilespmem:v23+s3+$0x0], $0xffff  }
0x199: {  	s15 =	smov.u32 s22;
	s22 =	sand.u32 $0x380, s8;
	s2 =	sand.u32 $0x40, s8;
	v25 =	vadd.s32 $0x8, v2;
	v23 =	vld.idx.msk [tilespmem:v29+s3+$0x0], $0xffff;
	[tilespmem:s4+$0x0] =	vst v28  }
0x19a: {  	s23 =	sor.u32 $0x380, s5;
	s24 =	sadd.s32 $0x4680, s22;
	s22 =	sor.u32 $0x30, s2;
	[tilespmem:s18+$0x0] =	vst v30;
	v26 =	vld.idx.msk [tilespmem:v26+s3+$0x0], $0xffff  }
0x19b: {  	[tilespmem:s23+$0x8A80] =	vst v21;
	s5 =	sor.u32 s22, s24;
	v21 =	vld.idx.msk [tilespmem:v4+s3+$0x0], $0xffff  }
0x19c: {  	[tilespmem:s13+$0x8A80] =	vst v24;
	v24 =	vld [tilespmem:s5+$0x0]  }
0x19d: {  	s16 =	smov.u32 s30;
	s0 =	rddreg [dreg:$0x6];
	s30 =	sor.u32 $0x10, s2;
	v20 =	vld.idx.msk [tilespmem:v20+s3+$0x0], $0xffff  }
0x19e: {  	s7 =	smov.u32 s0;
	s0 =	sor.u32 $0x20, s2;
	s18 =	sor.u32 s30, s24;
	v4 =	vmov v18;
	v18 =	vld.idx.msk [tilespmem:v25+s3+$0x0], $0xffff;
	v25 =	vadd.s32 $0x8, v1;
	[tilespmem:s20+$0x0] =	vst v27  }
0x19f: {  	s4 =	sor.u32 s0, s24;
	v27 =	vld [tilespmem:s18+$0x0];
	[tilespmem:s21+$0x8A80] =	vst v22  }
0x1a0: {  	v22 =	vadd.s32 $0x9, v2;
	[tilespmem:s10+$0x8A80] =	vst v23;
	v29 =	vld [tilespmem:s4+$0x0]  }
0x1a1: {  	s21 =	sadd.s32 $0xAA80, s6;
	v23 =	vadd.s32 $0xF, v0;
	v0 =	vmov v1;
	v1 =	vmul.u32 $0x11, v35;
	[tilespmem:s17+$0x0] =	vst v26;
	v19 =	vld.idx.msk [tilespmem:v19+s3+$0x0], $0xffff  }
0x1a2: {  	s24 =	sor.u32 s16, s21;
	[tilespmem:s14+$0x0] =	vst v21;
	v28 =	vmul.u32 $0x11, v24;
	v31 =	vld.idx.msk [tilespmem:v3+s3+$0x0], $0xffff  }
0x1a3: {  	s13 =	sor.u32 s15, s21;
	[tilespmem:s24+$0x0] =	vst v20;
	v21 =	vld.idx.msk [tilespmem:v25+s3+$0x0], $0xffff  }
0x1a4: {  	[tilespmem:s13+$0x0] =	vst v18;
	v44 =	vld.idx.msk [tilespmem:v17+s3+$0x0], $0xffff;
	v18 =	vmul.u32 $0x11, v27  }
0x1a5: {  	v22 =	vld.idx.msk [tilespmem:v22+s3+$0x0], $0xffff  }
0x1a6: {  	s1 =	sor.u32 s7, s21;
	v3 =	vmov v16;
	v16 =	vadd.s32 $0xA, v2;
	v56 =	vld.idx.msk [tilespmem:v23+s3+$0x0], $0xffff  }
0x1a7: {  	v30 =	vadd.s32 $0x9, v0;
	v41 =	vld.idx.msk [tilespmem:v1+s3+$0x0], $0xffff;
	[tilespmem:s1+$0x0] =	vst v19  }
0x1a8: {  	s23 =	sor.u32 s26, s21;
	s17 =	sadd.s32 $0xAB00, s6;
	v38 =	vmul.u32 $0x11, v29;
	v45 =	vld.idx.msk [tilespmem:v28+s3+$0x0], $0xffff;
	[tilespmem:s19+$0x0] =	vst v31  }
0x1a9: {  	s21 =	sor.u32 s15, s17;
	[tilespmem:s23+$0x0] =	vst v21;
	v52 =	vld.idx.msk [tilespmem:v15+s3+$0x0], $0xffff  }
0x1aa: {  	s9 =	sadd.s32 $0x200, s9;
	v47 =	vadd.s32 $0x1, v28;
	v46 =	vld.idx.msk [tilespmem:v18+s3+$0x0], $0xffff;
	[tilespmem:s21+$0x0] =	vst v22  }
0x1ab: {  	[dreg:$0x6] =	wrdreg s0;
	s14 =	sand.u32 $0x1C00, s9;
	v37 =	vadd.s32 $0x1, v1;
	s20 =	sor.u32 s16, s17;
	[tilespmem:s25+$0x0] =	vst v56;
	v48 =	vld.idx.msk [tilespmem:v16+s3+$0x0], $0xffff  }
0x1ac: {  	s18 =	sor.u32 s26, s17;
	s24 =	sor.u32 s9, s8;
	v39 =	vadd.s32 $0x1, v18;
	s25 =	sadd.s32 $0x8A80, s14;
	[tilespmem:s20+$0x0] =	vst v44;
	v56 =	vld.idx.msk [tilespmem:v30+s3+$0x0], $0xffff  }
0x1ad: {  	v53 =	vadd.s32 $0xB, v2;
	s4 =	sor.u32 $0x380, s24;
	s23 =	sor.u32 s7, s17;
	s17 =	sor.u32 s22, s25;
	v44 =	vld.idx.msk [tilespmem:v13+s3+$0x0], $0xffff  }
0x1ae: {  	v58 =	vadd.s32 $0xA, v0;
	[dreg:$0x10] =	wrdreg s4;
	s5 =	sor.u32 s2, s25;
	v49 =	vld.idx.msk [tilespmem:v38+s3+$0x0], $0xffff;
	[tilespmem:s17+$0x0] =	vst v45  }
0x1af: {  	v42 =	vadd.s32 $0x1, v38;
	s4 =	sor.u32 s30, s25;
	s13 =	sor.u32 s0, s25;
	s0 =	sadd.s32 $0xAB80, s6;
	[tilespmem:s5+$0x0] =	vst v41;
	v57 =	vld.idx.msk [tilespmem:v47+s3+$0x0], $0xffff  }
0x1b0: {  	s24 =	sor.u32 s15, s0;
	v37 =	vld.idx.msk [tilespmem:v37+s3+$0x0], $0xffff;
	[tilespmem:s4+$0x0] =	vst v46  }
0x1b1: {  	v59 =	vadd.s32 $0x2, v28;
	v39 =	vld.idx.msk [tilespmem:v39+s3+$0x0], $0xffff;
	[tilespmem:s24+$0x0] =	vst v48  }
0x1b2: {  	v40 =	vadd.s32 $0x2, v18;
	[tilespmem:s18+$0x0] =	vst v56;
	v60 =	vld.idx.msk [tilespmem:v53+s3+$0x0], $0xffff  }
0x1b3: {  	v62 =	vadd.s32 $0xC, v2;
	[tilespmem:s13+$0x0] =	vst v49;
	v53 =	vld.idx.msk [tilespmem:v58+s3+$0x0], $0xffff  }
0x1b4: {  	v61 =	vld.idx.msk [tilespmem:v42+s3+$0x0], $0xffff;
	[tilespmem:s23+$0x0] =	vst v52;
	v52 =	vadd.s32 $0x2, v1  }
0x1b5: {  	s25 =	sadd.s32 $0xAC00, s6;
	s21 =	sor.u32 s26, s0;
	[tilespmem:s17+$0x80] =	vst v57;
	v63 =	vld.idx.msk [tilespmem:v14+s3+$0x0], $0xffff  }
0x1b6: {  	v43 =	vadd.s32 $0x2, v38;
	s10 =	sor.u32 s16, s0;
	s19 =	sor.u32 s7, s0;
	s0 =	sor.u32 s15, s25;
	v56 =	vld.idx.msk [tilespmem:v59+s3+$0x0], $0xffff;
	[tilespmem:s4+$0x80] =	vst v39  }
0x1b7: {  	v40 =	vld.idx.msk [tilespmem:v40+s3+$0x0], $0xffff;
	[tilespmem:s0+$0x0] =	vst v60  }
0x1b8: {  	[tilespmem:s5+$0x80] =	vst v37;
	v42 =	vld.idx.msk [tilespmem:v62+s3+$0x0], $0xffff  }
0x1b9: {  	v57 =	vadd.s32 $0x3, v28;
	[tilespmem:s10+$0x0] =	vst v44;
	v59 =	vld.idx.msk [tilespmem:v52+s3+$0x0], $0xffff  }
0x1ba: {  	v36 =	vadd.s32 $0x3, v18;
	[tilespmem:s13+$0x80] =	vst v61;
	v61 =	vld.idx.msk [tilespmem:v11+s3+$0x0], $0xffff  }
0x1bb: {  	v60 =	vadd.s32 $0xD, v2;
	v58 =	vld.idx.msk [tilespmem:v43+s3+$0x0], $0xffff;
	[tilespmem:s19+$0x0] =	vst v63  }
0x1bc: {  	s10 =	sadd.s32 $0xAC80, s6;
	v62 =	vadd.s32 $0x3, v1;
	[tilespmem:s17+$0x100] =	vst v56  }
0x1bd: {  	[dreg:$0x14] =	wrdreg s22;
	s22 =	sor.u32 s15, s10;
	v63 =	vld.idx.msk [tilespmem:v12+s3+$0x0], $0xffff;
	[tilespmem:s4+$0x100] =	vst v40  }
0x1be: {  	v35 =	vadd.s32 $0x3, v38;
	v48 =	vld.idx.msk [tilespmem:v57+s3+$0x0], $0xffff;
	[tilespmem:s22+$0x0] =	vst v42  }
0x1bf: {  	v50 =	vadd.s32 $0xB, v18;
	v49 =	vadd.s32 $0xB, v0;
	s23 =	sor.u32 s16, s25;
	v36 =	vld.idx.msk [tilespmem:v36+s3+$0x0], $0xffff;
	[tilespmem:s5+$0x100] =	vst v59  }
0x1c0: {  	v11 =	vmov v50;
	v50 =	vadd.s32 $0x4, v28;
	[tilespmem:s23+$0x0] =	vst v61;
	v42 =	vld.idx.msk [tilespmem:v60+s3+$0x0], $0xffff  }
0x1c1: {  	v33 =	vadd.s32 $0x4, v18;
	v51 =	vadd.s32 $0xA, v38;
	[tilespmem:s13+$0x100] =	vst v58;
	v43 =	vld.idx.msk [tilespmem:v62+s3+$0x0], $0xffff  }
0x1c2: {  	p0 =	por !p0, !p0;
	v14 =	vmov v51;
	v51 =	vadd.s32 $0xE, v2;
	[tilespmem:s21+$0x0] =	vst v53;
	v53 =	vld.idx.msk [tilespmem:v9+s3+$0x0], $0xffff  }
0x1c3: {  	v32 =	vadd.s32 $0x4, v38;
	v27 =	vadd.s32 $0x5, v38;
	s20 =	sor.u32 s7, s25;
	s18 =	sor.u32 s26, s25;
	v52 =	vadd.s32 $0x4, v1;
	s19 =	sor.u32 s26, s10;
	v35 =	vld.idx.msk [tilespmem:v35+s3+$0x0], $0xffff  }
0x1c4: {  	v25 =	vadd.s32 $0x6, v38;
	v23 =	vadd.s32 $0x7, v38;
	v55 =	vadd.s32 $0xB, v38;
	s24 =	sadd.s32 $0xAD00, s6;
	s25 =	sor.u32 s7, s10;
	[dreg:$0xb] =	wrdreg s19;
	v41 =	vld.idx.msk [tilespmem:v49+s3+$0x0], $0xffff;
	[tilespmem:s17+$0x180] =	vst v48  }
0x1c5: {  	v19 =	vadd.s32 $0x8, v38;
	v21 =	vadd.s32 $0x9, v38;
	v56 =	vadd.s32 $0xC, v0;
	v12 =	vmovc v55;
	s19 =	sor.u32 s16, s10;
	s10 =	sor.u32 s15, s24;
	s21 =	simm.s32 $0x1;
	v55 =	vld.idx.msk [tilespmem:v50+s3+$0x0], $0xffff;
	[tilespmem:s4+$0x180] =	vst v36  }
0x1c6: {  	v34 =	vadd.s32 $0xC, v38;
	v22 =	vadd.s32 $0xE, v38;
	v16 =	vadd.s32 $0xA, v18;
	s21 =	simm.s32 @!p0 $0x0;
	v33 =	vld.idx.msk [tilespmem:v33+s3+$0x0], $0xffff;
	[tilespmem:s10+$0x0] =	vst v42  }
0x1c7: {  	v30 =	vadd.s32 $0xD, v38;
	v13 =	vmovc v16;
	v16 =	vadd.s32 $0xF, v38;
	v57 =	vadd.s32 $0x5, v28;
	s21 =	sshll.u32 s21, $0x6;
	[tilespmem:s5+$0x180] =	vst v43;
	v38 =	vld.idx.msk [tilespmem:v51+s3+$0x0], $0xffff  }
0x1c8: {  	s11 =	sadd.s32 $0x4, s11;
	s12 =	sadd.s32 $0x40, s12;
	v29 =	vadd.s32 $0x5, v18;
	[tilespmem:s13+$0x180] =	vst v35;
	s13 =	sadd.s32 s21, s9;
	v58 =	vld.idx.msk [tilespmem:v52+s3+$0x0], $0xffff  }
0x1c9: {  	p1 =	slt.u32 s11, $0x3C;
	s23 =	sor.u32 s16, s24;
	v59 =	vadd.s32 $0xF, v2;
	[tilespmem:s18+$0x0] =	vst v41;
	v32 =	vld.idx.msk [tilespmem:v32+s3+$0x0], $0xffff;
	s5 =	sadd.s32 $0x30, s13  }
0x1ca: {  	v2 =	vmov v28;
	v61 =	vadd.s32 $0x5, v1;
	s4 =	sor.u32 s26, s24;
	s17 =	sadd.s32 $0x10, s13;
	[tilespmem:s20+$0x0] =	vst v63;
	v28 =	vld.idx.msk [tilespmem:v56+s3+$0x0], $0xffff;
	s10 =	sor.u32 $0x200, s5  }
0x1cb: {  	[dreg:$0xe] =	wrdreg s4;
	s22 =	sor.u32 $0x200, s17;
	v60 =	vld.idx.msk [tilespmem:v10+s3+$0x0], $0xffff;
	[tilespmem:s10+$0x8A80] =	vst v55;
	s10 =	sadd.s32 $0xAD80, s6  }
0x1cc: {  	s4 =	sor.u32 s7, s24;
	s21 =	sadd.s32 $0x20, s13;
	[tilespmem:s22+$0x8A80] =	vst v33;
	v35 =	vld.idx.msk [tilespmem:v57+s3+$0x0], $0xffff;
	s22 =	sor.u32 s15, s10  }
0x1cd: {  	s18 =	sor.u32 $0x200, s13;
	s31 =	sor.u32 $0x280, s13;
	s24 =	sor.u32 $0x300, s13;
	v62 =	vld.idx.msk [tilespmem:v29+s3+$0x0], $0xffff;
	[tilespmem:s22+$0x0] =	vst v38  }
0x1ce: {  	v63 =	vadd.s32 $0x6, v2;
	s20 =	sor.u32 $0x200, s21;
	s0 =	sor.u32 $0x280, s17;
	s1 =	sor.u32 $0x280, s21;
	[tilespmem:s18+$0x8A80] =	vst v58;
	v38 =	vld.idx.msk [tilespmem:v59+s3+$0x0], $0xffff  }
0x1cf: {  	v26 =	vadd.s32 $0x6, v18;
	s28 =	sor.u32 $0x300, s17;
	s29 =	sor.u32 $0x300, s21;
	s13 =	sor.u32 $0x380, s17;
	[tilespmem:s19+$0x0] =	vst v53;
	v33 =	vld.idx.msk [tilespmem:v61+s3+$0x0], $0xffff  }
.Ltmp1:
0x1d0: {  	s21 =	sor.u32 $0x380, s21;
	s17 =	sor.u32 s26, s10;
	[tilespmem:s20+$0x8A80] =	vst v32;
	v29 =	vld.idx.msk [tilespmem:v7+s3+$0x0], $0xffff;
	(pc) =	sbr.rel @p1 .LBB2_4-.Ltmp1, $4  }
0x1d1: {  	v24 =	vadd.s32 $0x7, v18;
	s22 =	rddreg [dreg:$0x14];
	s18 =	sor.u32 s16, s10;
	s19 =	sor.u32 $0x280, s5;
	v32 =	vld.idx.msk [tilespmem:v27+s3+$0x0], $0xffff;
	[tilespmem:s25+$0x0] =	vst v60  }
0x1d2: {  	v20 =	vadd.s32 $0x8, v18;
	v17 =	vadd.s32 $0x9, v18;
	v31 =	vadd.s32 $0xD, v18;
	s20 =	sor.u32 s7, s10;
	s10 =	rddreg [dreg:$0x10];
	v27 =	vld.idx.msk [tilespmem:v8+s3+$0x0], $0xffff;
	[tilespmem:s19+$0x8A80] =	vst v35;
	s19 =	sadd.s32 $0xAE00, s6  }
0x1d3: {  	v54 =	vadd.s32 $0xC, v18;
	v15 =	vmovc v21;
	v21 =	vadd.s32 $0xE, v18;
	v18 =	vadd.s32 $0xF, v18;
	v7 =	vmovc v31;
	s6 =	smov.u32 s14;
	[tilespmem:s0+$0x8A80] =	vst v62;
	v31 =	vld.idx.msk [tilespmem:v63+s3+$0x0], $0xffff;
	s25 =	sor.u32 s26, s19;
	s26 =	sor.u32 s15, s19  }
0x1d4: {  	v9 =	vmovc v54;
	v10 =	vmovc v34;
	v34 =	vadd.s32 $0x6, v1;
	v8 =	vmov v30;
	v30 =	vadd.s32 $0xD, v0;
	s14 =	sor.u32 s16, s19;
	s19 =	sor.u32 s7, s19;
	v26 =	vld.idx.msk [tilespmem:v26+s3+$0x0], $0xffff;
	[tilespmem:s26+$0x0] =	vst v38;
	s26 =	smov.u32 s2  }
0x1d5: {  	_ =	sdelay $0x1  }
0x1d6: {  	v56 =	vadd.s32 $0x7, v2  }
0x1d7: {  	[tilespmem:s31+$0x8A80] =	vst v33  }
0x1d8: {  	[tilespmem:s1+$0x8A80] =	vst v32;
	v33 =	vld.idx.msk [tilespmem:v34+s3+$0x0], $0xffff  }
0x1d9: {  	s0 =	sor.u32 $0x300, s5;
	v57 =	vadd.s32 $0x7, v1;
	v25 =	vld.idx.msk [tilespmem:v25+s3+$0x0], $0xffff  }
0x1da: {  	[tilespmem:s0+$0x8A80] =	vst v31  }
0x1db: {  	[tilespmem:s28+$0x8A80] =	vst v26;
	v58 =	vld.idx.msk [tilespmem:v56+s3+$0x0], $0xffff  }
0x1dc: {  	v59 =	vadd.s32 $0x8, v2;
	v24 =	vld.idx.msk [tilespmem:v24+s3+$0x0], $0xffff  }
0x1dd: {  	[tilespmem:s24+$0x8A80] =	vst v33  }
0x1de: {  	[tilespmem:s29+$0x8A80] =	vst v25;
	v60 =	vld.idx.msk [tilespmem:v57+s3+$0x0], $0xffff  }
0x1df: {  	s2 =	sor.u32 $0x380, s5;
	v61 =	vadd.s32 $0x8, v1;
	v23 =	vld.idx.msk [tilespmem:v23+s3+$0x0], $0xffff  }
0x1e0: {  	[tilespmem:s2+$0x8A80] =	vst v58  }
0x1e1: {  	[tilespmem:s13+$0x8A80] =	vst v24;
	v62 =	vld.idx.msk [tilespmem:v59+s3+$0x0], $0xffff  }
0x1e2: {  	v20 =	vld.idx.msk [tilespmem:v20+s3+$0x0], $0xffff  }
0x1e3: {  	v63 =	vadd.s32 $0x9, v2;
	[tilespmem:s10+$0x8A80] =	vst v60  }
0x1e4: {  	s5 =	sadd.s32 $0xAA80, s6;
	[tilespmem:s21+$0x8A80] =	vst v23;
	v33 =	vld.idx.msk [tilespmem:v61+s3+$0x0], $0xffff  }
0x1e5: {  	s7 =	sor.u32 s22, s5;
	v34 =	vadd.s32 $0x9, v1;
	v19 =	vld.idx.msk [tilespmem:v19+s3+$0x0], $0xffff  }
0x1e6: {  	s8 =	sor.u32 s30, s5;
	[tilespmem:s7+$0x0] =	vst v62  }
0x1e7: {  	[tilespmem:s8+$0x0] =	vst v20  }
0x1e8: {  	s0 =	sor.u32 s26, s5;
	s2 =	rddreg [dreg:$0x6];
	v35 =	vld.idx.msk [tilespmem:v63+s3+$0x0], $0xffff  }
0x1e9: {  	v36 =	vadd.s32 $0xA, v2;
	v17 =	vld.idx.msk [tilespmem:v17+s3+$0x0], $0xffff;
	s9 =	sor.u32 s2, s5;
	[tilespmem:s0+$0x0] =	vst v33  }
0x1ea: {  	[tilespmem:s9+$0x0] =	vst v19;
	v37 =	vld.idx.msk [tilespmem:v34+s3+$0x0], $0xffff  }
0x1eb: {  	v38 =	vadd.s32 $0xA, v1;
	s10 =	sadd.s32 $0xAB00, s6;
	v15 =	vld.idx.msk [tilespmem:v15+s3+$0x0], $0xffff  }
0x1ec: {  	s11 =	sor.u32 s22, s10  }
0x1ed: {  	s12 =	sor.u32 s30, s10;
	[tilespmem:s11+$0x0] =	vst v35  }
0x1ee: {  	s0 =	sor.u32 s26, s10;
	[tilespmem:s12+$0x0] =	vst v17;
	v39 =	vld.idx.msk [tilespmem:v36+s3+$0x0], $0xffff  }
0x1ef: {  	v40 =	vadd.s32 $0xB, v2;
	s13 =	sor.u32 s2, s10;
	v13 =	vld.idx.msk [tilespmem:v13+s3+$0x0], $0xffff;
	[tilespmem:s0+$0x0] =	vst v37  }
0x1f0: {  	[tilespmem:s13+$0x0] =	vst v15;
	v41 =	vld.idx.msk [tilespmem:v38+s3+$0x0], $0xffff  }
0x1f1: {  	s15 =	sadd.s32 $0xAB80, s6;
	v42 =	vadd.s32 $0xB, v1;
	v14 =	vld.idx.msk [tilespmem:v14+s3+$0x0], $0xffff  }
0x1f2: {  	s16 =	sor.u32 s22, s15  }
0x1f3: {  	s21 =	sor.u32 s30, s15;
	[tilespmem:s16+$0x0] =	vst v39  }
0x1f4: {  	s0 =	sor.u32 s26, s15;
	[tilespmem:s21+$0x0] =	vst v13;
	v43 =	vld.idx.msk [tilespmem:v40+s3+$0x0], $0xffff  }
0x1f5: {  	v44 =	vadd.s32 $0xC, v2;
	s24 =	sor.u32 s2, s15;
	v11 =	vld.idx.msk [tilespmem:v11+s3+$0x0], $0xffff;
	[tilespmem:s0+$0x0] =	vst v41  }
0x1f6: {  	[tilespmem:s24+$0x0] =	vst v14;
	v15 =	vld.idx.msk [tilespmem:v42+s3+$0x0], $0xffff  }
0x1f7: {  	v45 =	vadd.s32 $0xC, v1;
	s28 =	sadd.s32 $0xAC00, s6;
	v12 =	vld.idx.msk [tilespmem:v12+s3+$0x0], $0xffff;
	s0 =	rddreg [dreg:$0xb];
	[tilespmem:s23+$0x0] =	vst v29  }
0x1f8: {  	s29 =	sor.u32 s22, s28;
	[tilespmem:s0+$0x0] =	vst v28  }
0x1f9: {  	s31 =	sor.u32 s30, s28;
	v5 =	vld.idx.msk [tilespmem:v5+s3+$0x0], $0xffff;
	[tilespmem:s29+$0x0] =	vst v43  }
0x1fa: {  	s0 =	sor.u32 s26, s28;
	[tilespmem:s31+$0x0] =	vst v11;
	v47 =	vld.idx.msk [tilespmem:v44+s3+$0x0], $0xffff  }
0x1fb: {  	v48 =	vadd.s32 $0xD, v2;
	s5 =	sor.u32 s2, s28;
	v9 =	vld.idx.msk [tilespmem:v9+s3+$0x0], $0xffff;
	[tilespmem:s0+$0x0] =	vst v15  }
0x1fc: {  	[tilespmem:s5+$0x0] =	vst v12;
	v49 =	vld.idx.msk [tilespmem:v45+s3+$0x0], $0xffff  }
0x1fd: {  	v50 =	vadd.s32 $0xD, v1;
	s7 =	sadd.s32 $0xAC80, s6;
	[tilespmem:s4+$0x0] =	vst v27;
	v10 =	vld.idx.msk [tilespmem:v10+s3+$0x0], $0xffff  }
0x1fe: {  	s8 =	sor.u32 s22, s7;
	v6 =	vld.idx.msk [tilespmem:v6+s3+$0x0], $0xffff;
	s1 =	rddreg [dreg:$0xe];
	[tilespmem:s18+$0x0] =	vst v5  }
0x1ff: {  	s9 =	sor.u32 s30, s7;
	v46 =	vld.idx.msk [tilespmem:v30+s3+$0x0], $0xffff;
	[tilespmem:s8+$0x0] =	vst v47  }
0x200: {  	v51 =	vadd.s32 $0xE, v0;
	s0 =	sor.u32 s26, s7;
	[tilespmem:s9+$0x0] =	vst v9;
	v52 =	vld.idx.msk [tilespmem:v48+s3+$0x0], $0xffff  }
0x201: {  	v53 =	vadd.s32 $0xE, v2;
	s10 =	sor.u32 s2, s7;
	v7 =	vld.idx.msk [tilespmem:v7+s3+$0x0], $0xffff;
	[tilespmem:s0+$0x0] =	vst v49  }
0x202: {  	[tilespmem:s10+$0x0] =	vst v10;
	v54 =	vld.idx.msk [tilespmem:v50+s3+$0x0], $0xffff  }
0x203: {  	v56 =	vadd.s32 $0xE, v1;
	s11 =	sadd.s32 $0xAD00, s6;
	[tilespmem:s20+$0x0] =	vst v6;
	v8 =	vld.idx.msk [tilespmem:v8+s3+$0x0], $0xffff  }
0x204: {  	s12 =	sor.u32 s22, s11;
	[tilespmem:s1+$0x0] =	vst v46;
	v4 =	vld.idx.msk [tilespmem:v4+s3+$0x0], $0xffff  }
0x205: {  	s13 =	sor.u32 s30, s11;
	v55 =	vld.idx.msk [tilespmem:v51+s3+$0x0], $0xffff;
	[tilespmem:s12+$0x0] =	vst v52  }
0x206: {  	v57 =	vadd.s32 $0xF, v0;
	s0 =	sor.u32 s26, s11;
	[tilespmem:s13+$0x0] =	vst v7;
	v58 =	vld.idx.msk [tilespmem:v53+s3+$0x0], $0xffff  }
0x207: {  	v59 =	vadd.s32 $0xF, v2;
	s15 =	sor.u32 s2, s11;
	v60 =	vld.idx.msk [tilespmem:v21+s3+$0x0], $0xffff;
	[tilespmem:s0+$0x0] =	vst v54  }
0x208: {  	[tilespmem:s15+$0x0] =	vst v8;
	v6 =	vld.idx.msk [tilespmem:v56+s3+$0x0], $0xffff  }
0x209: {  	v62 =	vadd.s32 $0xF, v1;
	s16 =	sadd.s32 $0xAD80, s6;
	[tilespmem:s14+$0x0] =	vst v4;
	v61 =	vld.idx.msk [tilespmem:v22+s3+$0x0], $0xffff  }
0x20a: {  	v3 =	vld.idx.msk [tilespmem:v3+s3+$0x0], $0xffff;
	[tilespmem:s17+$0x0] =	vst v55;
	s17 =	sor.u32 s22, s16  }
0x20b: {  	s18 =	sor.u32 s30, s16;
	v0 =	vld.idx.msk [tilespmem:v57+s3+$0x0], $0xffff;
	[tilespmem:s17+$0x0] =	vst v58  }
0x20c: {  	s0 =	sor.u32 s26, s16;
	[tilespmem:s18+$0x0] =	vst v60;
	v2 =	vld.idx.msk [tilespmem:v59+s3+$0x0], $0xffff  }
0x20d: {  	s20 =	sor.u32 s2, s16;
	v63 =	vld.idx.msk [tilespmem:v18+s3+$0x0], $0xffff;
	[tilespmem:s0+$0x0] =	vst v6  }
0x20e: {  	[tilespmem:s20+$0x0] =	vst v61;
	v1 =	vld.idx.msk [tilespmem:v62+s3+$0x0], $0xffff  }
0x20f: {  	s21 =	sadd.s32 $0xAE00, s6;
	[tilespmem:s19+$0x0] =	vst v3;
	v5 =	vld.idx.msk [tilespmem:v16+s3+$0x0], $0xffff  }
0x210: {  	s23 =	sor.u32 s22, s21;
	[tilespmem:s25+$0x0] =	vst v0  }
0x211: {  	s24 =	sor.u32 s30, s21;
	[tilespmem:s23+$0x0] =	vst v2  }
0x212: {  	s0 =	sor.u32 s26, s21;
	[tilespmem:s24+$0x0] =	vst v63  }
0x213: {  	s25 =	sor.u32 s2, s21;
	[tilespmem:s0+$0x0] =	vst v1  }
0x214: {  	[tilespmem:s25+$0x0] =	vst v5  }
0x215: {  	s28 =	simm.s32 $0x8A80;
	s0 =	rddreg [dreg:$0x1d]  }
0x216: {  	s31 =	simm.s32 $0x0;
	s26 =	simm.s32 $0x0;
	s29 =	rddreg [dreg:$0x1e]  }
0x217: {  	[hbm4b:s0+s26] =	stream.linear.scatter [tilespmem:s28], [sflag:$0x4], $0x4000, $0x38;
	[tilespmem:$0xCA80] =	vst v63  }
0x218: {  	s30 =	simm.s32 $0x4680;
	[smem:$0x7FA] =	sst s31  }
0x219: {  	[tilespmem:s30], [sflag:$0x2] =	stream.linear.gather [hbm4b:s29+s26], $0x400, $0x38;
	[tilespmem:$0xCA80] =	vst v63  }
.LBB2_6:
0x21a: {  	s0 =	simm.s32 $0x1  }
0x21b: {  	_ =	swait.ge [sflag:s0], $0x400  }
0x21c: {  	[sflag:s0] =	ssyncset.done $0x0  }
0x21d: {  	s1 =	simm.s32 $0x3;
	s9 =	simm.s32 $0x0;
	[sflag:s0] =	ssyncadd.s32 $0xFFFFFC00  }
0x21e: {  	s15 =	sand.u32 $0x40, s9;
	s21 =	sand.u32 $0x380, s9;
	_ =	swait.ge [sflag:s1], $0x4000  }
0x21f: {  	s12 =	sor.u32 $0x30, s15;
	s0 =	sadd.s32 $0x4280, s21;
	[sflag:s1] =	ssyncset.done $0x0  }
0x220: {  	s22 =	sor.u32 s12, s0;
	[sflag:s1] =	ssyncadd.s32 $0xFFFFC000  }
0x221: {  	s31 =	sor.u32 $0x10, s15;
	v0 =	vld [tilespmem:s22+$0x0]  }
0x222: {  	s23 =	sor.u32 s31, s0  }
0x223: {  	s11 =	sor.u32 $0x20, s15;
	v1 =	vld [tilespmem:s23+$0x0]  }
0x224: {  	s0 =	sor.u32 s11, s0  }
0x225: {  	v2 =	vld [tilespmem:s0+$0x0]  }
0x226: {  	v5 =	vmul.u32 $0x11, v0  }
0x227: {  	s24 =	simm.s32 $0x4280  }
0x228: {  	v0 =	vld [tilespmem:s24+$0x0];
	v4 =	vmul.u32 $0x11, v1;
	_ =	sdelay $0x1  }
0x229: {  	v3 =	vmul.u32 $0x11, v2;
	_ =	sdelay $0x1  }
0x22a: {  	v1 =	vld.idx.msk [tilespmem:v5+s3+$0x0], $0xffff  }
0x22b: {  	v2 =	vadd.s32 $0x1, v5;
	v0 =	vmul.u32 $0x11, v0  }
0x22c: {  	s2 =	sand.u32 $0x1C00, s9;
	v6 =	vld.idx.msk [tilespmem:v4+s3+$0x0], $0xffff  }
0x22d: {  	s25 =	sadd.s32 $0x4A80, s2;
	v7 =	vadd.s32 $0x1, v4  }
0x22e: {  	s26 =	sor.u32 s12, s25;
	v8 =	vld.idx.msk [tilespmem:v3+s3+$0x0], $0xffff  }
0x22f: {  	[tilespmem:s26+$0x0] =	vst v1;
	v1 =	vadd.s32 $0x1, v3  }
0x230: {  	s4 =	sor.u32 s31, s25;
	v2 =	vld.idx.msk [tilespmem:v2+s3+$0x0], $0xffff  }
0x231: {  	v9 =	vadd.s32 $0x2, v5;
	v10 =	vld.idx.msk [tilespmem:v0+s3+$0x0], $0xffff;
	[tilespmem:s4+$0x0] =	vst v6  }
0x232: {  	s5 =	sor.u32 s11, s25;
	v6 =	vadd.s32 $0x1, v0;
	v7 =	vld.idx.msk [tilespmem:v7+s3+$0x0], $0xffff  }
0x233: {  	[tilespmem:s5+$0x0] =	vst v8;
	v8 =	vadd.s32 $0x2, v4  }
0x234: {  	v1 =	vld.idx.msk [tilespmem:v1+s3+$0x0], $0xffff  }
0x235: {  	s6 =	sor.u32 s15, s25;
	[tilespmem:s26+$0x80] =	vst v2;
	v2 =	vadd.s32 $0x2, v3  }
0x236: {  	[tilespmem:s6+$0x0] =	vst v10;
	v9 =	vld.idx.msk [tilespmem:v9+s3+$0x0], $0xffff  }
0x237: {  	v11 =	vadd.s32 $0x3, v5;
	v6 =	vld.idx.msk [tilespmem:v6+s3+$0x0], $0xffff;
	[tilespmem:s4+$0x80] =	vst v7  }
0x238: {  	v7 =	vadd.s32 $0x2, v0;
	v8 =	vld.idx.msk [tilespmem:v8+s3+$0x0], $0xffff  }
0x239: {  	[tilespmem:s5+$0x80] =	vst v1;
	v1 =	vadd.s32 $0x3, v4  }
0x23a: {  	v2 =	vld.idx.msk [tilespmem:v2+s3+$0x0], $0xffff  }
0x23b: {  	[tilespmem:s26+$0x100] =	vst v9;
	v9 =	vadd.s32 $0x3, v3  }
0x23c: {  	[tilespmem:s6+$0x80] =	vst v6;
	v10 =	vld.idx.msk [tilespmem:v11+s3+$0x0], $0xffff  }
0x23d: {  	v6 =	vld.idx.msk [tilespmem:v7+s3+$0x0], $0xffff;
	[tilespmem:s4+$0x100] =	vst v8;
	v11 =	vadd.s32 $0x4, v5  }
0x23e: {  	v7 =	vadd.s32 $0x3, v0;
	v1 =	vld.idx.msk [tilespmem:v1+s3+$0x0], $0xffff  }
0x23f: {  	[tilespmem:s5+$0x100] =	vst v2;
	v2 =	vadd.s32 $0x4, v4  }
0x240: {  	v8 =	vld.idx.msk [tilespmem:v9+s3+$0x0], $0xffff  }
0x241: {  	p0 =	por $0x0, $0x0;
	s0 =	simm.s32 $0x1;
	v9 =	vadd.s32 $0x4, v3;
	[tilespmem:s26+$0x180] =	vst v10  }
0x242: {  	s0 =	simm.s32 @!p0 $0x0;
	[tilespmem:s6+$0x100] =	vst v6;
	v10 =	vld.idx.msk [tilespmem:v11+s3+$0x0], $0xffff  }
0x243: {  	s0 =	sshll.u32 s0, $0x6;
	v6 =	vld.idx.msk [tilespmem:v7+s3+$0x0], $0xffff;
	v11 =	vadd.s32 $0x5, v5;
	[tilespmem:s4+$0x180] =	vst v1  }
0x244: {  	s0 =	sadd.s32 $0x0, s0;
	v1 =	vadd.s32 $0x4, v0;
	v2 =	vld.idx.msk [tilespmem:v2+s3+$0x0], $0xffff  }
0x245: {  	s7 =	sadd.s32 $0x30, s0;
	v7 =	vadd.s32 $0x5, v4;
	[tilespmem:s5+$0x180] =	vst v8  }
0x246: {  	s5 =	sor.u32 $0x200, s7;
	v8 =	vld.idx.msk [tilespmem:v9+s3+$0x0], $0xffff  }
0x247: {  	s4 =	sadd.s32 $0x10, s0;
	v9 =	vadd.s32 $0x5, v3;
	[tilespmem:s5+$0x4A80] =	vst v10  }
0x248: {  	s8 =	sor.u32 $0x200, s4;
	[tilespmem:s6+$0x180] =	vst v6;
	v10 =	vld.idx.msk [tilespmem:v11+s3+$0x0], $0xffff  }
0x249: {  	s1 =	sadd.s32 $0x20, s0;
	v11 =	vadd.s32 $0x6, v5;
	v1 =	vld.idx.msk [tilespmem:v1+s3+$0x0], $0xffff;
	[tilespmem:s8+$0x4A80] =	vst v2  }
0x24a: {  	s10 =	sor.u32 $0x200, s1;
	v2 =	vadd.s32 $0x5, v0;
	v6 =	vld.idx.msk [tilespmem:v7+s3+$0x0], $0xffff  }
0x24b: {  	v7 =	vadd.s32 $0x6, v4;
	[tilespmem:s10+$0x4A80] =	vst v8  }
0x24c: {  	s13 =	sor.u32 $0x280, s7;
	v8 =	vld.idx.msk [tilespmem:v9+s3+$0x0], $0xffff  }
0x24d: {  	s14 =	sor.u32 $0x200, s0;
	v9 =	vadd.s32 $0x6, v3;
	[tilespmem:s13+$0x4A80] =	vst v10  }
0x24e: {  	s16 =	sor.u32 $0x280, s4;
	[tilespmem:s14+$0x4A80] =	vst v1;
	v10 =	vld.idx.msk [tilespmem:v11+s3+$0x0], $0xffff  }
0x24f: {  	v11 =	vadd.s32 $0x7, v5;
	v1 =	vld.idx.msk [tilespmem:v2+s3+$0x0], $0xffff;
	[tilespmem:s16+$0x4A80] =	vst v6  }
0x250: {  	s17 =	sor.u32 $0x280, s1;
	v6 =	vld.idx.msk [tilespmem:v7+s3+$0x0], $0xffff  }
0x251: {  	v2 =	vadd.s32 $0x6, v0;
	[tilespmem:s17+$0x4A80] =	vst v8  }
0x252: {  	s18 =	sor.u32 $0x300, s7;
	v7 =	vadd.s32 $0x7, v4;
	v8 =	vld.idx.msk [tilespmem:v9+s3+$0x0], $0xffff  }
0x253: {  	s19 =	sor.u32 $0x280, s0;
	v9 =	vadd.s32 $0x7, v3;
	[tilespmem:s18+$0x4A80] =	vst v10  }
0x254: {  	s20 =	simm.s32 $0x42C0;
	s8 =	sor.u32 $0x300, s4;
	[tilespmem:s19+$0x4A80] =	vst v1;
	v10 =	vld.idx.msk [tilespmem:v11+s3+$0x0], $0xffff  }
0x255: {  	v12 =	vld [tilespmem:s20+$0x0];
	[tilespmem:s8+$0x4A80] =	vst v6;
	s8 =	simm.s32 $0x40  }
0x256: {  	s21 =	sor.u32 $0x300, s1;
	v11 =	vadd.s32 $0x8, v5;
	v1 =	vld.idx.msk [tilespmem:v2+s3+$0x0], $0xffff;
	s30 =	sand.u32 $0x40, s8;
	s22 =	sand.u32 $0x380, s8  }
0x257: {  	v6 =	vld.idx.msk [tilespmem:v7+s3+$0x0], $0xffff;
	[tilespmem:s21+$0x4A80] =	vst v8;
	s5 =	sadd.s32 $0x4280, s22;
	s22 =	sor.u32 $0x30, s30  }
0x258: {  	s23 =	sor.u32 $0x380, s7;
	v2 =	vadd.s32 $0x7, v0;
	s13 =	sor.u32 $0x10, s30;
	v7 =	vld.idx.msk [tilespmem:v9+s3+$0x0], $0xffff;
	s24 =	sor.u32 s22, s5  }
0x259: {  	v8 =	vadd.s32 $0x8, v4;
	s25 =	sor.u32 s13, s5;
	[tilespmem:s23+$0x4A80] =	vst v10;
	v10 =	vld [tilespmem:s24+$0x0]  }
0x25a: {  	s0 =	sor.u32 $0x300, s0;
	s26 =	sor.u32 $0x20, s30;
	v13 =	vld [tilespmem:s25+$0x0]  }
0x25b: {  	s5 =	sor.u32 s26, s5;
	[tilespmem:s0+$0x4A80] =	vst v1;
	v1 =	vmul.u32 $0x11, v12;
	v9 =	vld.idx.msk [tilespmem:v11+s3+$0x0], $0xffff;
	v11 =	vadd.s32 $0x8, v3  }
0x25c: {  	s4 =	sor.u32 $0x380, s4;
	v16 =	vld [tilespmem:s5+$0x0]  }
0x25d: {  	v15 =	vadd.s32 $0x9, v5;
	v14 =	vld.idx.msk [tilespmem:v2+s3+$0x0], $0xffff;
	[tilespmem:s4+$0x4A80] =	vst v6  }
0x25e: {  	s1 =	sor.u32 $0x380, s1;
	v6 =	vadd.s32 $0x8, v0;
	v8 =	vld.idx.msk [tilespmem:v8+s3+$0x0], $0xffff  }
0x25f: {  	s7 =	sadd.s32 $0x6A80, s2;
	v12 =	vadd.s32 $0x9, v4;
	[tilespmem:s1+$0x4A80] =	vst v7;
	v2 =	vmul.u32 $0x11, v10  }
0x260: {  	s9 =	sor.u32 s9, s9;
	s10 =	sor.u32 s12, s7;
	v18 =	vmul.u32 $0x11, v13;
	v7 =	vld.idx.msk [tilespmem:v11+s3+$0x0], $0xffff  }
0x261: {  	s5 =	sor.u32 $0x380, s9;
	v16 =	vmul.u32 $0x11, v16;
	[tilespmem:s10+$0x0] =	vst v9;
	v11 =	vld.idx.msk [tilespmem:v1+s3+$0x0], $0xffff  }
0x262: {  	s14 =	sor.u32 s31, s7;
	[tilespmem:s5+$0x4A80] =	vst v14;
	v9 =	vld.idx.msk [tilespmem:v15+s3+$0x0], $0xffff  }
0x263: {  	v10 =	vadd.s32 $0xA, v5;
	v6 =	vld.idx.msk [tilespmem:v6+s3+$0x0], $0xffff;
	[tilespmem:s14+$0x0] =	vst v8  }
0x264: {  	v8 =	vadd.s32 $0x9, v3;
	v12 =	vld.idx.msk [tilespmem:v12+s3+$0x0], $0xffff  }
0x265: {  	s16 =	sadd.s32 $0x6B00, s2;
	s18 =	sor.u32 s11, s7;
	v13 =	vadd.s32 $0x9, v0;
	v14 =	vld.idx.msk [tilespmem:v2+s3+$0x0], $0xffff  }
0x266: {  	s17 =	sor.u32 s12, s16;
	v17 =	vld.idx.msk [tilespmem:v18+s3+$0x0], $0xffff;
	[tilespmem:s18+$0x0] =	vst v7  }
0x267: {  	s9 =	simm.s32 $0x200;
	s4 =	sor.u32 s15, s7;
	v15 =	vadd.s32 $0xA, v4;
	v7 =	vld.idx.msk [tilespmem:v16+s3+$0x0], $0xffff;
	[tilespmem:s17+$0x0] =	vst v9  }
0x268: {  	s19 =	sor.u32 s31, s16;
	s6 =	sand.u32 $0x1C00, s9;
	v9 =	vadd.s32 $0x1, v2;
	[tilespmem:s4+$0x0] =	vst v6;
	v10 =	vld.idx.msk [tilespmem:v10+s3+$0x0], $0xffff  }
0x269: {  	s14 =	sadd.s32 $0x4A80, s6;
	v6 =	vld.idx.msk [tilespmem:v8+s3+$0x0], $0xffff;
	[tilespmem:s19+$0x0] =	vst v12  }
0x26a: {  	v19 =	vadd.s32 $0x1, v18;
	s10 =	sor.u32 s22, s14;
	v13 =	vld.idx.msk [tilespmem:v13+s3+$0x0], $0xffff;
	[dreg:$0x3] =	wrdreg s13  }
0x26b: {  	s20 =	sor.u32 s13, s14;
	v8 =	vadd.s32 $0xB, v5;
	[tilespmem:s10+$0x0] =	vst v14  }
0x26c: {  	s21 =	sadd.s32 $0x6B80, s2;
	v20 =	vadd.s32 $0x1, v16;
	v14 =	vld.idx.msk [tilespmem:v15+s3+$0x0], $0xffff;
	[tilespmem:s20+$0x0] =	vst v17  }
0x26d: {  	s23 =	sor.u32 s12, s21;
	v12 =	vadd.s32 $0x1, v1;
	v9 =	vld.idx.msk [tilespmem:v9+s3+$0x0], $0xffff;
	[dreg:$0x5] =	wrdreg s26  }
0x26e: {  	s24 =	sor.u32 s26, s14;
	v15 =	vadd.s32 $0xA, v3;
	[tilespmem:s23+$0x0] =	vst v10  }
0x26f: {  	s25 =	sor.u32 s30, s14;
	v17 =	vld.idx.msk [tilespmem:v19+s3+$0x0], $0xffff;
	v19 =	vadd.s32 $0xA, v0;
	[tilespmem:s24+$0x0] =	vst v7  }
0x270: {  	s26 =	sor.u32 s11, s16;
	v7 =	vadd.s32 $0x2, v2;
	[tilespmem:s25+$0x0] =	vst v11;
	v8 =	vld.idx.msk [tilespmem:v8+s3+$0x0], $0xffff  }
0x271: {  	s1 =	sor.u32 s15, s16;
	v10 =	vadd.s32 $0x2, v18;
	[tilespmem:s26+$0x0] =	vst v6;
	v11 =	vld.idx.msk [tilespmem:v20+s3+$0x0], $0xffff  }
0x272: {  	s17 =	sor.u32 s31, s21;
	v6 =	vadd.s32 $0xC, v5;
	[tilespmem:s1+$0x0] =	vst v13;
	v12 =	vld.idx.msk [tilespmem:v12+s3+$0x0], $0xffff  }
0x273: {  	v20 =	vadd.s32 $0x2, v16;
	v13 =	vld.idx.msk [tilespmem:v15+s3+$0x0], $0xffff;
	[tilespmem:s17+$0x0] =	vst v14  }
0x274: {  	s0 =	sadd.s32 $0x6C00, s2;
	v15 =	vadd.s32 $0x2, v1;
	[tilespmem:s10+$0x80] =	vst v9;
	v9 =	vld.idx.msk [tilespmem:v19+s3+$0x0], $0xffff  }
0x275: {  	s16 =	sor.u32 s12, s0;
	v19 =	vadd.s32 $0xB, v4;
	[tilespmem:s20+$0x80] =	vst v17;
	v7 =	vld.idx.msk [tilespmem:v7+s3+$0x0], $0xffff  }
0x276: {  	v17 =	vadd.s32 $0xB, v3;
	v10 =	vld.idx.msk [tilespmem:v10+s3+$0x0], $0xffff;
	[tilespmem:s16+$0x0] =	vst v8  }
0x277: {  	[tilespmem:s24+$0x80] =	vst v11;
	v8 =	vadd.s32 $0x3, v2;
	v6 =	vld.idx.msk [tilespmem:v6+s3+$0x0], $0xffff  }
0x278: {  	v11 =	vadd.s32 $0x3, v18;
	[tilespmem:s25+$0x80] =	vst v12;
	s16 =	sor.u32 s11, s21;
	v12 =	vld.idx.msk [tilespmem:v20+s3+$0x0], $0xffff  }
0x279: {  	v14 =	vadd.s32 $0xD, v5;
	v15 =	vld.idx.msk [tilespmem:v15+s3+$0x0], $0xffff;
	[tilespmem:s16+$0x0] =	vst v13  }
0x27a: {  	s13 =	sor.u32 s15, s21;
	v20 =	vadd.s32 $0x3, v16;
	v19 =	vld.idx.msk [tilespmem:v19+s3+$0x0], $0xffff;
	[tilespmem:s10+$0x100] =	vst v7  }
0x27b: {  	s14 =	sadd.s32 $0x6C80, s2;
	v13 =	vadd.s32 $0x3, v1;
	v7 =	vld.idx.msk [tilespmem:v17+s3+$0x0], $0xffff;
	[tilespmem:s13+$0x0] =	vst v9  }
0x27c: {  	s18 =	sor.u32 s12, s14;
	[tilespmem:s20+$0x100] =	vst v10;
	v8 =	vld.idx.msk [tilespmem:v8+s3+$0x0], $0xffff;
	v10 =	vadd.s32 $0xB, v0  }
0x27d: {  	v17 =	vadd.s32 $0xC, v4;
	v11 =	vld.idx.msk [tilespmem:v11+s3+$0x0], $0xffff;
	[tilespmem:s18+$0x0] =	vst v6  }
0x27e: {  	[tilespmem:s24+$0x100] =	vst v12;
	v6 =	vadd.s32 $0x4, v2;
	v12 =	vld.idx.msk [tilespmem:v14+s3+$0x0], $0xffff  }
0x27f: {  	s19 =	sor.u32 s31, s0;
	v14 =	vadd.s32 $0x4, v18;
	[tilespmem:s25+$0x100] =	vst v15;
	v15 =	vld.idx.msk [tilespmem:v20+s3+$0x0], $0xffff  }
0x280: {  	v9 =	vadd.s32 $0xE, v5;
	v13 =	vld.idx.msk [tilespmem:v13+s3+$0x0], $0xffff;
	[tilespmem:s19+$0x0] =	vst v19  }
0x281: {  	s16 =	sadd.s32 $0x6D00, s2;
	v20 =	vadd.s32 $0x4, v16;
	v10 =	vld.idx.msk [tilespmem:v10+s3+$0x0], $0xffff;
	[tilespmem:s10+$0x180] =	vst v8  }
0x282: {  	v19 =	vadd.s32 $0x4, v1;
	v8 =	vld.idx.msk [tilespmem:v17+s3+$0x0], $0xffff;
	[tilespmem:s20+$0x180] =	vst v11;
	s20 =	sor.u32 s12, s16  }
0x283: {  	v6 =	vld.idx.msk [tilespmem:v6+s3+$0x0], $0xffff;
	[tilespmem:s20+$0x0] =	vst v12  }
0x284: {  	v17 =	vadd.s32 $0xC, v3;
	v11 =	vld.idx.msk [tilespmem:v14+s3+$0x0], $0xffff;
	[tilespmem:s24+$0x180] =	vst v15  }
0x285: {  	p0 =	por !p0, !p0;
	v26 =	vadd.s32 $0xD, v4;
	s10 =	simm.s32 $0x1;
	s24 =	sor.u32 s11, s0;
	v9 =	vld.idx.msk [tilespmem:v9+s3+$0x0], $0xffff;
	[tilespmem:s25+$0x180] =	vst v13  }
0x286: {  	s10 =	simm.s32 @!p0 $0x0;
	v14 =	vadd.s32 $0xC, v0;
	v13 =	vld.idx.msk [tilespmem:v20+s3+$0x0], $0xffff;
	[tilespmem:s24+$0x0] =	vst v7;
	s25 =	sor.u32 s15, s14  }
0x287: {  	s1 =	sor.u32 s15, s0;
	s21 =	sshll.u32 s10, $0x6;
	v12 =	vadd.s32 $0x5, v2;
	v21 =	vld.idx.msk [tilespmem:v19+s3+$0x0], $0xffff;
	[dreg:$0xc] =	wrdreg s25  }
0x288: {  	s23 =	sor.u32 s9, s8;
	v15 =	vadd.s32 $0x5, v18;
	s0 =	sor.u32 s31, s14;
	s7 =	sadd.s32 $0x200, s21;
	[tilespmem:s1+$0x0] =	vst v10  }
0x289: {  	s4 =	sor.u32 s11, s16;
	s19 =	sadd.s32 $0x6D80, s2;
	v7 =	vadd.s32 $0xF, v5;
	s5 =	sadd.s32 $0x30, s7;
	v10 =	vld.idx.msk [tilespmem:v17+s3+$0x0], $0xffff;
	[tilespmem:s0+$0x0] =	vst v8  }
0x28a: {  	v30 =	vadd.s32 $0xD, v3;
	v27 =	vadd.s32 $0x5, v1;
	v22 =	vadd.s32 $0x5, v16;
	s2 =	sadd.s32 $0x6E00, s2;
	s13 =	sadd.s32 $0x10, s7;
	s26 =	sor.u32 $0x200, s5;
	v29 =	vld.idx.msk [tilespmem:v26+s3+$0x0], $0xffff  }
0x28b: {  	v35 =	vadd.s32 $0x6, v18;
	v24 =	vadd.s32 $0x7, v18;
	v25 =	vadd.s32 $0x6, v16;
	s10 =	sor.u32 $0x380, s23;
	s23 =	sor.u32 s12, s19;
	s17 =	sor.u32 $0x200, s13;
	[tilespmem:s26+$0x4A80] =	vst v6;
	v28 =	vld.idx.msk [tilespmem:v14+s3+$0x0], $0xffff  }
0x28c: {  	v23 =	vadd.s32 $0x7, v16;
	v36 =	vadd.s32 $0x6, v2;
	s20 =	sor.u32 s15, s19;
	s12 =	sor.u32 s12, s2;
	v5 =	vadd.s32 $0xE, v4;
	s21 =	sadd.s32 $0x20, s7;
	[tilespmem:s17+$0x4A80] =	vst v11;
	v31 =	vld.idx.msk [tilespmem:v12+s3+$0x0], $0xffff  }
0x28d: {  	v4 =	vadd.s32 $0xF, v4;
	s14 =	sor.u32 s11, s14;
	s24 =	sor.u32 s31, s16;
	v20 =	vadd.s32 $0x8, v18;
	v19 =	vadd.s32 $0x8, v16;
	s18 =	sor.u32 $0x200, s21;
	v34 =	vld.idx.msk [tilespmem:v15+s3+$0x0], $0xffff;
	[tilespmem:s23+$0x0] =	vst v9  }
0x28e: {  	s25 =	sor.u32 $0x200, s7;
	s28 =	sor.u32 $0x280, s7;
	s29 =	sor.u32 $0x280, s13;
	v17 =	vadd.s32 $0x9, v18;
	v8 =	vadd.s32 $0xD, v16;
	v6 =	vadd.s32 $0xE, v3;
	[tilespmem:s18+$0x4A80] =	vst v13;
	v37 =	vld.idx.msk [tilespmem:v7+s3+$0x0], $0xffff  }
0x28f: {  	s1 =	sor.u32 $0x280, s21;
	v3 =	vadd.s32 $0xF, v3;
	s26 =	sor.u32 $0x280, s5;
	s17 =	sor.u32 s15, s16;
	v11 =	vadd.s32 $0xB, v18;
	v14 =	vadd.s32 $0xA, v16;
	[tilespmem:s25+$0x4A80] =	vst v21;
	v32 =	vld.idx.msk [tilespmem:v22+s3+$0x0], $0xffff  }
0x290: {  	v12 =	vadd.s32 $0xB, v16;
	s18 =	sor.u32 s31, s19;
	v13 =	vadd.s32 $0xA, v18;
	v15 =	vadd.s32 $0x9, v16;
	s23 =	sor.u32 s11, s19;
	s19 =	sor.u32 s11, s2;
	v33 =	vld.idx.msk [tilespmem:v27+s3+$0x0], $0xffff;
	[tilespmem:s14+$0x0] =	vst v10  }
0x291: {  	v9 =	vadd.s32 $0xC, v18;
	s11 =	simm.s32 $0x4;
	s25 =	sor.u32 s15, s2;
	v7 =	vadd.s32 $0xD, v18;
	v21 =	vadd.s32 $0xE, v18;
	s14 =	sor.u32 s31, s2;
	v27 =	vld.idx.msk [tilespmem:v30+s3+$0x0], $0xffff;
	[tilespmem:s26+$0x4A80] =	vst v31  }
0x292: {  	v18 =	vadd.s32 $0xF, v18;
	v22 =	vadd.s32 $0xE, v16;
	v10 =	vadd.s32 $0xC, v16;
	s31 =	sor.u32 $0x300, s21;
	s21 =	sor.u32 $0x380, s21;
	s26 =	sor.u32 $0x300, s7;
	[tilespmem:s29+$0x4A80] =	vst v34;
	v31 =	vld.idx.msk [tilespmem:v36+s3+$0x0], $0xffff  }
0x293: {  	v16 =	vadd.s32 $0xF, v16;
	v30 =	vadd.s32 $0xD, v0;
	s29 =	sor.u32 $0x300, s13;
	s13 =	sor.u32 $0x380, s13;
	v34 =	vadd.s32 $0x6, v1;
	[tilespmem:s12+$0x0] =	vst v37;
	v26 =	vld.idx.msk [tilespmem:v35+s3+$0x0], $0xffff;
	s12 =	simm.s32 $0x4300  }
.LBB2_7:
0x294: {  	_ = 	snop  }
0x295: {  	[tilespmem:s1+$0x4A80] =	vst v32  }
0x296: {  	v35 =	vld [tilespmem:s12+$0x0];
	v55 =	vadd.s32 $0x7, v2;
	[tilespmem:s24+$0x0] =	vst v29  }
0x297: {  	s1 =	rddreg [dreg:$0xc];
	[tilespmem:s28+$0x4A80] =	vst v33;
	v25 =	vld.idx.msk [tilespmem:v25+s3+$0x0], $0xffff  }
0x298: {  	s2 =	sor.u32 $0x300, s5;
	v33 =	vld.idx.msk [tilespmem:v34+s3+$0x0], $0xffff;
	[tilespmem:s1+$0x0] =	vst v28  }
0x299: {  	[tilespmem:s2+$0x4A80] =	vst v31;
	v28 =	vld.idx.msk [tilespmem:v30+s3+$0x0], $0xffff  }
0x29a: {  	v29 =	vadd.s32 $0x7, v1;
	[tilespmem:s4+$0x0] =	vst v27;
	v30 =	vld.idx.msk [tilespmem:v5+s3+$0x0], $0xffff  }
0x29b: {  	v5 =	vmov v21;
	[tilespmem:s29+$0x4A80] =	vst v26;
	v21 =	vld.idx.msk [tilespmem:v55+s3+$0x0], $0xffff;
	v26 =	vadd.s32 $0xE, v0  }
0x29c: {  	v24 =	vld.idx.msk [tilespmem:v24+s3+$0x0], $0xffff;
	[tilespmem:s31+$0x4A80] =	vst v25  }
0x29d: {  	v27 =	vld.idx.msk [tilespmem:v6+s3+$0x0], $0xffff  }
0x29e: {  	s15 =	smov.u32 s22;
	s22 =	rddreg [dreg:$0x5];
	s8 =	sadd.s32 $0x40, s8;
	v6 =	vmov v22;
	[tilespmem:s26+$0x4A80] =	vst v33;
	v22 =	vld.idx.msk [tilespmem:v23+s3+$0x0], $0xffff  }
0x29f: {  	s7 =	smov.u32 s22;
	s22 =	sand.u32 $0x380, s8;
	s2 =	sand.u32 $0x40, s8;
	v25 =	vadd.s32 $0x8, v2;
	v23 =	vld.idx.msk [tilespmem:v29+s3+$0x0], $0xffff;
	[tilespmem:s17+$0x0] =	vst v28  }
0x2a0: {  	s24 =	sor.u32 $0x380, s5;
	s26 =	sadd.s32 $0x4280, s22;
	[tilespmem:s18+$0x0] =	vst v30;
	s17 =	sor.u32 $0x30, s2;
	v26 =	vld.idx.msk [tilespmem:v26+s3+$0x0], $0xffff  }
0x2a1: {  	[tilespmem:s24+$0x4A80] =	vst v21;
	v21 =	vld.idx.msk [tilespmem:v4+s3+$0x0], $0xffff;
	s5 =	sor.u32 s17, s26  }
0x2a2: {  	s0 =	rddreg [dreg:$0x3];
	[tilespmem:s13+$0x4A80] =	vst v24;
	v24 =	vld [tilespmem:s5+$0x0]  }
0x2a3: {  	s16 =	smov.u32 s0;
	s0 =	sor.u32 $0x10, s2;
	v20 =	vld.idx.msk [tilespmem:v20+s3+$0x0], $0xffff  }
0x2a4: {  	s22 =	sor.u32 $0x20, s2;
	v4 =	vmov v18;
	s13 =	sor.u32 s0, s26;
	v18 =	vld.idx.msk [tilespmem:v25+s3+$0x0], $0xffff;
	v25 =	vadd.s32 $0x8, v1;
	[tilespmem:s23+$0x0] =	vst v27  }
0x2a5: {  	s4 =	sor.u32 s22, s26;
	v27 =	vld [tilespmem:s13+$0x0];
	[tilespmem:s21+$0x4A80] =	vst v22  }
0x2a6: {  	v22 =	vadd.s32 $0x9, v2;
	[tilespmem:s10+$0x4A80] =	vst v23;
	v29 =	vld [tilespmem:s4+$0x0]  }
0x2a7: {  	s18 =	sadd.s32 $0x6A80, s6;
	v23 =	vadd.s32 $0xF, v0;
	v0 =	vmov v1;
	v1 =	vmul.u32 $0x11, v35;
	[tilespmem:s20+$0x0] =	vst v26;
	v19 =	vld.idx.msk [tilespmem:v19+s3+$0x0], $0xffff  }
0x2a8: {  	s21 =	sor.u32 s16, s18;
	[tilespmem:s14+$0x0] =	vst v21;
	v31 =	vld.idx.msk [tilespmem:v3+s3+$0x0], $0xffff;
	v28 =	vmul.u32 $0x11, v24  }
0x2a9: {  	s23 =	sor.u32 s15, s18;
	[tilespmem:s21+$0x0] =	vst v20;
	v21 =	vld.idx.msk [tilespmem:v25+s3+$0x0], $0xffff  }
0x2aa: {  	[tilespmem:s23+$0x0] =	vst v18;
	v44 =	vld.idx.msk [tilespmem:v17+s3+$0x0], $0xffff;
	v18 =	vmul.u32 $0x11, v27  }
0x2ab: {  	v22 =	vld.idx.msk [tilespmem:v22+s3+$0x0], $0xffff  }
0x2ac: {  	s1 =	sor.u32 s7, s18;
	v3 =	vmov v16;
	v16 =	vadd.s32 $0xA, v2;
	v56 =	vld.idx.msk [tilespmem:v23+s3+$0x0], $0xffff  }
0x2ad: {  	v30 =	vadd.s32 $0x9, v0;
	v41 =	vld.idx.msk [tilespmem:v1+s3+$0x0], $0xffff;
	[tilespmem:s1+$0x0] =	vst v19  }
0x2ae: {  	s24 =	sadd.s32 $0x6B00, s6;
	s20 =	sor.u32 s30, s18;
	v38 =	vmul.u32 $0x11, v29;
	[tilespmem:s19+$0x0] =	vst v31;
	v45 =	vld.idx.msk [tilespmem:v28+s3+$0x0], $0xffff  }
0x2af: {  	s1 =	sor.u32 s15, s24;
	[tilespmem:s20+$0x0] =	vst v21;
	v52 =	vld.idx.msk [tilespmem:v15+s3+$0x0], $0xffff  }
0x2b0: {  	s9 =	sadd.s32 $0x200, s9;
	v37 =	vadd.s32 $0x1, v1;
	v46 =	vld.idx.msk [tilespmem:v18+s3+$0x0], $0xffff;
	[tilespmem:s1+$0x0] =	vst v22  }
0x2b1: {  	s26 =	sor.u32 s16, s24;
	s14 =	sand.u32 $0x1C00, s9;
	v47 =	vadd.s32 $0x1, v28;
	[tilespmem:s25+$0x0] =	vst v56;
	v48 =	vld.idx.msk [tilespmem:v16+s3+$0x0], $0xffff  }
0x2b2: {  	[dreg:$0x15] =	wrdreg s17;
	s23 =	sadd.s32 $0x4A80, s14;
	v39 =	vadd.s32 $0x1, v18;
	[tilespmem:s26+$0x0] =	vst v44;
	v56 =	vld.idx.msk [tilespmem:v30+s3+$0x0], $0xffff  }
0x2b3: {  	v53 =	vadd.s32 $0xB, v2;
	s10 =	sor.u32 s7, s24;
	s21 =	sor.u32 s9, s8;
	s5 =	sor.u32 s2, s23;
	v44 =	vld.idx.msk [tilespmem:v13+s3+$0x0], $0xffff  }
0x2b4: {  	s18 =	sor.u32 s30, s24;
	v58 =	vadd.s32 $0xA, v0;
	s4 =	sor.u32 $0x380, s21;
	s17 =	sor.u32 s17, s23;
	[tilespmem:s5+$0x0] =	vst v41;
	v49 =	vld.idx.msk [tilespmem:v38+s3+$0x0], $0xffff  }
0x2b5: {  	[dreg:$0x11] =	wrdreg s4;
	s4 =	sor.u32 s0, s23;
	s24 =	sadd.s32 $0x6B80, s6;
	v42 =	vadd.s32 $0x1, v38;
	v37 =	vld.idx.msk [tilespmem:v37+s3+$0x0], $0xffff;
	[tilespmem:s17+$0x0] =	vst v45  }
0x2b6: {  	s26 =	sor.u32 s15, s24;
	v57 =	vld.idx.msk [tilespmem:v47+s3+$0x0], $0xffff;
	[tilespmem:s4+$0x0] =	vst v46  }
0x2b7: {  	v59 =	vadd.s32 $0x2, v28;
	v39 =	vld.idx.msk [tilespmem:v39+s3+$0x0], $0xffff;
	[tilespmem:s26+$0x0] =	vst v48  }
0x2b8: {  	s13 =	sor.u32 s22, s23;
	v40 =	vadd.s32 $0x2, v18;
	[tilespmem:s18+$0x0] =	vst v56;
	v60 =	vld.idx.msk [tilespmem:v53+s3+$0x0], $0xffff  }
0x2b9: {  	v62 =	vadd.s32 $0xC, v2;
	[tilespmem:s13+$0x0] =	vst v49;
	v53 =	vld.idx.msk [tilespmem:v58+s3+$0x0], $0xffff  }
0x2ba: {  	v61 =	vld.idx.msk [tilespmem:v42+s3+$0x0], $0xffff;
	[tilespmem:s10+$0x0] =	vst v52;
	v52 =	vadd.s32 $0x2, v1  }
0x2bb: {  	[dreg:$0x3] =	wrdreg s0;
	s0 =	sadd.s32 $0x6C00, s6;
	v63 =	vld.idx.msk [tilespmem:v14+s3+$0x0], $0xffff;
	[tilespmem:s17+$0x80] =	vst v57  }
0x2bc: {  	v43 =	vadd.s32 $0x2, v38;
	s10 =	sor.u32 s15, s0;
	v56 =	vld.idx.msk [tilespmem:v59+s3+$0x0], $0xffff;
	[tilespmem:s4+$0x80] =	vst v39  }
0x2bd: {  	v40 =	vld.idx.msk [tilespmem:v40+s3+$0x0], $0xffff;
	[tilespmem:s10+$0x0] =	vst v60  }
0x2be: {  	s25 =	sor.u32 s16, s24;
	[tilespmem:s5+$0x80] =	vst v37;
	v42 =	vld.idx.msk [tilespmem:v62+s3+$0x0], $0xffff  }
0x2bf: {  	v57 =	vadd.s32 $0x3, v28;
	[tilespmem:s25+$0x0] =	vst v44;
	v59 =	vld.idx.msk [tilespmem:v52+s3+$0x0], $0xffff  }
0x2c0: {  	v36 =	vadd.s32 $0x3, v18;
	s19 =	sor.u32 s7, s24;
	[tilespmem:s13+$0x80] =	vst v61;
	v61 =	vld.idx.msk [tilespmem:v11+s3+$0x0], $0xffff  }
0x2c1: {  	v60 =	vadd.s32 $0xD, v2;
	v58 =	vld.idx.msk [tilespmem:v43+s3+$0x0], $0xffff;
	[tilespmem:s19+$0x0] =	vst v63  }
0x2c2: {  	s21 =	sor.u32 s30, s24;
	s24 =	sadd.s32 $0x6C80, s6;
	v62 =	vadd.s32 $0x3, v1;
	[tilespmem:s17+$0x100] =	vst v56  }
0x2c3: {  	s26 =	sor.u32 s15, s24;
	v63 =	vld.idx.msk [tilespmem:v12+s3+$0x0], $0xffff;
	[tilespmem:s4+$0x100] =	vst v40  }
0x2c4: {  	v35 =	vadd.s32 $0x3, v38;
	v48 =	vld.idx.msk [tilespmem:v57+s3+$0x0], $0xffff;
	[tilespmem:s26+$0x0] =	vst v42  }
0x2c5: {  	s23 =	sor.u32 s16, s0;
	v50 =	vadd.s32 $0xB, v18;
	v49 =	vadd.s32 $0xB, v0;
	v36 =	vld.idx.msk [tilespmem:v36+s3+$0x0], $0xffff;
	[tilespmem:s5+$0x100] =	vst v59  }
0x2c6: {  	v11 =	vmov v50;
	v50 =	vadd.s32 $0x4, v28;
	[tilespmem:s23+$0x0] =	vst v61;
	v42 =	vld.idx.msk [tilespmem:v60+s3+$0x0], $0xffff  }
0x2c7: {  	v33 =	vadd.s32 $0x4, v18;
	v51 =	vadd.s32 $0xA, v38;
	[tilespmem:s13+$0x100] =	vst v58;
	v43 =	vld.idx.msk [tilespmem:v62+s3+$0x0], $0xffff  }
0x2c8: {  	v14 =	vmov v51;
	v51 =	vadd.s32 $0xE, v2;
	[tilespmem:s21+$0x0] =	vst v53;
	v53 =	vld.idx.msk [tilespmem:v9+s3+$0x0], $0xffff  }
0x2c9: {  	v32 =	vadd.s32 $0x4, v38;
	v27 =	vadd.s32 $0x5, v38;
	v52 =	vadd.s32 $0x4, v1;
	v35 =	vld.idx.msk [tilespmem:v35+s3+$0x0], $0xffff  }
0x2ca: {  	v25 =	vadd.s32 $0x6, v38;
	v23 =	vadd.s32 $0x7, v38;
	v55 =	vadd.s32 $0xB, v38;
	s20 =	sor.u32 s7, s0;
	s18 =	sor.u32 s30, s0;
	s0 =	sadd.s32 $0x6D00, s6;
	v41 =	vld.idx.msk [tilespmem:v49+s3+$0x0], $0xffff;
	[tilespmem:s17+$0x180] =	vst v48  }
0x2cb: {  	p0 =	por !p0, !p0;
	v19 =	vadd.s32 $0x8, v38;
	v21 =	vadd.s32 $0x9, v38;
	s10 =	sor.u32 s15, s0;
	v12 =	vmovc v55;
	v56 =	vadd.s32 $0xC, v0;
	s23 =	simm.s32 $0x1;
	v55 =	vld.idx.msk [tilespmem:v50+s3+$0x0], $0xffff;
	[tilespmem:s4+$0x180] =	vst v36  }
0x2cc: {  	s11 =	sadd.s32 $0x4, s11;
	s12 =	sadd.s32 $0x40, s12;
	v34 =	vadd.s32 $0xC, v38;
	v22 =	vadd.s32 $0xE, v38;
	v16 =	vadd.s32 $0xA, v18;
	s23 =	simm.s32 @!p0 $0x0;
	v33 =	vld.idx.msk [tilespmem:v33+s3+$0x0], $0xffff;
	[tilespmem:s10+$0x0] =	vst v42  }
0x2cd: {  	[dreg:$0x5] =	wrdreg s22;
	v30 =	vadd.s32 $0xD, v38;
	v13 =	vmovc v16;
	v16 =	vadd.s32 $0xF, v38;
	s25 =	sor.u32 s30, s24;
	v57 =	vadd.s32 $0x5, v28;
	s21 =	sshll.u32 s23, $0x6;
	[tilespmem:s5+$0x180] =	vst v43;
	v38 =	vld.idx.msk [tilespmem:v51+s3+$0x0], $0xffff  }
0x2ce: {  	p1 =	slt.u32 s11, $0x3C;
	v29 =	vadd.s32 $0x5, v18;
	[dreg:$0xc] =	wrdreg s25;
	[tilespmem:s13+$0x180] =	vst v35;
	s13 =	sadd.s32 s21, s9;
	v58 =	vld.idx.msk [tilespmem:v52+s3+$0x0], $0xffff  }
0x2cf: {  	s25 =	sor.u32 s7, s24;
	s19 =	sor.u32 s16, s24;
	v59 =	vadd.s32 $0xF, v2;
	[tilespmem:s18+$0x0] =	vst v41;
	v32 =	vld.idx.msk [tilespmem:v32+s3+$0x0], $0xffff;
	s5 =	sadd.s32 $0x30, s13  }
0x2d0: {  	s24 =	sor.u32 s16, s0;
	v2 =	vmov v28;
	v61 =	vadd.s32 $0x5, v1;
	s21 =	sadd.s32 $0x10, s13;
	[tilespmem:s20+$0x0] =	vst v63;
	v28 =	vld.idx.msk [tilespmem:v56+s3+$0x0], $0xffff;
	s10 =	sor.u32 $0x200, s5  }
0x2d1: {  	s17 =	sor.u32 s30, s0;
	s22 =	sor.u32 $0x200, s21;
	v60 =	vld.idx.msk [tilespmem:v10+s3+$0x0], $0xffff;
	[tilespmem:s10+$0x4A80] =	vst v55;
	s10 =	sadd.s32 $0x6D80, s6  }
0x2d2: {  	s4 =	sor.u32 s7, s0;
	s23 =	sadd.s32 $0x20, s13;
	[tilespmem:s22+$0x4A80] =	vst v33;
	v35 =	vld.idx.msk [tilespmem:v57+s3+$0x0], $0xffff;
	s22 =	sor.u32 s15, s10  }
0x2d3: {  	s18 =	sor.u32 $0x200, s13;
	s28 =	sor.u32 $0x280, s13;
	s26 =	sor.u32 $0x300, s13;
	v62 =	vld.idx.msk [tilespmem:v29+s3+$0x0], $0xffff;
	[tilespmem:s22+$0x0] =	vst v38  }
0x2d4: {  	v63 =	vadd.s32 $0x6, v2;
	s20 =	sor.u32 $0x200, s23;
	s0 =	sor.u32 $0x280, s21;
	s1 =	sor.u32 $0x280, s23;
	[tilespmem:s18+$0x4A80] =	vst v58;
	v38 =	vld.idx.msk [tilespmem:v59+s3+$0x0], $0xffff  }
0x2d5: {  	v26 =	vadd.s32 $0x6, v18;
	s29 =	sor.u32 $0x300, s21;
	s31 =	sor.u32 $0x300, s23;
	s13 =	sor.u32 $0x380, s21;
	[tilespmem:s19+$0x0] =	vst v53;
	v33 =	vld.idx.msk [tilespmem:v61+s3+$0x0], $0xffff  }
.Ltmp2:
0x2d6: {  	s21 =	sor.u32 $0x380, s23;
	s23 =	sor.u32 s7, s10;
	[tilespmem:s20+$0x4A80] =	vst v32;
	v29 =	vld.idx.msk [tilespmem:v7+s3+$0x0], $0xffff;
	(pc) =	sbr.rel @p1 .LBB2_7-.Ltmp2, $4  }
0x2d7: {  	v24 =	vadd.s32 $0x7, v18;
	s22 =	rddreg [dreg:$0x15];
	s18 =	sor.u32 s16, s10;
	s19 =	sor.u32 $0x280, s5;
	v32 =	vld.idx.msk [tilespmem:v27+s3+$0x0], $0xffff;
	[tilespmem:s25+$0x0] =	vst v60  }
0x2d8: {  	v20 =	vadd.s32 $0x8, v18;
	v17 =	vadd.s32 $0x9, v18;
	v31 =	vadd.s32 $0xD, v18;
	s20 =	sor.u32 s30, s10;
	s10 =	rddreg [dreg:$0x11];
	v27 =	vld.idx.msk [tilespmem:v8+s3+$0x0], $0xffff;
	[tilespmem:s19+$0x4A80] =	vst v35;
	s19 =	sadd.s32 $0x6E00, s6  }
0x2d9: {  	v54 =	vadd.s32 $0xC, v18;
	v15 =	vmovc v21;
	v21 =	vadd.s32 $0xE, v18;
	v18 =	vadd.s32 $0xF, v18;
	v7 =	vmovc v31;
	s6 =	smov.u32 s14;
	[tilespmem:s0+$0x4A80] =	vst v62;
	v31 =	vld.idx.msk [tilespmem:v63+s3+$0x0], $0xffff;
	s14 =	sor.u32 s16, s19;
	s16 =	sor.u32 s15, s19  }
0x2da: {  	v9 =	vmovc v54;
	v10 =	vmovc v34;
	v34 =	vadd.s32 $0x6, v1;
	v8 =	vmov v30;
	v30 =	vadd.s32 $0xD, v0;
	s25 =	sor.u32 s30, s19;
	s19 =	sor.u32 s7, s19;
	s30 =	smov.u32 s2;
	v26 =	vld.idx.msk [tilespmem:v26+s3+$0x0], $0xffff;
	[tilespmem:s16+$0x0] =	vst v38  }
0x2db: {  	_ =	sdelay $0x2  }
0x2dc: {  	v60 =	vadd.s32 $0x7, v2;
	[tilespmem:s28+$0x4A80] =	vst v33  }
0x2dd: {  	[tilespmem:s1+$0x4A80] =	vst v32;
	v33 =	vld.idx.msk [tilespmem:v34+s3+$0x0], $0xffff  }
0x2de: {  	v61 =	vadd.s32 $0x7, v1;
	v25 =	vld.idx.msk [tilespmem:v25+s3+$0x0], $0xffff  }
0x2df: {  	s0 =	sor.u32 $0x300, s5  }
0x2e0: {  	[tilespmem:s0+$0x4A80] =	vst v31  }
0x2e1: {  	[tilespmem:s29+$0x4A80] =	vst v26;
	v26 =	vld.idx.msk [tilespmem:v60+s3+$0x0], $0xffff  }
0x2e2: {  	v24 =	vld.idx.msk [tilespmem:v24+s3+$0x0], $0xffff;
	[tilespmem:s26+$0x4A80] =	vst v33  }
0x2e3: {  	[tilespmem:s31+$0x4A80] =	vst v25;
	v25 =	vadd.s32 $0x8, v2;
	v31 =	vld.idx.msk [tilespmem:v61+s3+$0x0], $0xffff  }
0x2e4: {  	v23 =	vld.idx.msk [tilespmem:v23+s3+$0x0], $0xffff  }
0x2e5: {  	s15 =	sor.u32 $0x380, s5;
	v62 =	vadd.s32 $0x8, v1  }
0x2e6: {  	[tilespmem:s15+$0x4A80] =	vst v26  }
0x2e7: {  	[tilespmem:s13+$0x4A80] =	vst v24  }
0x2e8: {  	v24 =	vld.idx.msk [tilespmem:v25+s3+$0x0], $0xffff;
	[tilespmem:s10+$0x4A80] =	vst v31  }
0x2e9: {  	v20 =	vld.idx.msk [tilespmem:v20+s3+$0x0], $0xffff;
	[tilespmem:s21+$0x4A80] =	vst v23;
	v23 =	vadd.s32 $0x9, v2  }
0x2ea: {  	v25 =	vld.idx.msk [tilespmem:v62+s3+$0x0], $0xffff  }
0x2eb: {  	s16 =	sadd.s32 $0x6A80, s6;
	v26 =	vadd.s32 $0x9, v1;
	v19 =	vld.idx.msk [tilespmem:v19+s3+$0x0], $0xffff  }
0x2ec: {  	s21 =	sor.u32 s22, s16;
	s5 =	rddreg [dreg:$0x3]  }
0x2ed: {  	s2 =	sor.u32 s5, s16;
	[tilespmem:s21+$0x0] =	vst v24  }
0x2ee: {  	s0 =	sor.u32 s30, s16;
	s7 =	rddreg [dreg:$0x5];
	v23 =	vld.idx.msk [tilespmem:v23+s3+$0x0], $0xffff;
	[tilespmem:s2+$0x0] =	vst v20  }
0x2ef: {  	v20 =	vadd.s32 $0xA, v2;
	[tilespmem:s0+$0x0] =	vst v25;
	s26 =	sor.u32 s7, s16;
	v17 =	vld.idx.msk [tilespmem:v17+s3+$0x0], $0xffff  }
0x2f0: {  	[tilespmem:s26+$0x0] =	vst v19;
	v19 =	vld.idx.msk [tilespmem:v26+s3+$0x0], $0xffff  }
0x2f1: {  	s8 =	sadd.s32 $0x6B00, s6;
	v24 =	vadd.s32 $0xA, v1;
	v15 =	vld.idx.msk [tilespmem:v15+s3+$0x0], $0xffff  }
0x2f2: {  	s9 =	sor.u32 s22, s8  }
0x2f3: {  	s10 =	sor.u32 s5, s8;
	[tilespmem:s9+$0x0] =	vst v23  }
0x2f4: {  	s0 =	sor.u32 s30, s8;
	v20 =	vld.idx.msk [tilespmem:v20+s3+$0x0], $0xffff;
	[tilespmem:s10+$0x0] =	vst v17  }
0x2f5: {  	s11 =	sor.u32 s7, s8;
	v13 =	vld.idx.msk [tilespmem:v13+s3+$0x0], $0xffff;
	[tilespmem:s0+$0x0] =	vst v19  }
0x2f6: {  	v17 =	vadd.s32 $0xB, v2;
	[tilespmem:s11+$0x0] =	vst v15;
	v15 =	vld.idx.msk [tilespmem:v24+s3+$0x0], $0xffff  }
0x2f7: {  	s12 =	sadd.s32 $0x6B80, s6;
	v14 =	vld.idx.msk [tilespmem:v14+s3+$0x0], $0xffff  }
0x2f8: {  	s13 =	sor.u32 s22, s12;
	v19 =	vadd.s32 $0xB, v1  }
0x2f9: {  	s15 =	sor.u32 s5, s12;
	[tilespmem:s13+$0x0] =	vst v20  }
0x2fa: {  	s0 =	sor.u32 s30, s12;
	[tilespmem:s15+$0x0] =	vst v13  }
0x2fb: {  	s16 =	sor.u32 s7, s12;
	v17 =	vld.idx.msk [tilespmem:v17+s3+$0x0], $0xffff;
	[tilespmem:s0+$0x0] =	vst v15  }
0x2fc: {  	v13 =	vadd.s32 $0xC, v2;
	v11 =	vld.idx.msk [tilespmem:v11+s3+$0x0], $0xffff;
	[tilespmem:s16+$0x0] =	vst v14  }
0x2fd: {  	v14 =	vld.idx.msk [tilespmem:v19+s3+$0x0], $0xffff;
	s0 =	rddreg [dreg:$0xc];
	[tilespmem:s24+$0x0] =	vst v29  }
0x2fe: {  	s21 =	sadd.s32 $0x6C00, s6;
	v15 =	vadd.s32 $0xC, v1;
	v12 =	vld.idx.msk [tilespmem:v12+s3+$0x0], $0xffff;
	[tilespmem:s4+$0x0] =	vst v27  }
0x2ff: {  	s24 =	sor.u32 s22, s21;
	[tilespmem:s0+$0x0] =	vst v28;
	v5 =	vld.idx.msk [tilespmem:v5+s3+$0x0], $0xffff  }
0x300: {  	s26 =	sor.u32 s5, s21;
	v6 =	vld.idx.msk [tilespmem:v6+s3+$0x0], $0xffff;
	[tilespmem:s24+$0x0] =	vst v17  }
0x301: {  	s0 =	sor.u32 s30, s21;
	v13 =	vld.idx.msk [tilespmem:v13+s3+$0x0], $0xffff;
	[tilespmem:s26+$0x0] =	vst v11  }
0x302: {  	s8 =	sor.u32 s7, s21;
	v11 =	vadd.s32 $0xD, v2;
	v9 =	vld.idx.msk [tilespmem:v9+s3+$0x0], $0xffff;
	[tilespmem:s0+$0x0] =	vst v14  }
0x303: {  	[tilespmem:s8+$0x0] =	vst v12;
	v12 =	vld.idx.msk [tilespmem:v15+s3+$0x0], $0xffff  }
0x304: {  	s9 =	sadd.s32 $0x6C80, s6;
	v19 =	vld.idx.msk [tilespmem:v30+s3+$0x0], $0xffff;
	v14 =	vadd.s32 $0xD, v1;
	[tilespmem:s18+$0x0] =	vst v5  }
0x305: {  	s10 =	sor.u32 s22, s9;
	v15 =	vadd.s32 $0xE, v0;
	v10 =	vld.idx.msk [tilespmem:v10+s3+$0x0], $0xffff;
	[tilespmem:s23+$0x0] =	vst v6  }
0x306: {  	s11 =	sor.u32 s5, s9;
	v4 =	vld.idx.msk [tilespmem:v4+s3+$0x0], $0xffff;
	[tilespmem:s10+$0x0] =	vst v13  }
0x307: {  	s0 =	sor.u32 s30, s9;
	v11 =	vld.idx.msk [tilespmem:v11+s3+$0x0], $0xffff;
	[tilespmem:s11+$0x0] =	vst v9  }
0x308: {  	v9 =	vadd.s32 $0xE, v2;
	v7 =	vld.idx.msk [tilespmem:v7+s3+$0x0], $0xffff;
	[tilespmem:s0+$0x0] =	vst v12  }
0x309: {  	s12 =	sor.u32 s7, s9;
	[tilespmem:s17+$0x0] =	vst v19;
	v5 =	vld.idx.msk [tilespmem:v14+s3+$0x0], $0xffff  }
0x30a: {  	s13 =	sadd.s32 $0x6D00, s6;
	v6 =	vadd.s32 $0xE, v1;
	[tilespmem:s12+$0x0] =	vst v10;
	v10 =	vld.idx.msk [tilespmem:v15+s3+$0x0], $0xffff  }
0x30b: {  	s15 =	sor.u32 s22, s13;
	v0 =	vadd.s32 $0xF, v0;
	v8 =	vld.idx.msk [tilespmem:v8+s3+$0x0], $0xffff;
	[tilespmem:s14+$0x0] =	vst v4  }
0x30c: {  	s16 =	sor.u32 s5, s13;
	v3 =	vld.idx.msk [tilespmem:v3+s3+$0x0], $0xffff;
	[tilespmem:s15+$0x0] =	vst v11  }
0x30d: {  	s0 =	sor.u32 s30, s13;
	v9 =	vld.idx.msk [tilespmem:v9+s3+$0x0], $0xffff;
	[tilespmem:s16+$0x0] =	vst v7  }
0x30e: {  	v7 =	vld.idx.msk [tilespmem:v21+s3+$0x0], $0xffff;
	[tilespmem:s0+$0x0] =	vst v5  }
0x30f: {  	s17 =	sor.u32 s7, s13;
	[tilespmem:s20+$0x0] =	vst v10;
	v5 =	vld.idx.msk [tilespmem:v6+s3+$0x0], $0xffff  }
0x310: {  	s18 =	sadd.s32 $0x6D80, s6;
	v2 =	vadd.s32 $0xF, v2;
	[tilespmem:s17+$0x0] =	vst v8;
	v0 =	vld.idx.msk [tilespmem:v0+s3+$0x0], $0xffff  }
0x311: {  	[tilespmem:s19+$0x0] =	vst v3;
	s20 =	sor.u32 s22, s18;
	v8 =	vld.idx.msk [tilespmem:v22+s3+$0x0], $0xffff  }
0x312: {  	s21 =	sor.u32 s5, s18;
	[tilespmem:s20+$0x0] =	vst v9  }
0x313: {  	s0 =	sor.u32 s30, s18;
	[tilespmem:s21+$0x0] =	vst v7  }
0x314: {  	[tilespmem:s0+$0x0] =	vst v5  }
0x315: {  	v1 =	vadd.s32 $0xF, v1;
	s23 =	sor.u32 s7, s18;
	v2 =	vld.idx.msk [tilespmem:v2+s3+$0x0], $0xffff;
	[tilespmem:s25+$0x0] =	vst v0  }
0x316: {  	[tilespmem:s23+$0x0] =	vst v8  }
0x317: {  	v4 =	vld.idx.msk [tilespmem:v18+s3+$0x0], $0xffff;
	s4 =	sld [smem:$0x7FA]  }
0x318: {  	s24 =	sadd.s32 $0x6E00, s6  }
0x319: {  	s25 =	sor.u32 s22, s24;
	v5 =	vld.idx.msk [tilespmem:v16+s3+$0x0], $0xffff  }
0x31a: {  	v1 =	vld.idx.msk [tilespmem:v1+s3+$0x0], $0xffff;
	[tilespmem:s25+$0x0] =	vst v2;
	s4 =	sadd.s32 $0x1, s4  }
0x31b: {  	s26 =	sor.u32 s5, s24;
	[smem:$0x7FA] =	sst s4  }
0x31c: {  	[tilespmem:s26+$0x0] =	vst v4  }
0x31d: {  	s5 =	sor.u32 s7, s24;
	s4 =	sshll.u32 s4, $0x1;
	s2 =	rddreg [dreg:$0x16]  }
0x31e: {  	s6 =	rddreg [dreg:$0x1];
	s0 =	sor.u32 s30, s24;
	[tilespmem:s5+$0x0] =	vst v5;
	s2 =	sadd.s32 s2, s4  }
0x31f: {  	s7 =	simm.s32 $0x4A80;
	[tilespmem:s0+$0x0] =	vst v1;
	s4 =	simm.s32 $0x0;
	s1 =	sshll.u32 s2, $0xB  }
0x320: {  	s9 =	rddreg [dreg:$0x1f];
	s8 =	sadd.s32 $0x2, s2;
	s0 =	sadd.s32 s6, s1  }
0x321: {  	[hbm4b:s0+s4] =	stream.linear.scatter [tilespmem:s7], [sflag:$0x3], $0x4000, $0x38;
	[tilespmem:$0xCA80] =	vst v63  }
0x322: {  	s10 =	rddreg [dreg:$0x17];
	s0 =	smin.u32 s8, s9  }
0x323: {  	s11 =	simm.s32 $0x4280;
	[smem:$0x7F9] =	sst s2;
	s0 =	sshll.u32 s0, $0x7  }
0x324: {  	s12 =	simm.s32 $0x2;
	[smem:$0x7F8] =	sst s1;
	s0 =	sadd.s32 s10, s0  }
0x325: {  	[tilespmem:s11], [sflag:$0x1] =	stream.linear.gather [hbm4b:s0+s4], $0x400, $0x38;
	[tilespmem:$0xCA80] =	vst v63  }
0x326: {  	_ =	swait.ge [sflag:s12], $0x400  }
0x327: {  	[sflag:s12] =	ssyncset.done $0x0  }
0x328: {  	s13 =	simm.s32 $0x4;
	[sflag:s12] =	ssyncadd.s32 $0xFFFFFC00  }
0x329: {  	s15 =	sand.u32 $0x40, s4;
	s14 =	sand.u32 $0x380, s4;
	_ =	swait.ge [sflag:s13], $0x4000  }
0x32a: {  	s0 =	sadd.s32 $0x4680, s14;
	s12 =	sor.u32 $0x30, s15;
	[sflag:s13] =	ssyncset.done $0x0  }
0x32b: {  	s16 =	sor.u32 s12, s0;
	[sflag:s13] =	ssyncadd.s32 $0xFFFFC000  }
0x32c: {  	v0 =	vld [tilespmem:s16+$0x0];
	s16 =	sor.u32 $0x10, s15  }
0x32d: {  	s17 =	sor.u32 s16, s0  }
0x32e: {  	s7 =	sor.u32 $0x20, s15;
	v1 =	vld [tilespmem:s17+$0x0]  }
0x32f: {  	s0 =	sor.u32 s7, s0  }
0x330: {  	v2 =	vld [tilespmem:s0+$0x0]  }
0x331: {  	v5 =	vmul.u32 $0x11, v0  }
0x332: {  	s18 =	simm.s32 $0x4680  }
0x333: {  	v0 =	vld [tilespmem:s18+$0x0];
	v4 =	vmul.u32 $0x11, v1;
	_ =	sdelay $0x1  }
0x334: {  	v3 =	vmul.u32 $0x11, v2;
	_ =	sdelay $0x1  }
0x335: {  	v1 =	vld.idx.msk [tilespmem:v5+s3+$0x0], $0xffff  }
0x336: {  	v2 =	vadd.s32 $0x1, v5;
	v0 =	vmul.u32 $0x11, v0  }
0x337: {  	s2 =	sand.u32 $0x1C00, s4;
	v6 =	vld.idx.msk [tilespmem:v4+s3+$0x0], $0xffff  }
0x338: {  	s19 =	sadd.s32 $0x8A80, s2;
	v7 =	vadd.s32 $0x1, v4  }
0x339: {  	s20 =	sor.u32 s12, s19;
	v8 =	vld.idx.msk [tilespmem:v3+s3+$0x0], $0xffff  }
0x33a: {  	[tilespmem:s20+$0x0] =	vst v1;
	v1 =	vadd.s32 $0x1, v3  }
0x33b: {  	s21 =	sor.u32 s16, s19;
	v2 =	vld.idx.msk [tilespmem:v2+s3+$0x0], $0xffff  }
0x33c: {  	v9 =	vadd.s32 $0x2, v5;
	v10 =	vld.idx.msk [tilespmem:v0+s3+$0x0], $0xffff;
	[tilespmem:s21+$0x0] =	vst v6  }
0x33d: {  	s22 =	sor.u32 s7, s19;
	v6 =	vadd.s32 $0x1, v0;
	v7 =	vld.idx.msk [tilespmem:v7+s3+$0x0], $0xffff  }
0x33e: {  	[tilespmem:s22+$0x0] =	vst v8;
	v8 =	vadd.s32 $0x2, v4  }
0x33f: {  	v1 =	vld.idx.msk [tilespmem:v1+s3+$0x0], $0xffff  }
0x340: {  	s8 =	sor.u32 s15, s19;
	[tilespmem:s20+$0x80] =	vst v2;
	v2 =	vadd.s32 $0x2, v3  }
0x341: {  	[tilespmem:s8+$0x0] =	vst v10;
	v9 =	vld.idx.msk [tilespmem:v9+s3+$0x0], $0xffff  }
0x342: {  	v11 =	vadd.s32 $0x3, v5;
	v6 =	vld.idx.msk [tilespmem:v6+s3+$0x0], $0xffff;
	[tilespmem:s21+$0x80] =	vst v7  }
0x343: {  	v7 =	vadd.s32 $0x2, v0;
	v8 =	vld.idx.msk [tilespmem:v8+s3+$0x0], $0xffff  }
0x344: {  	[tilespmem:s22+$0x80] =	vst v1;
	v1 =	vadd.s32 $0x3, v4  }
0x345: {  	v2 =	vld.idx.msk [tilespmem:v2+s3+$0x0], $0xffff  }
0x346: {  	[tilespmem:s20+$0x100] =	vst v9;
	v9 =	vadd.s32 $0x3, v3  }
0x347: {  	[tilespmem:s8+$0x80] =	vst v6;
	v10 =	vld.idx.msk [tilespmem:v11+s3+$0x0], $0xffff  }
0x348: {  	v11 =	vadd.s32 $0x4, v5;
	v6 =	vld.idx.msk [tilespmem:v7+s3+$0x0], $0xffff;
	[tilespmem:s21+$0x100] =	vst v8  }
0x349: {  	v7 =	vadd.s32 $0x3, v0;
	v1 =	vld.idx.msk [tilespmem:v1+s3+$0x0], $0xffff  }
0x34a: {  	[tilespmem:s22+$0x100] =	vst v2;
	v2 =	vadd.s32 $0x4, v4  }
0x34b: {  	v8 =	vld.idx.msk [tilespmem:v9+s3+$0x0], $0xffff  }
0x34c: {  	p0 =	por $0x0, $0x0;
	s0 =	simm.s32 $0x1;
	v9 =	vadd.s32 $0x4, v3;
	[tilespmem:s20+$0x180] =	vst v10  }
0x34d: {  	s0 =	simm.s32 @!p0 $0x0;
	[tilespmem:s8+$0x100] =	vst v6;
	v10 =	vld.idx.msk [tilespmem:v11+s3+$0x0], $0xffff  }
0x34e: {  	s0 =	sshll.u32 s0, $0x6;
	v11 =	vadd.s32 $0x5, v5;
	v6 =	vld.idx.msk [tilespmem:v7+s3+$0x0], $0xffff;
	[tilespmem:s21+$0x180] =	vst v1  }
0x34f: {  	s0 =	sadd.s32 $0x0, s0;
	v1 =	vadd.s32 $0x4, v0;
	v2 =	vld.idx.msk [tilespmem:v2+s3+$0x0], $0xffff  }
0x350: {  	s23 =	sadd.s32 $0x30, s0;
	v7 =	vadd.s32 $0x5, v4;
	[tilespmem:s22+$0x180] =	vst v8  }
0x351: {  	s24 =	sor.u32 $0x200, s23;
	v8 =	vld.idx.msk [tilespmem:v9+s3+$0x0], $0xffff  }
0x352: {  	s5 =	sadd.s32 $0x10, s0;
	v9 =	vadd.s32 $0x5, v3;
	[tilespmem:s24+$0x8A80] =	vst v10  }
0x353: {  	s25 =	sor.u32 $0x200, s5;
	[tilespmem:s8+$0x180] =	vst v6;
	v10 =	vld.idx.msk [tilespmem:v11+s3+$0x0], $0xffff  }
0x354: {  	s1 =	sadd.s32 $0x20, s0;
	v11 =	vadd.s32 $0x6, v5;
	v1 =	vld.idx.msk [tilespmem:v1+s3+$0x0], $0xffff;
	[tilespmem:s25+$0x8A80] =	vst v2  }
0x355: {  	s26 =	sor.u32 $0x200, s1;
	v2 =	vadd.s32 $0x5, v0;
	v6 =	vld.idx.msk [tilespmem:v7+s3+$0x0], $0xffff  }
0x356: {  	v7 =	vadd.s32 $0x6, v4;
	[tilespmem:s26+$0x8A80] =	vst v8  }
0x357: {  	s9 =	sor.u32 $0x280, s23;
	v8 =	vld.idx.msk [tilespmem:v9+s3+$0x0], $0xffff  }
0x358: {  	s11 =	sor.u32 $0x200, s0;
	v9 =	vadd.s32 $0x6, v3;
	[tilespmem:s9+$0x8A80] =	vst v10  }
0x359: {  	s13 =	sor.u32 $0x280, s5;
	[tilespmem:s11+$0x8A80] =	vst v1;
	v10 =	vld.idx.msk [tilespmem:v11+s3+$0x0], $0xffff  }
0x35a: {  	v11 =	vadd.s32 $0x7, v5;
	v1 =	vld.idx.msk [tilespmem:v2+s3+$0x0], $0xffff;
	[tilespmem:s13+$0x8A80] =	vst v6  }
0x35b: {  	s14 =	sor.u32 $0x280, s1;
	v6 =	vld.idx.msk [tilespmem:v7+s3+$0x0], $0xffff  }
0x35c: {  	v2 =	vadd.s32 $0x6, v0;
	[tilespmem:s14+$0x8A80] =	vst v8  }
0x35d: {  	s17 =	sor.u32 $0x300, s23;
	v7 =	vadd.s32 $0x7, v4;
	v8 =	vld.idx.msk [tilespmem:v9+s3+$0x0], $0xffff  }
0x35e: {  	s18 =	sor.u32 $0x280, s0;
	v9 =	vadd.s32 $0x7, v3;
	[tilespmem:s17+$0x8A80] =	vst v10  }
0x35f: {  	s19 =	simm.s32 $0x46C0;
	s9 =	sor.u32 $0x300, s5;
	[tilespmem:s18+$0x8A80] =	vst v1;
	v10 =	vld.idx.msk [tilespmem:v11+s3+$0x0], $0xffff  }
0x360: {  	v12 =	vld [tilespmem:s19+$0x0];
	[tilespmem:s9+$0x8A80] =	vst v6;
	s9 =	simm.s32 $0x40  }
0x361: {  	s20 =	sor.u32 $0x300, s1;
	v1 =	vld.idx.msk [tilespmem:v2+s3+$0x0], $0xffff;
	s31 =	sand.u32 $0x40, s9;
	s21 =	sand.u32 $0x380, s9  }
0x362: {  	v11 =	vadd.s32 $0x8, v5;
	v6 =	vld.idx.msk [tilespmem:v7+s3+$0x0], $0xffff;
	[tilespmem:s20+$0x8A80] =	vst v8;
	s6 =	sadd.s32 $0x4680, s21;
	s30 =	sor.u32 $0x30, s31  }
0x363: {  	s22 =	sor.u32 $0x380, s23;
	v2 =	vadd.s32 $0x7, v0;
	s13 =	sor.u32 $0x10, s31;
	v7 =	vld.idx.msk [tilespmem:v9+s3+$0x0], $0xffff;
	s23 =	sor.u32 s30, s6  }
0x364: {  	v8 =	vadd.s32 $0x8, v4;
	s14 =	sor.u32 $0x20, s31;
	s24 =	sor.u32 s13, s6;
	[tilespmem:s22+$0x8A80] =	vst v10;
	v10 =	vld [tilespmem:s23+$0x0]  }
0x365: {  	s26 =	sor.u32 s14, s6;
	v13 =	vld [tilespmem:s24+$0x0]  }
0x366: {  	s0 =	sor.u32 $0x300, s0;
	v16 =	vld [tilespmem:s26+$0x0]  }
0x367: {  	s25 =	sor.u32 $0x380, s5;
	[tilespmem:s0+$0x8A80] =	vst v1;
	v9 =	vld.idx.msk [tilespmem:v11+s3+$0x0], $0xffff;
	v11 =	vadd.s32 $0x8, v3  }
0x368: {  	v15 =	vadd.s32 $0x9, v5;
	v14 =	vld.idx.msk [tilespmem:v2+s3+$0x0], $0xffff;
	[tilespmem:s25+$0x8A80] =	vst v6  }
0x369: {  	v6 =	vadd.s32 $0x8, v0;
	v8 =	vld.idx.msk [tilespmem:v8+s3+$0x0], $0xffff  }
0x36a: {  	s8 =	sadd.s32 $0xAA80, s2;
	s6 =	sor.u32 $0x380, s1;
	v1 =	vmul.u32 $0x11, v12;
	v12 =	vadd.s32 $0x9, v4  }
0x36b: {  	s4 =	sor.u32 s4, s4;
	s11 =	sor.u32 s12, s8;
	[tilespmem:s6+$0x8A80] =	vst v7;
	v2 =	vmul.u32 $0x11, v10  }
0x36c: {  	s4 =	sor.u32 $0x380, s4;
	v18 =	vmul.u32 $0x11, v13;
	v7 =	vld.idx.msk [tilespmem:v11+s3+$0x0], $0xffff;
	[tilespmem:s11+$0x0] =	vst v9  }
0x36d: {  	s17 =	sor.u32 s16, s8;
	v16 =	vmul.u32 $0x11, v16;
	[tilespmem:s4+$0x8A80] =	vst v14;
	v9 =	vld.idx.msk [tilespmem:v15+s3+$0x0], $0xffff  }
0x36e: {  	v6 =	vld.idx.msk [tilespmem:v6+s3+$0x0], $0xffff;
	[tilespmem:s17+$0x0] =	vst v8  }
0x36f: {  	v10 =	vadd.s32 $0xA, v5;
	v12 =	vld.idx.msk [tilespmem:v12+s3+$0x0], $0xffff  }
0x370: {  	s19 =	sor.u32 s7, s8;
	v11 =	vld.idx.msk [tilespmem:v1+s3+$0x0], $0xffff;
	s11 =	sadd.s32 $0xAB00, s2;
	v8 =	vadd.s32 $0x9, v3  }
0x371: {  	s18 =	sor.u32 s12, s11;
	v14 =	vld.idx.msk [tilespmem:v2+s3+$0x0], $0xffff;
	[tilespmem:s19+$0x0] =	vst v7  }
0x372: {  	s10 =	simm.s32 $0x200;
	s20 =	sor.u32 s15, s8;
	v13 =	vadd.s32 $0x9, v0;
	v17 =	vld.idx.msk [tilespmem:v18+s3+$0x0], $0xffff;
	[tilespmem:s18+$0x0] =	vst v9  }
0x373: {  	s8 =	sand.u32 $0x1C00, s10;
	v15 =	vadd.s32 $0xA, v4;
	s21 =	sor.u32 s16, s11;
	[tilespmem:s20+$0x0] =	vst v6;
	v6 =	vld.idx.msk [tilespmem:v16+s3+$0x0], $0xffff  }
0x374: {  	s22 =	sadd.s32 $0x8A80, s8;
	v9 =	vld.idx.msk [tilespmem:v10+s3+$0x0], $0xffff;
	[tilespmem:s21+$0x0] =	vst v12  }
0x375: {  	s23 =	sor.u32 s30, s22;
	v7 =	vadd.s32 $0x1, v2;
	v8 =	vld.idx.msk [tilespmem:v8+s3+$0x0], $0xffff;
	[dreg:$0x4] =	wrdreg s13  }
0x376: {  	s4 =	sor.u32 s13, s22;
	v10 =	vadd.s32 $0x1, v18;
	[tilespmem:s23+$0x0] =	vst v14  }
0x377: {  	v19 =	vadd.s32 $0xB, v5;
	s24 =	sadd.s32 $0xAB80, s2;
	v13 =	vld.idx.msk [tilespmem:v13+s3+$0x0], $0xffff;
	[tilespmem:s4+$0x0] =	vst v17  }
0x378: {  	s25 =	sor.u32 s12, s24;
	v12 =	vadd.s32 $0x1, v16;
	v15 =	vld.idx.msk [tilespmem:v15+s3+$0x0], $0xffff;
	[dreg:$0x7] =	wrdreg s14  }
0x379: {  	s26 =	sor.u32 s14, s22;
	v14 =	vadd.s32 $0x1, v1;
	[tilespmem:s25+$0x0] =	vst v9  }
0x37a: {  	s1 =	sor.u32 s31, s22;
	v17 =	vadd.s32 $0xA, v3;
	v7 =	vld.idx.msk [tilespmem:v7+s3+$0x0], $0xffff;
	[tilespmem:s26+$0x0] =	vst v6  }
0x37b: {  	s14 =	sor.u32 s7, s11;
	v9 =	vld.idx.msk [tilespmem:v10+s3+$0x0], $0xffff;
	v10 =	vadd.s32 $0xA, v0;
	[tilespmem:s1+$0x0] =	vst v11  }
0x37c: {  	s11 =	sor.u32 s15, s11;
	v6 =	vadd.s32 $0x2, v2;
	[tilespmem:s14+$0x0] =	vst v8;
	v19 =	vld.idx.msk [tilespmem:v19+s3+$0x0], $0xffff  }
0x37d: {  	s19 =	sor.u32 s16, s24;
	v11 =	vadd.s32 $0x2, v18;
	v12 =	vld.idx.msk [tilespmem:v12+s3+$0x0], $0xffff;
	[tilespmem:s11+$0x0] =	vst v13  }
0x37e: {  	v8 =	vld.idx.msk [tilespmem:v14+s3+$0x0], $0xffff;
	v14 =	vadd.s32 $0xC, v5;
	[tilespmem:s19+$0x0] =	vst v15  }
0x37f: {  	s17 =	sadd.s32 $0xAC00, s2;
	v13 =	vadd.s32 $0x2, v16;
	v17 =	vld.idx.msk [tilespmem:v17+s3+$0x0], $0xffff;
	[tilespmem:s23+$0x80] =	vst v7  }
0x380: {  	s18 =	sor.u32 s12, s17;
	v7 =	vadd.s32 $0x2, v1;
	v10 =	vld.idx.msk [tilespmem:v10+s3+$0x0], $0xffff;
	[tilespmem:s4+$0x80] =	vst v9  }
0x381: {  	v9 =	vadd.s32 $0xB, v4;
	v6 =	vld.idx.msk [tilespmem:v6+s3+$0x0], $0xffff;
	[tilespmem:s18+$0x0] =	vst v19  }
0x382: {  	v11 =	vld.idx.msk [tilespmem:v11+s3+$0x0], $0xffff;
	[tilespmem:s26+$0x80] =	vst v12;
	v12 =	vadd.s32 $0x3, v2  }
0x383: {  	s20 =	sor.u32 s7, s24;
	v14 =	vld.idx.msk [tilespmem:v14+s3+$0x0], $0xffff;
	[tilespmem:s1+$0x80] =	vst v8;
	v8 =	vadd.s32 $0x3, v18  }
0x384: {  	s6 =	sor.u32 s15, s24;
	v15 =	vadd.s32 $0xD, v5;
	v13 =	vld.idx.msk [tilespmem:v13+s3+$0x0], $0xffff;
	[tilespmem:s20+$0x0] =	vst v17  }
0x385: {  	v17 =	vadd.s32 $0x3, v16;
	v7 =	vld.idx.msk [tilespmem:v7+s3+$0x0], $0xffff;
	[tilespmem:s6+$0x0] =	vst v10  }
0x386: {  	s13 =	sadd.s32 $0xAC80, s2;
	v9 =	vld.idx.msk [tilespmem:v9+s3+$0x0], $0xffff;
	[tilespmem:s23+$0x100] =	vst v6;
	v6 =	vadd.s32 $0x3, v1  }
0x387: {  	s21 =	sor.u32 s12, s13;
	v19 =	vadd.s32 $0xB, v3;
	[tilespmem:s4+$0x100] =	vst v11;
	v11 =	vld.idx.msk [tilespmem:v12+s3+$0x0], $0xffff  }
0x388: {  	v12 =	vadd.s32 $0xB, v0;
	[tilespmem:s21+$0x0] =	vst v14;
	v8 =	vld.idx.msk [tilespmem:v8+s3+$0x0], $0xffff  }
0x389: {  	[tilespmem:s26+$0x100] =	vst v13;
	v13 =	vadd.s32 $0x4, v2;
	v15 =	vld.idx.msk [tilespmem:v15+s3+$0x0], $0xffff  }
0x38a: {  	s22 =	sor.u32 s16, s17;
	v14 =	vadd.s32 $0xC, v4;
	v17 =	vld.idx.msk [tilespmem:v17+s3+$0x0], $0xffff;
	[tilespmem:s1+$0x100] =	vst v7  }
0x38b: {  	v7 =	vadd.s32 $0x4, v18;
	[tilespmem:s22+$0x0] =	vst v9;
	v6 =	vld.idx.msk [tilespmem:v6+s3+$0x0], $0xffff  }
0x38c: {  	v10 =	vadd.s32 $0xE, v5;
	v19 =	vld.idx.msk [tilespmem:v19+s3+$0x0], $0xffff;
	[tilespmem:s23+$0x180] =	vst v11;
	s23 =	sadd.s32 $0xAD00, s2  }
0x38d: {  	p0 =	por !p0, !p0;
	s5 =	simm.s32 $0x1;
	v9 =	vadd.s32 $0x4, v16;
	v12 =	vld.idx.msk [tilespmem:v12+s3+$0x0], $0xffff;
	[tilespmem:s4+$0x180] =	vst v8;
	s24 =	sor.u32 s12, s23  }
0x38e: {  	s5 =	simm.s32 @!p0 $0x0;
	v11 =	vadd.s32 $0x4, v1;
	v13 =	vld.idx.msk [tilespmem:v13+s3+$0x0], $0xffff;
	[tilespmem:s24+$0x0] =	vst v15  }
0x38f: {  	s25 =	sshll.u32 s5, $0x6;
	v14 =	vld.idx.msk [tilespmem:v14+s3+$0x0], $0xffff;
	v8 =	vadd.s32 $0xC, v3;
	[tilespmem:s26+$0x180] =	vst v17  }
0x390: {  	v15 =	vadd.s32 $0xC, v0;
	s26 =	sor.u32 s7, s17;
	v7 =	vld.idx.msk [tilespmem:v7+s3+$0x0], $0xffff;
	[tilespmem:s1+$0x180] =	vst v6;
	s1 =	sadd.s32 $0x200, s25  }
0x391: {  	s11 =	sor.u32 s15, s17;
	v17 =	vadd.s32 $0x5, v2;
	v10 =	vld.idx.msk [tilespmem:v10+s3+$0x0], $0xffff;
	[tilespmem:s26+$0x0] =	vst v19;
	s5 =	sadd.s32 $0x30, s1  }
0x392: {  	v20 =	vadd.s32 $0x5, v18;
	s17 =	sor.u32 s10, s9;
	v9 =	vld.idx.msk [tilespmem:v9+s3+$0x0], $0xffff;
	[tilespmem:s11+$0x0] =	vst v12;
	s14 =	sor.u32 $0x200, s5  }
0x393: {  	v19 =	vadd.s32 $0xF, v5;
	s0 =	sor.u32 $0x380, s17;
	v11 =	vld.idx.msk [tilespmem:v11+s3+$0x0], $0xffff;
	s19 =	sadd.s32 $0x10, s1;
	[tilespmem:s14+$0x8A80] =	vst v13  }
0x394: {  	s22 =	sadd.s32 $0xAD80, s2;
	v12 =	vadd.s32 $0x5, v16;
	s18 =	sor.u32 $0x200, s19;
	v8 =	vld.idx.msk [tilespmem:v8+s3+$0x0], $0xffff;
	[dreg:$0x9] =	wrdreg s0  }
0x395: {  	v21 =	vadd.s32 $0xD, v4;
	v26 =	vadd.s32 $0xD, v3;
	v22 =	vadd.s32 $0x5, v1;
	s20 =	sor.u32 s12, s22;
	s25 =	sadd.s32 $0x20, s1;
	v28 =	vld.idx.msk [tilespmem:v15+s3+$0x0], $0xffff;
	[tilespmem:s18+$0x8A80] =	vst v7  }
0x396: {  	v34 =	vadd.s32 $0x6, v1;
	v35 =	vadd.s32 $0x6, v18;
	v24 =	vadd.s32 $0x7, v18;
	s21 =	sor.u32 s16, s13;
	s4 =	sor.u32 s15, s13;
	s24 =	sor.u32 $0x200, s25;
	v7 =	vld.idx.msk [tilespmem:v17+s3+$0x0], $0xffff;
	[tilespmem:s20+$0x0] =	vst v10  }
0x397: {  	v25 =	vadd.s32 $0x6, v16;
	v23 =	vadd.s32 $0x7, v16;
	v30 =	vadd.s32 $0x6, v2;
	s26 =	sor.u32 s7, s13;
	s17 =	sor.u32 s15, s22;
	s13 =	sadd.s32 $0xAE00, s2;
	[tilespmem:s24+$0x8A80] =	vst v9;
	v27 =	vld.idx.msk [tilespmem:v20+s3+$0x0], $0xffff  }
0x398: {  	v5 =	vadd.s32 $0xE, v4;
	v4 =	vadd.s32 $0xF, v4;
	v6 =	vadd.s32 $0xE, v3;
	s2 =	sor.u32 s15, s13;
	s12 =	sor.u32 s12, s13;
	s11 =	sor.u32 $0x200, s1;
	[tilespmem:s21+$0x0] =	vst v14;
	v63 =	vld.idx.msk [tilespmem:v19+s3+$0x0], $0xffff  }
0x399: {  	v3 =	vadd.s32 $0xF, v3;
	s28 =	sor.u32 $0x300, s1;
	s6 =	sor.u32 $0x280, s25;
	s29 =	sor.u32 $0x300, s25;
	v13 =	vadd.s32 $0xA, v18;
	v17 =	vadd.s32 $0x9, v18;
	[tilespmem:s11+$0x8A80] =	vst v11;
	v32 =	vld.idx.msk [tilespmem:v12+s3+$0x0], $0xffff  }
0x39a: {  	s21 =	sor.u32 s16, s22;
	s24 =	sor.u32 s7, s22;
	v15 =	vadd.s32 $0x9, v16;
	s22 =	sor.u32 $0x280, s5;
	v14 =	vadd.s32 $0xA, v16;
	v9 =	vadd.s32 $0xC, v18;
	v29 =	vld.idx.msk [tilespmem:v21+s3+$0x0], $0xffff;
	[tilespmem:s26+$0x0] =	vst v8  }
0x39b: {  	s14 =	sor.u32 s16, s13;
	s0 =	sor.u32 $0x280, s1;
	v10 =	vadd.s32 $0xC, v16;
	v20 =	vadd.s32 $0x8, v18;
	v19 =	vadd.s32 $0x8, v16;
	v33 =	vld.idx.msk [tilespmem:v22+s3+$0x0], $0xffff;
	s26 =	sor.u32 $0x280, s19;
	[tilespmem:s22+$0x8A80] =	vst v7  }
0x39c: {  	s1 =	sor.u32 $0x300, s19;
	s20 =	sor.u32 s15, s23;
	s18 =	sor.u32 s16, s23;
	v11 =	vadd.s32 $0xB, v18;
	v12 =	vadd.s32 $0xB, v16;
	v21 =	vadd.s32 $0xE, v18;
	[tilespmem:s26+$0x8A80] =	vst v27;
	v27 =	vld.idx.msk [tilespmem:v26+s3+$0x0], $0xffff  }
0x39d: {  	s23 =	sor.u32 s7, s23;
	s15 =	simm.s32 $0x4700;
	v8 =	vadd.s32 $0xD, v16;
	v22 =	vadd.s32 $0xE, v16;
	v16 =	vadd.s32 $0xF, v16;
	s22 =	sor.u32 s7, s13;
	v31 =	vld.idx.msk [tilespmem:v30+s3+$0x0], $0xffff  }
0x39e: {  	v7 =	vadd.s32 $0xD, v18;
	v18 =	vadd.s32 $0xF, v18;
	s13 =	sor.u32 $0x380, s25;
	s26 =	sor.u32 $0x380, s19;
	[tilespmem:s12+$0x0] =	vst v63;
	v30 =	vadd.s32 $0xD, v0;
	s12 =	simm.s32 $0x4;
	v26 =	vld.idx.msk [tilespmem:v35+s3+$0x0], $0xffff  }
.LBB2_9:
0x39f: {  	_ = 	snop  }
0x3a0: {  	[tilespmem:s6+$0x8A80] =	vst v32  }
0x3a1: {  	v35 =	vld [tilespmem:s15+$0x0];
	v55 =	vadd.s32 $0x7, v2;
	[tilespmem:s18+$0x0] =	vst v29  }
0x3a2: {  	[tilespmem:s0+$0x8A80] =	vst v33;
	v25 =	vld.idx.msk [tilespmem:v25+s3+$0x0], $0xffff  }
0x3a3: {  	s19 =	sor.u32 $0x300, s5;
	v33 =	vld.idx.msk [tilespmem:v34+s3+$0x0], $0xffff;
	[tilespmem:s4+$0x0] =	vst v28  }
0x3a4: {  	[tilespmem:s19+$0x8A80] =	vst v31;
	v28 =	vld.idx.msk [tilespmem:v30+s3+$0x0], $0xffff  }
0x3a5: {  	v29 =	vadd.s32 $0x7, v1;
	[tilespmem:s23+$0x0] =	vst v27;
	v30 =	vld.idx.msk [tilespmem:v5+s3+$0x0], $0xffff  }
0x3a6: {  	v5 =	vmov v21;
	[tilespmem:s1+$0x8A80] =	vst v26;
	v21 =	vld.idx.msk [tilespmem:v55+s3+$0x0], $0xffff;
	v26 =	vadd.s32 $0xE, v0  }
0x3a7: {  	v24 =	vld.idx.msk [tilespmem:v24+s3+$0x0], $0xffff;
	[tilespmem:s29+$0x8A80] =	vst v25  }
0x3a8: {  	v27 =	vld.idx.msk [tilespmem:v6+s3+$0x0], $0xffff  }
0x3a9: {  	s9 =	sadd.s32 $0x40, s9;
	v6 =	vmov v22;
	[tilespmem:s28+$0x8A80] =	vst v33;
	v22 =	vld.idx.msk [tilespmem:v23+s3+$0x0], $0xffff  }
0x3aa: {  	s19 =	sand.u32 $0x40, s9;
	s1 =	sand.u32 $0x380, s9;
	v25 =	vadd.s32 $0x8, v2;
	v23 =	vld.idx.msk [tilespmem:v29+s3+$0x0], $0xffff;
	[tilespmem:s20+$0x0] =	vst v28  }
0x3ab: {  	s4 =	sor.u32 $0x380, s5;
	s0 =	sadd.s32 $0x4680, s1;
	[tilespmem:s21+$0x0] =	vst v30;
	s20 =	sor.u32 $0x30, s19;
	v26 =	vld.idx.msk [tilespmem:v26+s3+$0x0], $0xffff  }
0x3ac: {  	s7 =	rddreg [dreg:$0x4];
	[tilespmem:s4+$0x8A80] =	vst v21;
	v21 =	vld.idx.msk [tilespmem:v4+s3+$0x0], $0xffff;
	s5 =	sor.u32 s20, s0  }
0x3ad: {  	s11 =	rddreg [dreg:$0x7];
	[tilespmem:s26+$0x8A80] =	vst v24;
	v24 =	vld [tilespmem:s5+$0x0]  }
0x3ae: {  	s25 =	smov.u32 s7;
	s7 =	smov.u32 s11;
	s11 =	sor.u32 $0x10, s19;
	v20 =	vld.idx.msk [tilespmem:v20+s3+$0x0], $0xffff  }
0x3af: {  	s18 =	sor.u32 $0x20, s19;
	s6 =	sor.u32 s11, s0;
	v4 =	vmov v18;
	v18 =	vld.idx.msk [tilespmem:v25+s3+$0x0], $0xffff;
	v25 =	vadd.s32 $0x8, v1;
	[tilespmem:s24+$0x0] =	vst v27  }
0x3b0: {  	s0 =	sor.u32 s18, s0;
	v27 =	vld [tilespmem:s6+$0x0];
	[tilespmem:s13+$0x8A80] =	vst v22;
	s13 =	rddreg [dreg:$0x9]  }
0x3b1: {  	v22 =	vadd.s32 $0x9, v2;
	v29 =	vld [tilespmem:s0+$0x0];
	[tilespmem:s13+$0x8A80] =	vst v23  }
0x3b2: {  	s21 =	sadd.s32 $0xAA80, s8;
	v23 =	vadd.s32 $0xF, v0;
	v0 =	vmov v1;
	v1 =	vmul.u32 $0x11, v35;
	v19 =	vld.idx.msk [tilespmem:v19+s3+$0x0], $0xffff;
	[tilespmem:s14+$0x0] =	vst v21  }
0x3b3: {  	s16 =	smov.u32 s30;
	s24 =	sor.u32 s25, s21;
	v31 =	vld.idx.msk [tilespmem:v3+s3+$0x0], $0xffff;
	[tilespmem:s17+$0x0] =	vst v26;
	v28 =	vmul.u32 $0x11, v24  }
0x3b4: {  	s26 =	sor.u32 s16, s21;
	[tilespmem:s24+$0x0] =	vst v20;
	v21 =	vld.idx.msk [tilespmem:v25+s3+$0x0], $0xffff  }
0x3b5: {  	[tilespmem:s26+$0x0] =	vst v18;
	v44 =	vld.idx.msk [tilespmem:v17+s3+$0x0], $0xffff;
	v18 =	vmul.u32 $0x11, v27  }
0x3b6: {  	v22 =	vld.idx.msk [tilespmem:v22+s3+$0x0], $0xffff  }
0x3b7: {  	s0 =	sor.u32 s7, s21;
	v3 =	vmov v16;
	v16 =	vadd.s32 $0xA, v2;
	v56 =	vld.idx.msk [tilespmem:v23+s3+$0x0], $0xffff  }
0x3b8: {  	v38 =	vmul.u32 $0x11, v29;
	[tilespmem:s0+$0x0] =	vst v19;
	v41 =	vld.idx.msk [tilespmem:v1+s3+$0x0], $0xffff  }
0x3b9: {  	s5 =	sadd.s32 $0xAB00, s8;
	[tilespmem:s22+$0x0] =	vst v31;
	v45 =	vld.idx.msk [tilespmem:v28+s3+$0x0], $0xffff  }
0x3ba: {  	s14 =	sor.u32 s16, s5;
	v30 =	vadd.s32 $0x9, v0;
	v52 =	vld.idx.msk [tilespmem:v15+s3+$0x0], $0xffff  }
0x3bb: {  	s10 =	sadd.s32 $0x200, s10;
	s6 =	sor.u32 s25, s5;
	v47 =	vadd.s32 $0x1, v28;
	v46 =	vld.idx.msk [tilespmem:v18+s3+$0x0], $0xffff;
	[tilespmem:s14+$0x0] =	vst v22  }
0x3bc: {  	s23 =	sor.u32 s31, s21;
	v37 =	vadd.s32 $0x1, v1;
	s14 =	sand.u32 $0x1C00, s10;
	[tilespmem:s6+$0x0] =	vst v44;
	v48 =	vld.idx.msk [tilespmem:v16+s3+$0x0], $0xffff  }
0x3bd: {  	s17 =	sor.u32 s10, s9;
	v39 =	vadd.s32 $0x1, v18;
	[tilespmem:s23+$0x0] =	vst v21;
	s21 =	sadd.s32 $0x8A80, s14;
	v44 =	vld.idx.msk [tilespmem:v13+s3+$0x0], $0xffff  }
0x3be: {  	v53 =	vadd.s32 $0xB, v2;
	s22 =	sor.u32 $0x380, s17;
	[tilespmem:s2+$0x0] =	vst v56;
	v49 =	vld.idx.msk [tilespmem:v38+s3+$0x0], $0xffff;
	s17 =	sor.u32 s20, s21  }
0x3bf: {  	v42 =	vadd.s32 $0x1, v38;
	s2 =	sor.u32 s19, s21;
	v56 =	vld.idx.msk [tilespmem:v30+s3+$0x0], $0xffff;
	[tilespmem:s17+$0x0] =	vst v45  }
0x3c0: {  	v58 =	vadd.s32 $0xA, v0;
	s23 =	sadd.s32 $0xAB80, s8;
	s13 =	sor.u32 s11, s21;
	[tilespmem:s2+$0x0] =	vst v41;
	v57 =	vld.idx.msk [tilespmem:v47+s3+$0x0], $0xffff  }
0x3c1: {  	s26 =	sor.u32 s16, s23;
	v37 =	vld.idx.msk [tilespmem:v37+s3+$0x0], $0xffff;
	[tilespmem:s13+$0x0] =	vst v46  }
0x3c2: {  	s4 =	sor.u32 s7, s5;
	v59 =	vadd.s32 $0x2, v28;
	s0 =	sor.u32 s31, s5;
	s5 =	sor.u32 s18, s21;
	v39 =	vld.idx.msk [tilespmem:v39+s3+$0x0], $0xffff;
	[tilespmem:s26+$0x0] =	vst v48  }
0x3c3: {  	v40 =	vadd.s32 $0x2, v18;
	[tilespmem:s5+$0x0] =	vst v49;
	v60 =	vld.idx.msk [tilespmem:v53+s3+$0x0], $0xffff  }
0x3c4: {  	v62 =	vadd.s32 $0xC, v2;
	[tilespmem:s0+$0x0] =	vst v56;
	v61 =	vld.idx.msk [tilespmem:v42+s3+$0x0], $0xffff  }
0x3c5: {  	[tilespmem:s4+$0x0] =	vst v52;
	v52 =	vadd.s32 $0x2, v1;
	v53 =	vld.idx.msk [tilespmem:v58+s3+$0x0], $0xffff  }
0x3c6: {  	s1 =	sor.u32 s31, s23;
	s4 =	sadd.s32 $0xAC00, s8;
	v63 =	vld.idx.msk [tilespmem:v14+s3+$0x0], $0xffff;
	[tilespmem:s17+$0x80] =	vst v57  }
0x3c7: {  	v43 =	vadd.s32 $0x2, v38;
	s24 =	sor.u32 s25, s23;
	s6 =	sor.u32 s7, s23;
	s23 =	sor.u32 s16, s4;
	v56 =	vld.idx.msk [tilespmem:v59+s3+$0x0], $0xffff;
	[tilespmem:s13+$0x80] =	vst v39  }
0x3c8: {  	v40 =	vld.idx.msk [tilespmem:v40+s3+$0x0], $0xffff;
	[tilespmem:s23+$0x0] =	vst v60  }
0x3c9: {  	[tilespmem:s2+$0x80] =	vst v37;
	v42 =	vld.idx.msk [tilespmem:v62+s3+$0x0], $0xffff  }
0x3ca: {  	v57 =	vadd.s32 $0x3, v28;
	[tilespmem:s24+$0x0] =	vst v44;
	v59 =	vld.idx.msk [tilespmem:v52+s3+$0x0], $0xffff  }
0x3cb: {  	v36 =	vadd.s32 $0x3, v18;
	[tilespmem:s5+$0x80] =	vst v61;
	v61 =	vld.idx.msk [tilespmem:v11+s3+$0x0], $0xffff  }
0x3cc: {  	v60 =	vadd.s32 $0xD, v2;
	v58 =	vld.idx.msk [tilespmem:v43+s3+$0x0], $0xffff;
	[tilespmem:s6+$0x0] =	vst v63  }
0x3cd: {  	s24 =	sadd.s32 $0xAC80, s8;
	v62 =	vadd.s32 $0x3, v1;
	[tilespmem:s17+$0x100] =	vst v56  }
0x3ce: {  	s26 =	sor.u32 s16, s24;
	v63 =	vld.idx.msk [tilespmem:v12+s3+$0x0], $0xffff;
	[tilespmem:s13+$0x100] =	vst v40  }
0x3cf: {  	v35 =	vadd.s32 $0x3, v38;
	v48 =	vld.idx.msk [tilespmem:v57+s3+$0x0], $0xffff;
	[tilespmem:s26+$0x0] =	vst v42  }
0x3d0: {  	[dreg:$0x4] =	wrdreg s11;
	v50 =	vadd.s32 $0xB, v18;
	v49 =	vadd.s32 $0xB, v0;
	s11 =	sor.u32 s25, s4;
	v36 =	vld.idx.msk [tilespmem:v36+s3+$0x0], $0xffff;
	[tilespmem:s2+$0x100] =	vst v59  }
0x3d1: {  	v11 =	vmov v50;
	v50 =	vadd.s32 $0x4, v28;
	[tilespmem:s11+$0x0] =	vst v61;
	v42 =	vld.idx.msk [tilespmem:v60+s3+$0x0], $0xffff  }
0x3d2: {  	v33 =	vadd.s32 $0x4, v18;
	v51 =	vadd.s32 $0xA, v38;
	[tilespmem:s5+$0x100] =	vst v58;
	v43 =	vld.idx.msk [tilespmem:v62+s3+$0x0], $0xffff  }
0x3d3: {  	v14 =	vmov v51;
	v51 =	vadd.s32 $0xE, v2;
	[tilespmem:s1+$0x0] =	vst v53;
	v53 =	vld.idx.msk [tilespmem:v9+s3+$0x0], $0xffff  }
0x3d4: {  	v32 =	vadd.s32 $0x4, v38;
	v27 =	vadd.s32 $0x5, v38;
	v52 =	vadd.s32 $0x4, v1;
	v35 =	vld.idx.msk [tilespmem:v35+s3+$0x0], $0xffff  }
0x3d5: {  	p0 =	por !p0, !p0;
	v25 =	vadd.s32 $0x6, v38;
	v23 =	vadd.s32 $0x7, v38;
	[dreg:$0x9] =	wrdreg s22;
	v55 =	vadd.s32 $0xB, v38;
	s11 =	sadd.s32 $0xAD00, s8;
	v41 =	vld.idx.msk [tilespmem:v49+s3+$0x0], $0xffff;
	[tilespmem:s17+$0x180] =	vst v48  }
0x3d6: {  	v19 =	vadd.s32 $0x8, v38;
	v21 =	vadd.s32 $0x9, v38;
	s21 =	sor.u32 s31, s4;
	v12 =	vmovc v55;
	v56 =	vadd.s32 $0xC, v0;
	s17 =	sor.u32 s16, s11;
	v55 =	vld.idx.msk [tilespmem:v50+s3+$0x0], $0xffff;
	[tilespmem:s13+$0x180] =	vst v36;
	s13 =	simm.s32 $0x1  }
0x3d7: {  	v34 =	vadd.s32 $0xC, v38;
	v22 =	vadd.s32 $0xE, v38;
	v16 =	vadd.s32 $0xA, v18;
	s0 =	sor.u32 s7, s4;
	s4 =	sor.u32 s31, s24;
	s13 =	simm.s32 @!p0 $0x0;
	v33 =	vld.idx.msk [tilespmem:v33+s3+$0x0], $0xffff;
	[tilespmem:s17+$0x0] =	vst v42  }
0x3d8: {  	v30 =	vadd.s32 $0xD, v38;
	v13 =	vmovc v16;
	v16 =	vadd.s32 $0xF, v38;
	s22 =	sor.u32 s25, s24;
	s30 =	sor.u32 s7, s24;
	v57 =	vadd.s32 $0x5, v28;
	[tilespmem:s2+$0x180] =	vst v43;
	s24 =	sshll.u32 s13, $0x6;
	v38 =	vld.idx.msk [tilespmem:v51+s3+$0x0], $0xffff  }
0x3d9: {  	s12 =	sadd.s32 $0x4, s12;
	s15 =	sadd.s32 $0x40, s15;
	v29 =	vadd.s32 $0x5, v18;
	[tilespmem:s5+$0x180] =	vst v35;
	v58 =	vld.idx.msk [tilespmem:v52+s3+$0x0], $0xffff;
	s1 =	sadd.s32 s24, s10  }
0x3da: {  	p1 =	slt.u32 s12, $0x3C;
	[dreg:$0x7] =	wrdreg s18;
	v59 =	vadd.s32 $0xF, v2;
	[tilespmem:s21+$0x0] =	vst v41;
	v32 =	vld.idx.msk [tilespmem:v32+s3+$0x0], $0xffff;
	s5 =	sadd.s32 $0x30, s1  }
0x3db: {  	[dreg:$0x12] =	wrdreg s20;
	v2 =	vmov v28;
	v61 =	vadd.s32 $0x5, v1;
	[tilespmem:s0+$0x0] =	vst v63;
	v28 =	vld.idx.msk [tilespmem:v56+s3+$0x0], $0xffff;
	s2 =	sadd.s32 $0x10, s1;
	s26 =	sor.u32 $0x200, s5  }
0x3dc: {  	s20 =	sor.u32 s31, s11;
	s24 =	sadd.s32 $0xAD80, s8;
	v60 =	vld.idx.msk [tilespmem:v10+s3+$0x0], $0xffff;
	s6 =	sor.u32 $0x200, s2;
	[tilespmem:s26+$0x8A80] =	vst v55  }
0x3dd: {  	s18 =	sor.u32 s25, s11;
	s23 =	sor.u32 s7, s11;
	[tilespmem:s6+$0x8A80] =	vst v33;
	s26 =	sor.u32 s16, s24;
	v35 =	vld.idx.msk [tilespmem:v57+s3+$0x0], $0xffff  }
0x3de: {  	s13 =	sadd.s32 $0x20, s1;
	s21 =	sor.u32 $0x200, s1;
	s0 =	sor.u32 $0x280, s1;
	v62 =	vld.idx.msk [tilespmem:v29+s3+$0x0], $0xffff;
	[tilespmem:s26+$0x0] =	vst v38  }
0x3df: {  	v63 =	vadd.s32 $0x6, v2;
	s28 =	sor.u32 $0x300, s1;
	s17 =	sor.u32 $0x200, s13;
	s11 =	sor.u32 $0x280, s2;
	[tilespmem:s21+$0x8A80] =	vst v58;
	v38 =	vld.idx.msk [tilespmem:v59+s3+$0x0], $0xffff  }
0x3e0: {  	v26 =	vadd.s32 $0x6, v18;
	s1 =	sor.u32 $0x300, s2;
	s29 =	sor.u32 $0x300, s13;
	s6 =	sor.u32 $0x280, s13;
	[tilespmem:s22+$0x0] =	vst v53;
	v33 =	vld.idx.msk [tilespmem:v61+s3+$0x0], $0xffff  }
.Ltmp3:
0x3e1: {  	s13 =	sor.u32 $0x380, s13;
	s26 =	sor.u32 $0x380, s2;
	[tilespmem:s17+$0x8A80] =	vst v32;
	v29 =	vld.idx.msk [tilespmem:v7+s3+$0x0], $0xffff;
	(pc) =	sbr.rel @p1 .LBB2_9-.Ltmp3, $4  }
0x3e2: {  	v24 =	vadd.s32 $0x7, v18;
	s21 =	sor.u32 s25, s24;
	s22 =	sor.u32 $0x280, s5;
	s17 =	sor.u32 s31, s24;
	v32 =	vld.idx.msk [tilespmem:v27+s3+$0x0], $0xffff;
	[tilespmem:s30+$0x0] =	vst v60  }
0x3e3: {  	v20 =	vadd.s32 $0x8, v18;
	v17 =	vadd.s32 $0x9, v18;
	v31 =	vadd.s32 $0xD, v18;
	s24 =	sor.u32 s7, s24;
	s30 =	rddreg [dreg:$0x12];
	v27 =	vld.idx.msk [tilespmem:v8+s3+$0x0], $0xffff;
	[tilespmem:s22+$0x8A80] =	vst v35;
	s22 =	sadd.s32 $0xAE00, s8  }
0x3e4: {  	v54 =	vadd.s32 $0xC, v18;
	v15 =	vmovc v21;
	v21 =	vadd.s32 $0xE, v18;
	v18 =	vadd.s32 $0xF, v18;
	v7 =	vmovc v31;
	s8 =	smov.u32 s14;
	[tilespmem:s11+$0x8A80] =	vst v62;
	v31 =	vld.idx.msk [tilespmem:v63+s3+$0x0], $0xffff;
	s14 =	sor.u32 s25, s22;
	s25 =	sor.u32 s16, s22  }
0x3e5: {  	v9 =	vmovc v54;
	v10 =	vmovc v34;
	v34 =	vadd.s32 $0x6, v1;
	v8 =	vmov v30;
	v30 =	vadd.s32 $0xD, v0;
	s2 =	sor.u32 s31, s22;
	v26 =	vld.idx.msk [tilespmem:v26+s3+$0x0], $0xffff;
	s22 =	sor.u32 s7, s22;
	s31 =	smov.u32 s19;
	[tilespmem:s25+$0x0] =	vst v38  }
0x3e6: {  	_ =	sdelay $0x1  }
0x3e7: {  	v56 =	vadd.s32 $0x7, v2  }
0x3e8: {  	[tilespmem:s6+$0x8A80] =	vst v32  }
0x3e9: {  	v25 =	vld.idx.msk [tilespmem:v25+s3+$0x0], $0xffff  }
0x3ea: {  	[tilespmem:s0+$0x8A80] =	vst v33;
	s25 =	sor.u32 $0x300, s5  }
0x3eb: {  	v33 =	vld.idx.msk [tilespmem:v34+s3+$0x0], $0xffff;
	[tilespmem:s25+$0x8A80] =	vst v31  }
0x3ec: {  	v57 =	vadd.s32 $0x7, v1;
	v58 =	vld.idx.msk [tilespmem:v56+s3+$0x0], $0xffff  }
0x3ed: {  	v59 =	vadd.s32 $0x8, v2;
	[tilespmem:s1+$0x8A80] =	vst v26  }
0x3ee: {  	v24 =	vld.idx.msk [tilespmem:v24+s3+$0x0], $0xffff;
	[tilespmem:s29+$0x8A80] =	vst v25  }
0x3ef: {  	v23 =	vld.idx.msk [tilespmem:v23+s3+$0x0], $0xffff  }
0x3f0: {  	[tilespmem:s28+$0x8A80] =	vst v33;
	s28 =	sor.u32 $0x380, s5  }
0x3f1: {  	v60 =	vld.idx.msk [tilespmem:v57+s3+$0x0], $0xffff;
	[tilespmem:s28+$0x8A80] =	vst v58  }
0x3f2: {  	v61 =	vadd.s32 $0x8, v1;
	v62 =	vld.idx.msk [tilespmem:v59+s3+$0x0], $0xffff  }
0x3f3: {  	[tilespmem:s26+$0x8A80] =	vst v24  }
0x3f4: {  	[tilespmem:s13+$0x8A80] =	vst v23  }
0x3f5: {  	s29 =	sadd.s32 $0xAA80, s8;
	v20 =	vld.idx.msk [tilespmem:v20+s3+$0x0], $0xffff;
	s0 =	rddreg [dreg:$0x9]  }
0x3f6: {  	v63 =	vadd.s32 $0x9, v2;
	s6 =	sor.u32 s30, s29;
	[tilespmem:s0+$0x8A80] =	vst v60  }
0x3f7: {  	v33 =	vld.idx.msk [tilespmem:v61+s3+$0x0], $0xffff;
	[tilespmem:s6+$0x0] =	vst v62  }
0x3f8: {  	v34 =	vadd.s32 $0x9, v1;
	v19 =	vld.idx.msk [tilespmem:v19+s3+$0x0], $0xffff;
	s5 =	rddreg [dreg:$0x4]  }
0x3f9: {  	s7 =	sor.u32 s5, s29  }
0x3fa: {  	[tilespmem:s7+$0x0] =	vst v20  }
0x3fb: {  	s0 =	sor.u32 s31, s29;
	v35 =	vld.idx.msk [tilespmem:v63+s3+$0x0], $0xffff;
	s6 =	rddreg [dreg:$0x7]  }
0x3fc: {  	v36 =	vadd.s32 $0xA, v2;
	v17 =	vld.idx.msk [tilespmem:v17+s3+$0x0], $0xffff;
	s9 =	sor.u32 s6, s29;
	[tilespmem:s0+$0x0] =	vst v33  }
0x3fd: {  	[tilespmem:s9+$0x0] =	vst v19;
	v37 =	vld.idx.msk [tilespmem:v34+s3+$0x0], $0xffff  }
0x3fe: {  	s10 =	sadd.s32 $0xAB00, s8;
	v38 =	vadd.s32 $0xA, v1;
	v15 =	vld.idx.msk [tilespmem:v15+s3+$0x0], $0xffff  }
0x3ff: {  	s11 =	sor.u32 s30, s10  }
0x400: {  	s12 =	sor.u32 s5, s10;
	[tilespmem:s11+$0x0] =	vst v35  }
0x401: {  	s0 =	sor.u32 s31, s10;
	v39 =	vld.idx.msk [tilespmem:v36+s3+$0x0], $0xffff;
	[tilespmem:s12+$0x0] =	vst v17  }
0x402: {  	v40 =	vadd.s32 $0xB, v2;
	s13 =	sor.u32 s6, s10;
	v13 =	vld.idx.msk [tilespmem:v13+s3+$0x0], $0xffff;
	[tilespmem:s0+$0x0] =	vst v37  }
0x403: {  	[tilespmem:s13+$0x0] =	vst v15;
	v41 =	vld.idx.msk [tilespmem:v38+s3+$0x0], $0xffff  }
0x404: {  	s15 =	sadd.s32 $0xAB80, s8;
	v42 =	vadd.s32 $0xB, v1;
	v14 =	vld.idx.msk [tilespmem:v14+s3+$0x0], $0xffff  }
0x405: {  	s16 =	sor.u32 s30, s15  }
0x406: {  	s19 =	sor.u32 s5, s15;
	[tilespmem:s16+$0x0] =	vst v39  }
0x407: {  	s0 =	sor.u32 s31, s15;
	v43 =	vld.idx.msk [tilespmem:v40+s3+$0x0], $0xffff;
	[tilespmem:s19+$0x0] =	vst v13  }
0x408: {  	v44 =	vadd.s32 $0xC, v2;
	s25 =	sor.u32 s6, s15;
	v11 =	vld.idx.msk [tilespmem:v11+s3+$0x0], $0xffff;
	[tilespmem:s0+$0x0] =	vst v41  }
0x409: {  	[tilespmem:s25+$0x0] =	vst v14;
	v15 =	vld.idx.msk [tilespmem:v42+s3+$0x0], $0xffff  }
0x40a: {  	v45 =	vadd.s32 $0xC, v1;
	s26 =	sadd.s32 $0xAC00, s8;
	[tilespmem:s4+$0x0] =	vst v28;
	v12 =	vld.idx.msk [tilespmem:v12+s3+$0x0], $0xffff  }
0x40b: {  	s28 =	sor.u32 s30, s26;
	[tilespmem:s18+$0x0] =	vst v29  }
0x40c: {  	v46 =	vld.idx.msk [tilespmem:v30+s3+$0x0], $0xffff;
	s29 =	sor.u32 s5, s26;
	[tilespmem:s28+$0x0] =	vst v43  }
0x40d: {  	s0 =	sor.u32 s31, s26;
	v47 =	vld.idx.msk [tilespmem:v44+s3+$0x0], $0xffff;
	[tilespmem:s29+$0x0] =	vst v11  }
0x40e: {  	v48 =	vadd.s32 $0xD, v2;
	s4 =	sor.u32 s6, s26;
	v9 =	vld.idx.msk [tilespmem:v9+s3+$0x0], $0xffff;
	[tilespmem:s0+$0x0] =	vst v15  }
0x40f: {  	[tilespmem:s4+$0x0] =	vst v12;
	v49 =	vld.idx.msk [tilespmem:v45+s3+$0x0], $0xffff  }
0x410: {  	v50 =	vadd.s32 $0xD, v1;
	s7 =	sadd.s32 $0xAC80, s8;
	[tilespmem:s23+$0x0] =	vst v27;
	v10 =	vld.idx.msk [tilespmem:v10+s3+$0x0], $0xffff  }
0x411: {  	v5 =	vld.idx.msk [tilespmem:v5+s3+$0x0], $0xffff;
	s9 =	sor.u32 s30, s7;
	[tilespmem:s20+$0x0] =	vst v46  }
0x412: {  	v51 =	vadd.s32 $0xE, v0;
	v6 =	vld.idx.msk [tilespmem:v6+s3+$0x0], $0xffff;
	s10 =	sor.u32 s5, s7;
	[tilespmem:s9+$0x0] =	vst v47  }
0x413: {  	s0 =	sor.u32 s31, s7;
	v52 =	vld.idx.msk [tilespmem:v48+s3+$0x0], $0xffff;
	[tilespmem:s10+$0x0] =	vst v9  }
0x414: {  	v53 =	vadd.s32 $0xE, v2;
	s11 =	sor.u32 s6, s7;
	v7 =	vld.idx.msk [tilespmem:v7+s3+$0x0], $0xffff;
	[tilespmem:s0+$0x0] =	vst v49  }
0x415: {  	[tilespmem:s11+$0x0] =	vst v10;
	v54 =	vld.idx.msk [tilespmem:v50+s3+$0x0], $0xffff  }
0x416: {  	v56 =	vadd.s32 $0xE, v1;
	s12 =	sadd.s32 $0xAD00, s8;
	[tilespmem:s21+$0x0] =	vst v5;
	v8 =	vld.idx.msk [tilespmem:v8+s3+$0x0], $0xffff  }
0x417: {  	[tilespmem:s24+$0x0] =	vst v6;
	v55 =	vld.idx.msk [tilespmem:v51+s3+$0x0], $0xffff;
	s13 =	sor.u32 s30, s12  }
0x418: {  	v4 =	vld.idx.msk [tilespmem:v4+s3+$0x0], $0xffff;
	s15 =	sor.u32 s5, s12;
	[tilespmem:s13+$0x0] =	vst v52  }
0x419: {  	v57 =	vadd.s32 $0xF, v0;
	s0 =	sor.u32 s31, s12;
	v58 =	vld.idx.msk [tilespmem:v53+s3+$0x0], $0xffff;
	[tilespmem:s15+$0x0] =	vst v7  }
0x41a: {  	v59 =	vadd.s32 $0xF, v2;
	s16 =	sor.u32 s6, s12;
	v60 =	vld.idx.msk [tilespmem:v21+s3+$0x0], $0xffff;
	[tilespmem:s0+$0x0] =	vst v54  }
0x41b: {  	[tilespmem:s16+$0x0] =	vst v8;
	v6 =	vld.idx.msk [tilespmem:v56+s3+$0x0], $0xffff  }
0x41c: {  	v62 =	vadd.s32 $0xF, v1;
	[tilespmem:s17+$0x0] =	vst v55;
	s17 =	sadd.s32 $0xAD80, s8;
	v61 =	vld.idx.msk [tilespmem:v22+s3+$0x0], $0xffff  }
0x41d: {  	v3 =	vld.idx.msk [tilespmem:v3+s3+$0x0], $0xffff;
	[tilespmem:s14+$0x0] =	vst v4;
	s18 =	sor.u32 s30, s17  }
0x41e: {  	v0 =	vld.idx.msk [tilespmem:v57+s3+$0x0], $0xffff;
	s19 =	sor.u32 s5, s17;
	[tilespmem:s18+$0x0] =	vst v58  }
0x41f: {  	s0 =	sor.u32 s31, s17;
	v2 =	vld.idx.msk [tilespmem:v59+s3+$0x0], $0xffff;
	[tilespmem:s19+$0x0] =	vst v60  }
0x420: {  	s20 =	sor.u32 s6, s17;
	v63 =	vld.idx.msk [tilespmem:v18+s3+$0x0], $0xffff;
	[tilespmem:s0+$0x0] =	vst v6  }
0x421: {  	[tilespmem:s20+$0x0] =	vst v61;
	v1 =	vld.idx.msk [tilespmem:v62+s3+$0x0], $0xffff  }
0x422: {  	s21 =	sadd.s32 $0xAE00, s8;
	[tilespmem:s22+$0x0] =	vst v3;
	v5 =	vld.idx.msk [tilespmem:v16+s3+$0x0], $0xffff  }
0x423: {  	s22 =	sor.u32 s30, s21;
	[tilespmem:s2+$0x0] =	vst v0  }
0x424: {  	s23 =	sor.u32 s5, s21;
	[tilespmem:s22+$0x0] =	vst v2  }
0x425: {  	s0 =	sor.u32 s31, s21;
	[tilespmem:s23+$0x0] =	vst v63  }
0x426: {  	s24 =	sor.u32 s6, s21;
	[tilespmem:s0+$0x0] =	vst v1  }
0x427: {  	[tilespmem:s24+$0x0] =	vst v5  }
0x428: {  	s0 =	sld [smem:$0x7FC]  }
0x429: {  	s1 =	sld [smem:$0x7F8]  }
0x42a: {  	s31 =	sld [smem:$0x7FA];
	_ =	sdelay $0x1  }
0x42b: {  	s26 =	sld [smem:$0x7F9]  }
0x42c: {  	s25 =	simm.s32 $0x8A80;
	s0 =	sadd.s32 s1, s0;
	p0 =	sne.s32 s31, $0x31  }
0x42d: {  	[hbm4b:s0+s3] =	stream.linear.scatter [tilespmem:s25], [sflag:$0x4], $0x4000, $0x38;
	[tilespmem:$0xCA80] =	vst v63  }
.Ltmp4:
0x42e: {  	s28 =	rddreg [dreg:$0x1f];
	s0 =	sadd.s32 $0x3, s26;
	(pc) =	sbr.rel @p0 .LBB2_6-.Ltmp4, $4  }
0x42f: {  	s0 =	smin.u32 s0, s28  }
0x430: {  	s29 =	rddreg [dreg:$0x17];
	s0 =	sshll.u32 s0, $0x7  }
0x431: {  	s30 =	simm.s32 $0x4680;
	s0 =	sadd.s32 s29, s0  }
0x432: {  	[tilespmem:s30], [sflag:$0x2] =	stream.linear.gather [hbm4b:s0+s3], $0x400, $0x38;
	[tilespmem:$0xCA80] =	vst v63  }
0x433: {  	s2 =	simm.s32 $0x1  }
0x434: {  	_ =	swait.ge [sflag:s2], $0x400  }
0x435: {  	[sflag:s2] =	ssyncset.done $0x0  }
0x436: {  	s0 =	simm.s32 $0x3;
	[sflag:s2] =	ssyncadd.s32 $0xFFFFFC00  }
0x437: {  	_ =	swait.ge [sflag:s0], $0x4000  }
0x438: {  	[sflag:s0] =	ssyncset.done $0x0  }
0x439: {  	s30 =	simm.s32 $0x2;
	[sflag:s0] =	ssyncadd.s32 $0xFFFFC000  }
0x43a: {  	_ =	swait.ge [sflag:s30], $0x400  }
0x43b: {  	[sflag:s30] =	ssyncset.done $0x0  }
0x43c: {  	s1 =	simm.s32 $0x4;
	[sflag:s30] =	ssyncadd.s32 $0xFFFFFC00  }
0x43d: {  	_ =	swait.ge [sflag:s1], $0x4000  }
0x43e: {  	s4 =	sld [smem:$0x7FB]  }
0x43f: {  	s31 =	sld [smem:$0x7FD];
	_ =	sdelay $0x1  }
0x440: {  	s4 =	sadd.s32 $0x1, s4  }
0x441: {  	p0 =	sne.s32 s4, s31  }
.Ltmp5:
0x442: {  	_ = 	snop;
	(pc) =	sbr.rel @p0 .LBB2_1-.Ltmp5, $3  }
0x443: {  	_ =	sdelay $0x1  }
0x444: {  	[sflag:s1] =	ssyncset.done $0x0  }
0x445: {  	[sflag:s1] =	ssyncadd.s32 $0xFFFFC000  }
0x446: {  	_ =	sfence.sel $0x180000  }
0x447: {  	[bflag:$0x0] =	sbarrier.arrive $0xFFFF  }
0x448: {  	_ =	strace $0x90000047  }
0x449: {  	s0 =	stileid.u32;
	[bflag:$0x2] =	sbarrier.arrive $0xFFFF  }
0x44a: {  	p0 =	sne.s32 s0, $0x0;
	s0 =	rddreg [dreg:$0x2]  }
0x44b: {  	s0 =	sadd.s32 @!p0 $0x100000, s0  }
0x44c: {  	[sflag:s0] =	ssyncadd.tile.s32 @!p0 $0x1;
	_ =	shalt  }
.Lfunc_end2:
_tile_overlayer_lowered:
.L_overlay_start_2:
0x44d: {  	(tag) =	ssettag $0x2  }
0x44e: {  	s0 =	rddreg [dreg:$0x0];
	s2 =	stileid.u32  }
0x44f: {  	s1 =	rddreg [dreg:$0x1];
	p0 =	sne.s32 s2, $0x0  }
0x450: {  	s3 =	rddreg [dreg:$0x2];
	[bflag:$0x3] =	sbarrier.arrive $0xFFFF;
	s2 =	simm.s32 @!p0 $0x1C05  }
0x451: {  	[timem:s3], [sflag:s2] =	dma.local @!p0 [hbm:s0], s1  }
0x452: {  	s0 =	simm.s32 @!p0 $0x5  }
0x453: {  	_ =	swait.ge @!p0 [sflag:s0], s1  }
0x454: {  	s1 =	ssub.s32 @!p0 $0x0, s1;
	[sflag:s0] =	ssyncset.done @!p0 $0x0  }
0x455: {  	[sflag:s0] =	ssyncadd.s32 @!p0 s1  }
0x456: {  	[bflag:$0x3] =	sbarrier.arrive $0xFFFF  }
0x457: {  	_ =	shalt  }

</sc_bundles>
